<compile_context>
chip_gen: v7x
topology: tpu7x:2x2x1
jax: 0.10.2.dev20260603
libtpu: 0.0.44.dev20260713+nightly
codegen_flags: <defaults>
</compile_context>

<pallas_src>
import functools

import jax
import jax.numpy as jnp
from jax import lax
from jax.experimental import pallas as pl
from jax.experimental.pallas import tpu as pltpu
from jax.experimental.pallas import tpu_sc as plsc

N = 10000
D = 128
NC = 2
NS = 16
NW = NC * NS
CHUNK = 128
K = 8
ROWS_PER_TILE = 624
LAST_EXTRA = N - ROWS_PER_TILE * NS
NCNT = 10240


def _zero_vmem_2d(ref, nrows, ncols):
    zs = jnp.zeros((16,), jnp.float32)
    npc = ncols // 16

    def body(t, _):
        for j in range(npc):
            ref[t, pl.ds(j * 16, 16)] = zs
        return 0

    lax.fori_loop(0, nrows, body, 0)


def _make_sc_aggregate(nchunk, ngroup, with_cnt):
    mesh = plsc.VectorSubcoreMesh(core_axis_name="c", subcore_axis_name="s")
    gbase = ngroup // NW
    gextra = ngroup - gbase * NW
    max_g = gbase + (1 if gextra else 0)

    out_type = [jax.ShapeDtypeStruct((NC, N, D), jnp.float32)]
    scratch = [
        pltpu.VMEM_SHARED((N + 8, D), jnp.float32),
        pltpu.VMEM((K, CHUNK), jnp.int32),
        pltpu.VMEM((K, CHUNK), jnp.int32),
        pltpu.VMEM((CHUNK, D), jnp.float32),
        pltpu.VMEM((CHUNK, D), jnp.float32),
        pltpu.SemaphoreType.DMA,
        pltpu.SemaphoreType.DMA,
        pltpu.SemaphoreType.DMA,
        pltpu.SemaphoreType.DMA,
    ]
    if with_cnt:
        out_type.append(jax.ShapeDtypeStruct((NW, NCNT), jnp.float32))
        scratch.append(pltpu.VMEM((NCNT,), jnp.float32))

    @functools.partial(
        pl.kernel, out_type=tuple(out_type), mesh=mesh, scratch_types=scratch,
        compiler_params=pltpu.CompilerParams(needs_layout_passes=False),
    )
    def sc_kernel(x_hbm, src_hbm, dst_hbm, *refs):
        if with_cnt:
            (agg_out, cnt_out, agg_sh, src_v, dst_v, rows_a, rows_b,
             gsem_a, gsem_b, ssem_a, ssem_b, cnt_v) = refs
        else:
            (agg_out, agg_sh, src_v, dst_v, rows_a, rows_b,
             gsem_a, gsem_b, ssem_a, ssem_b) = refs
        rows = (rows_a, rows_b)
        gsem = (gsem_a, gsem_b)
        ssem = (ssem_a, ssem_b)
        rows_v = rows_a

        c = lax.axis_index("c")
        s = lax.axis_index("s")
        wid = s * NC + c
        gstart = wid * gbase + jnp.minimum(wid, gextra)
        ng = gbase + jnp.where(wid < gextra, 1, 0)

        _zero_vmem_2d(rows_v, CHUNK, D)
        rbase = s * ROWS_PER_TILE
        for i in range(ROWS_PER_TILE // CHUNK):
            pltpu.sync_copy(rows_v, agg_sh.at[pl.ds(rbase + i * CHUNK, CHUNK)])
        rem = ROWS_PER_TILE % CHUNK
        if rem:
            pltpu.sync_copy(
                rows_v.at[pl.ds(0, rem)],
                agg_sh.at[pl.ds(rbase + ROWS_PER_TILE - rem, rem)],
            )

        @pl.when(s == NS - 1)
        def _():
            pltpu.sync_copy(
                rows_v.at[pl.ds(0, LAST_EXTRA)],
                agg_sh.at[pl.ds(ROWS_PER_TILE * NS, LAST_EXTRA)],
            )

        if with_cnt:
            zs = jnp.zeros((16,), jnp.float32)

            def zcnt(t, _):
                cnt_v[pl.ds(t * 16, 16)] = zs
                return 0

            lax.fori_loop(0, NCNT // 16, zcnt, 0)
        plsc.subcore_barrier()

        if with_cnt:
            ones16 = jnp.ones((16,), jnp.float32)

        def group(g, _):
            @pl.when(g < ng)
            def _():
                gi = gstart + g
                pltpu.sync_copy(src_hbm.at[gi], src_v)
                pltpu.sync_copy(dst_hbm.at[gi], dst_v)
                gd = {}
                sd = {}
                for j in range(min(2, K)):
                    gd[j] = pltpu.async_copy(
                        x_hbm.at[src_v.at[j]], rows[j % 2], gsem[j % 2]
                    )
                for j in range(K):
                    b = j % 2
                    gd[j].wait()
                    sd[j] = pltpu.async_copy(
                        rows[b], agg_sh.at[dst_v.at[j]], ssem[b], add=True
                    )
                    if with_cnt:
                        def cnt_body(t, _, j=j):
                            idx16 = dst_v[j, pl.ds(t * 16, 16)]
                            plsc.addupdate_scatter(cnt_v, [idx16], ones16)
                            return 0

                        lax.fori_loop(0, CHUNK // 16, cnt_body, 0)
                    if j + 2 < K:
                        sd[j].wait()
                        gd[j + 2] = pltpu.async_copy(
                            x_hbm.at[src_v.at[j + 2]], rows[b], gsem[b]
                        )
                for j in range(max(0, K - 2), K):
                    sd[j].wait()
            return 0

        lax.fori_loop(0, max_g, group, 0)
        plsc.subcore_barrier()

        pltpu.sync_copy(
            agg_sh.at[pl.ds(rbase, ROWS_PER_TILE)],
            agg_out.at[c, pl.ds(rbase, ROWS_PER_TILE)],
        )

        @pl.when(s == NS - 1)
        def _():
            pltpu.sync_copy(
                agg_sh.at[pl.ds(ROWS_PER_TILE * NS, LAST_EXTRA)],
                agg_out.at[c, pl.ds(ROWS_PER_TILE * NS, LAST_EXTRA)],
            )

        if with_cnt:
            pltpu.sync_copy(cnt_v, cnt_out.at[wid])

    return sc_kernel


def _tc_layer_body(agg_ref, cnt_ref, x_ref, wlT_ref, bl_ref, wrT_ref, out_ref,
                   *, leaky, residual, br):
    agg = agg_ref[0] + agg_ref[1]
    cnt_row = jnp.sum(cnt_ref[...], axis=0, keepdims=True)
    iota_s = lax.broadcasted_iota(jnp.int32, (br, br), 0)
    iota_l = lax.broadcasted_iota(jnp.int32, (br, br), 1)
    cnt_b = jnp.broadcast_to(cnt_row, (br, br))
    cnt_col = jnp.sum(
        jnp.where(iota_s == iota_l, cnt_b, 0.0), axis=1, keepdims=True
    )
    mean = agg / jnp.maximum(cnt_col, 1.0)
    x = x_ref[...]
    out = (
        jnp.dot(mean, wlT_ref[...], preferred_element_type=jnp.float32)
        + bl_ref[...]
        + jnp.dot(x, wrT_ref[...], preferred_element_type=jnp.float32)
    )
    nrm = jnp.maximum(
        jnp.sqrt(jnp.sum(out * out, axis=-1, keepdims=True)), 1e-12
    )
    out = out / nrm
    if leaky:
        out = jnp.where(out >= 0, out, 0.01 * out)
    if residual:
        out = out + x
    out_ref[...] = out


def _tc_layer(agg, cnt, x, wlT, bl, wrT, *, leaky, residual, interpret=False):
    BR = 1024
    grid = ((N + BR - 1) // BR,)
    return pl.pallas_call(
        functools.partial(_tc_layer_body, leaky=leaky, residual=residual,
                          br=BR),
        grid=grid,
        in_specs=[
            pl.BlockSpec((NC, BR, D), lambda i: (0, i, 0)),
            pl.BlockSpec((NW, BR), lambda i: (0, i)),
            pl.BlockSpec((BR, D), lambda i: (i, 0)),
            pl.BlockSpec((D, D), lambda i: (0, 0)),
            pl.BlockSpec((1, D), lambda i: (0, 0)),
            pl.BlockSpec((D, D), lambda i: (0, 0)),
        ],
        out_specs=pl.BlockSpec((BR, D), lambda i: (i, 0)),
        out_shape=jax.ShapeDtypeStruct((N, D), jnp.float32),
        interpret=interpret,
    )(agg, cnt, x, wlT, bl, wrT)


@jax.jit
def kernel(x, edge_index, Wl1, bl1, Wr1, Wl2, bl2, Wr2):
    E = edge_index.shape[1]
    assert E % CHUNK == 0
    nchunk = E // CHUNK
    ngroup = (nchunk + K - 1) // K
    npad = ngroup * K
    src3d = jnp.zeros((npad, CHUNK), jnp.int32).at[:nchunk].set(
        edge_index[0].reshape(nchunk, CHUNK)).reshape(ngroup, K, CHUNK)
    dst3d = jnp.full((npad, CHUNK), N, jnp.int32).at[:nchunk].set(
        edge_index[1].reshape(nchunk, CHUNK)).reshape(ngroup, K, CHUNK)

    agg1, cnt = _make_sc_aggregate(nchunk, ngroup, True)(x, src3d, dst3d)
    h1 = _tc_layer(agg1, cnt, x, Wl1.T, bl1.reshape(1, D), Wr1.T,
                   leaky=True, residual=False)
    (agg2,) = _make_sc_aggregate(nchunk, ngroup, False)(h1, src3d, dst3d)
    out = _tc_layer(agg2, cnt, h1, Wl2.T, bl2.reshape(1, D), Wr2.T,
                    leaky=False, residual=True)
    return out

# --- scband reference (transcript-rebuilt; emitter-appended) ---
"""Pipeline reference for scband-gnn-2894807958000 (READ-ONLY COPY).

The authoritative reference and input builder live on the scoring server;
editing this copy changes nothing except your own understanding.
"""

import jax, jax.numpy as jnp
import numpy as np

N = 10000
E = 320000
D = 128


def setup_inputs(seed: int = 0) -> dict:
    key = jax.random.key(seed)
    ks = jax.random.split(key, 9)
    x = jax.random.normal(ks[0], (N, D), dtype=jnp.float32)
    edge_index = jax.random.randint(ks[1], (2, E), 0, N, dtype=jnp.int32)
    s = 1.0 / np.sqrt(D)
    Wl1 = jax.random.uniform(ks[2], (D, D), jnp.float32, -s, s)
    bl1 = jax.random.uniform(ks[3], (D,), jnp.float32, -s, s)
    Wr1 = jax.random.uniform(ks[4], (D, D), jnp.float32, -s, s)
    Wl2 = jax.random.uniform(ks[5], (D, D), jnp.float32, -s, s)
    bl2 = jax.random.uniform(ks[6], (D,), jnp.float32, -s, s)
    Wr2 = jax.random.uniform(ks[7], (D, D), jnp.float32, -s, s)
    return {"x": x, "edge_index": edge_index, "Wl1": Wl1, "bl1": bl1, "Wr1": Wr1,
            "Wl2": Wl2, "bl2": bl2, "Wr2": Wr2}


def _sage_conv(x, edge_index, Wl, bl, Wr):
    # PyG SAGEConv(aggr='mean', root_weight=True, normalize=True)
    src = edge_index[0]
    dst = edge_index[1]
    msg = jnp.take(x, src, axis=0)                       # gather x_j
    agg = jax.ops.segment_sum(msg, dst, num_segments=N)  # scatter-add at dst
    cnt = jax.ops.segment_sum(jnp.ones((edge_index.shape[1],), x.dtype), dst, num_segments=N)
    mean = agg / jnp.clip(cnt, 1.0)[:, None]             # mean aggregation
    out = mean @ Wl.T + bl + x @ Wr.T                    # lin_l(agg) + lin_r(x_i)
    nrm = jnp.maximum(jnp.linalg.norm(out, axis=-1, keepdims=True), 1e-12)
    return out / nrm                                     # F.normalize(out, p=2, dim=-1)


def reference(x, edge_index, Wl1, bl1, Wr1, Wl2, bl2, Wr2):
    h1 = jax.nn.leaky_relu(_sage_conv(x, edge_index, Wl1, bl1, Wr1), negative_slope=0.01)
    h2 = _sage_conv(h1, edge_index, Wl2, bl2, Wr2)
    return h1 + h2

if __name__ == "__main__":
    import jax
    _d = setup_inputs()
    print(jax.jit(kernel)(*tuple(_d.values())))

</pallas_src>

<mosaic_0001>
#map = affine_map<(d0, d1) -> (0, 0)>
#map1 = affine_map<(d0, d1) -> (0, 0, 0)>
module attributes {stable_mosaic.version = 14 : i64} {
  func.func @sc_kernel(%arg0: i32, %arg1: i32, %arg2: memref<10000x128xf32, #tpu.memory_space<hbm>>, %arg3: memref<313x8x128xi32, #tpu.memory_space<hbm>>, %arg4: memref<313x8x128xi32, #tpu.memory_space<hbm>>, %arg5: memref<2x10000x128xf32, #tpu.memory_space<hbm>>, %arg6: memref<32x10240xf32, #tpu.memory_space<hbm>>, %arg7: memref<10008x128xf32, #tpu.memory_space<vmem_shared>>, %arg8: memref<8x128xi32, #tpu.memory_space<vmem>>, %arg9: memref<8x128xi32, #tpu.memory_space<vmem>>, %arg10: memref<128x128xf32, #tpu.memory_space<vmem>>, %arg11: memref<128x128xf32, #tpu.memory_space<vmem>>, %arg12: memref<!tpu.dma_semaphore, #tpu.memory_space<semaphore_mem>>, %arg13: memref<!tpu.dma_semaphore, #tpu.memory_space<semaphore_mem>>, %arg14: memref<!tpu.dma_semaphore, #tpu.memory_space<semaphore_mem>>, %arg15: memref<!tpu.dma_semaphore, #tpu.memory_space<semaphore_mem>>, %arg16: memref<10240xf32, #tpu.memory_space<vmem>>) attributes {dimension_semantics = [#tpu.dimension_semantics<core_parallel>, #tpu.dimension_semantics<subcore_parallel>], iteration_bounds = array<i64: 2, 16>, scalar_prefetch = 0 : i64, scratch_operands = 10 : i64, tpu.core_type = #tpu.core_type<sc_vector_subcore>, window_params = [{transform_indices = #map}, {transform_indices = #map1}, {transform_indices = #map1}, {transform_indices = #map1}, {transform_indices = #map}]} {
    %mul3A = arith.constant 2 : i32
    %mul3A_0 = arith.muli %arg1, %mul3A : i32
    %add3A = arith.addi %mul3A_0, %arg0 : i32
    %mul3A_1 = arith.constant 9 : i32
    %mul3A_2 = arith.muli %add3A, %mul3A_1 : i32
    %min3A = arith.constant 25 : i32
    %min3A_3 = arith.minsi %add3A, %min3A : i32
    %add3A_4 = arith.addi %mul3A_2, %min3A_3 : i32
    %lt3A = arith.constant 25 : i32
    %lt3A_5 = arith.cmpi slt, %add3A, %lt3A : i32
    %jit3A = arith.constant 1 : i32
    %jit3A_6 = arith.constant 0 : i32
    %select_n3A = arith.select %lt3A_5, %jit3A, %jit3A_6 : i32
    %add3A_7 = arith.constant 9 : i32
    %add3A_8 = arith.addi %add3A_7, %select_n3A : i32
    %broadcast_in_dim3A = arith.constant 0.000000e+00 : f32
    %broadcast_in_dim3A_9 = vector.broadcast %broadcast_in_dim3A : f32 to vector<16xf32>
    %scan3A = arith.constant 0 : i32
    %scan3A_10 = arith.constant 0 : i32
    %scan3A_11 = arith.constant 128 : i32
    %scan3A_12 = arith.addi %scan3A_10, %scan3A_11 : i32
    %scan3A_13 = arith.constant 1 : i32
    %scan3A_14 = scf.for %scan3A_55 = %scan3A_10 to %scan3A_12 step %scan3A_13 iter_args(%scan3A_56 = %scan3A) -> (i32)  : i32 {
      %swap3A = arith.index_cast %scan3A_55 : i32 to index
      %swap3A_57 = arith.constant 0 : index
      %swap3A_58 = tpu.vector_load %arg10[%swap3A, %swap3A_57] {strides = array<i32>} : memref<128x128xf32, #tpu.memory_space<vmem>>, vector<16xf32>,
      tpu.vector_store %arg10[%swap3A, %swap3A_57], %broadcast_in_dim3A_9 {strides = array<i32>} : memref<128x128xf32, #tpu.memory_space<vmem>>, vector<16xf32>,
      %swap3A_59 = arith.index_cast %scan3A_55 : i32 to index
      %swap3A_60 = arith.constant 16 : index
      %swap3A_61 = tpu.vector_load %arg10[%swap3A_59, %swap3A_60] {strides = array<i32>} : memref<128x128xf32, #tpu.memory_space<vmem>>, vector<16xf32>,
      tpu.vector_store %arg10[%swap3A_59, %swap3A_60], %broadcast_in_dim3A_9 {strides = array<i32>} : memref<128x128xf32, #tpu.memory_space<vmem>>, vector<16xf32>,
      %swap3A_62 = arith.index_cast %scan3A_55 : i32 to index
      %swap3A_63 = arith.constant 32 : index
      %swap3A_64 = tpu.vector_load %arg10[%swap3A_62, %swap3A_63] {strides = array<i32>} : memref<128x128xf32, #tpu.memory_space<vmem>>, vector<16xf32>,
      tpu.vector_store %arg10[%swap3A_62, %swap3A_63], %broadcast_in_dim3A_9 {strides = array<i32>} : memref<128x128xf32, #tpu.memory_space<vmem>>, vector<16xf32>,
      %swap3A_65 = arith.index_cast %scan3A_55 : i32 to index
      %swap3A_66 = arith.constant 48 : index
      %swap3A_67 = tpu.vector_load %arg10[%swap3A_65, %swap3A_66] {strides = array<i32>} : memref<128x128xf32, #tpu.memory_space<vmem>>, vector<16xf32>,
      tpu.vector_store %arg10[%swap3A_65, %swap3A_66], %broadcast_in_dim3A_9 {strides = array<i32>} : memref<128x128xf32, #tpu.memory_space<vmem>>, vector<16xf32>,
      %swap3A_68 = arith.index_cast %scan3A_55 : i32 to index
      %swap3A_69 = arith.constant 64 : index
      %swap3A_70 = tpu.vector_load %arg10[%swap3A_68, %swap3A_69] {strides = array<i32>} : memref<128x128xf32, #tpu.memory_space<vmem>>, vector<16xf32>,
      tpu.vector_store %arg10[%swap3A_68, %swap3A_69], %broadcast_in_dim3A_9 {strides = array<i32>} : memref<128x128xf32, #tpu.memory_space<vmem>>, vector<16xf32>,
      %swap3A_71 = arith.index_cast %scan3A_55 : i32 to index
      %swap3A_72 = arith.constant 80 : index
      %swap3A_73 = tpu.vector_load %arg10[%swap3A_71, %swap3A_72] {strides = array<i32>} : memref<128x128xf32, #tpu.memory_space<vmem>>, vector<16xf32>,
      tpu.vector_store %arg10[%swap3A_71, %swap3A_72], %broadcast_in_dim3A_9 {strides = array<i32>} : memref<128x128xf32, #tpu.memory_space<vmem>>, vector<16xf32>,
      %swap3A_74 = arith.index_cast %scan3A_55 : i32 to index
      %swap3A_75 = arith.constant 96 : index
      %swap3A_76 = tpu.vector_load %arg10[%swap3A_74, %swap3A_75] {strides = array<i32>} : memref<128x128xf32, #tpu.memory_space<vmem>>, vector<16xf32>,
      tpu.vector_store %arg10[%swap3A_74, %swap3A_75], %broadcast_in_dim3A_9 {strides = array<i32>} : memref<128x128xf32, #tpu.memory_space<vmem>>, vector<16xf32>,
      %swap3A_77 = arith.index_cast %scan3A_55 : i32 to index
      %swap3A_78 = arith.constant 112 : index
      %swap3A_79 = tpu.vector_load %arg10[%swap3A_77, %swap3A_78] {strides = array<i32>} : memref<128x128xf32, #tpu.memory_space<vmem>>, vector<16xf32>,
      tpu.vector_store %arg10[%swap3A_77, %swap3A_78], %broadcast_in_dim3A_9 {strides = array<i32>} : memref<128x128xf32, #tpu.memory_space<vmem>>, vector<16xf32>,
      %scan3A_80 = arith.constant 0 : i32
      scf.yield %scan3A_80 : i32
    }
    %scan3A_15 = arith.constant 128 : i32
    %mul3A_16 = arith.constant 624 : i32
    %mul3A_17 = arith.muli %arg1, %mul3A_16 : i32
    %add3A_18 = arith.constant 0 : i32
    %add3A_19 = arith.addi %mul3A_17, %add3A_18 : i32
    "tpu.region"() ({
      %run_scoped3A = tpu.sem_alloc : memref<!tpu.dma_semaphore, #tpu.memory_space<semaphore_mem>>
      %dma_start3A = arith.constant 0 : i32
      %dma_start3A_55 = tpu.memref_slice %arg7[%add3A_19, %dma_start3A] : memref<10008x128xf32, #tpu.memory_space<vmem_shared>> -> memref<128x128xf32, #tpu.memory_space<vmem_shared>>
      %dma_start3A_56 = arith.constant 0 : i32
      %dma_start3A_57 = tpu.memref_slice %arg7[%add3A_19, %dma_start3A_56] : memref<10008x128xf32, #tpu.memory_space<vmem_shared>> -> memref<128x128xf32, #tpu.memory_space<vmem_shared>>
      tpu.enqueue_dma source(%arg10 : memref<128x128xf32, #tpu.memory_space<vmem>>) target(%dma_start3A_57 : memref<128x128xf32, #tpu.memory_space<vmem_shared>>) target_semaphore(%run_scoped3A : memref<!tpu.dma_semaphore, #tpu.memory_space<semaphore_mem>>)
      %dma_wait3A = arith.constant 0 : i32
      %dma_wait3A_58 = tpu.memref_slice %arg7[%add3A_19, %dma_wait3A] : memref<10008x128xf32, #tpu.memory_space<vmem_shared>> -> memref<128x128xf32, #tpu.memory_space<vmem_shared>>
      %dma_wait3A_59 = arith.constant 0 : i32
      %dma_wait3A_60 = tpu.memref_slice %arg7[%add3A_19, %dma_wait3A_59] : memref<10008x128xf32, #tpu.memory_space<vmem_shared>> -> memref<128x128xf32, #tpu.memory_space<vmem_shared>>
      tpu.wait_dma2 semaphore(%run_scoped3A : memref<!tpu.dma_semaphore, #tpu.memory_space<semaphore_mem>>) src(%arg10 : memref<128x128xf32, #tpu.memory_space<vmem>>) dst(%dma_wait3A_60 : memref<128x128xf32, #tpu.memory_space<vmem_shared>>)
      tpu.yield
    }) : () -> ()
    %add3A_20 = arith.constant 128 : i32
    %add3A_21 = arith.addi %mul3A_17, %add3A_20 : i32
    "tpu.region"() ({
      %run_scoped3A = tpu.sem_alloc : memref<!tpu.dma_semaphore, #tpu.memory_space<semaphore_mem>>
      %dma_start3A = arith.constant 0 : i32
      %dma_start3A_55 = tpu.memref_slice %arg7[%add3A_21, %dma_start3A] : memref<10008x128xf32, #tpu.memory_space<vmem_shared>> -> memref<128x128xf32, #tpu.memory_space<vmem_shared>>
      %dma_start3A_56 = arith.constant 0 : i32
      %dma_start3A_57 = tpu.memref_slice %arg7[%add3A_21, %dma_start3A_56] : memref<10008x128xf32, #tpu.memory_space<vmem_shared>> -> memref<128x128xf32, #tpu.memory_space<vmem_shared>>
      tpu.enqueue_dma source(%arg10 : memref<128x128xf32, #tpu.memory_space<vmem>>) target(%dma_start3A_57 : memref<128x128xf32, #tpu.memory_space<vmem_shared>>) target_semaphore(%run_scoped3A : memref<!tpu.dma_semaphore, #tpu.memory_space<semaphore_mem>>)
      %dma_wait3A = arith.constant 0 : i32
      %dma_wait3A_58 = tpu.memref_slice %arg7[%add3A_21, %dma_wait3A] : memref<10008x128xf32, #tpu.memory_space<vmem_shared>> -> memref<128x128xf32, #tpu.memory_space<vmem_shared>>
      %dma_wait3A_59 = arith.constant 0 : i32
      %dma_wait3A_60 = tpu.memref_slice %arg7[%add3A_21, %dma_wait3A_59] : memref<10008x128xf32, #tpu.memory_space<vmem_shared>> -> memref<128x128xf32, #tpu.memory_space<vmem_shared>>
      tpu.wait_dma2 semaphore(%run_scoped3A : memref<!tpu.dma_semaphore, #tpu.memory_space<semaphore_mem>>) src(%arg10 : memref<128x128xf32, #tpu.memory_space<vmem>>) dst(%dma_wait3A_60 : memref<128x128xf32, #tpu.memory_space<vmem_shared>>)
      tpu.yield
    }) : () -> ()
    %add3A_22 = arith.constant 256 : i32
    %add3A_23 = arith.addi %mul3A_17, %add3A_22 : i32
    "tpu.region"() ({
      %run_scoped3A = tpu.sem_alloc : memref<!tpu.dma_semaphore, #tpu.memory_space<semaphore_mem>>
      %dma_start3A = arith.constant 0 : i32
      %dma_start3A_55 = tpu.memref_slice %arg7[%add3A_23, %dma_start3A] : memref<10008x128xf32, #tpu.memory_space<vmem_shared>> -> memref<128x128xf32, #tpu.memory_space<vmem_shared>>
      %dma_start3A_56 = arith.constant 0 : i32
      %dma_start3A_57 = tpu.memref_slice %arg7[%add3A_23, %dma_start3A_56] : memref<10008x128xf32, #tpu.memory_space<vmem_shared>> -> memref<128x128xf32, #tpu.memory_space<vmem_shared>>
      tpu.enqueue_dma source(%arg10 : memref<128x128xf32, #tpu.memory_space<vmem>>) target(%dma_start3A_57 : memref<128x128xf32, #tpu.memory_space<vmem_shared>>) target_semaphore(%run_scoped3A : memref<!tpu.dma_semaphore, #tpu.memory_space<semaphore_mem>>)
      %dma_wait3A = arith.constant 0 : i32
      %dma_wait3A_58 = tpu.memref_slice %arg7[%add3A_23, %dma_wait3A] : memref<10008x128xf32, #tpu.memory_space<vmem_shared>> -> memref<128x128xf32, #tpu.memory_space<vmem_shared>>
      %dma_wait3A_59 = arith.constant 0 : i32
      %dma_wait3A_60 = tpu.memref_slice %arg7[%add3A_23, %dma_wait3A_59] : memref<10008x128xf32, #tpu.memory_space<vmem_shared>> -> memref<128x128xf32, #tpu.memory_space<vmem_shared>>
      tpu.wait_dma2 semaphore(%run_scoped3A : memref<!tpu.dma_semaphore, #tpu.memory_space<semaphore_mem>>) src(%arg10 : memref<128x128xf32, #tpu.memory_space<vmem>>) dst(%dma_wait3A_60 : memref<128x128xf32, #tpu.memory_space<vmem_shared>>)
      tpu.yield
    }) : () -> ()
    %add3A_24 = arith.constant 384 : i32
    %add3A_25 = arith.addi %mul3A_17, %add3A_24 : i32
    "tpu.region"() ({
      %run_scoped3A = tpu.sem_alloc : memref<!tpu.dma_semaphore, #tpu.memory_space<semaphore_mem>>
      %dma_start3A = arith.constant 0 : i32
      %dma_start3A_55 = tpu.memref_slice %arg7[%add3A_25, %dma_start3A] : memref<10008x128xf32, #tpu.memory_space<vmem_shared>> -> memref<128x128xf32, #tpu.memory_space<vmem_shared>>
      %dma_start3A_56 = arith.constant 0 : i32
      %dma_start3A_57 = tpu.memref_slice %arg7[%add3A_25, %dma_start3A_56] : memref<10008x128xf32, #tpu.memory_space<vmem_shared>> -> memref<128x128xf32, #tpu.memory_space<vmem_shared>>
      tpu.enqueue_dma source(%arg10 : memref<128x128xf32, #tpu.memory_space<vmem>>) target(%dma_start3A_57 : memref<128x128xf32, #tpu.memory_space<vmem_shared>>) target_semaphore(%run_scoped3A : memref<!tpu.dma_semaphore, #tpu.memory_space<semaphore_mem>>)
      %dma_wait3A = arith.constant 0 : i32
      %dma_wait3A_58 = tpu.memref_slice %arg7[%add3A_25, %dma_wait3A] : memref<10008x128xf32, #tpu.memory_space<vmem_shared>> -> memref<128x128xf32, #tpu.memory_space<vmem_shared>>
      %dma_wait3A_59 = arith.constant 0 : i32
      %dma_wait3A_60 = tpu.memref_slice %arg7[%add3A_25, %dma_wait3A_59] : memref<10008x128xf32, #tpu.memory_space<vmem_shared>> -> memref<128x128xf32, #tpu.memory_space<vmem_shared>>
      tpu.wait_dma2 semaphore(%run_scoped3A : memref<!tpu.dma_semaphore, #tpu.memory_space<semaphore_mem>>) src(%arg10 : memref<128x128xf32, #tpu.memory_space<vmem>>) dst(%dma_wait3A_60 : memref<128x128xf32, #tpu.memory_space<vmem_shared>>)
      tpu.yield
    }) : () -> ()
    %add3A_26 = arith.constant 624 : i32
    %add3A_27 = arith.addi %mul3A_17, %add3A_26 : i32
    %sub3A = arith.constant 112 : i32
    %sub3A_28 = arith.subi %add3A_27, %sub3A : i32
    "tpu.region"() ({
      %run_scoped3A = tpu.sem_alloc : memref<!tpu.dma_semaphore, #tpu.memory_space<semaphore_mem>>
      %dma_start3A = arith.constant 0 : i32
      %dma_start3A_55 = arith.constant 0 : i32
      %dma_start3A_56 = tpu.memref_slice %arg10[%dma_start3A, %dma_start3A_55] : memref<128x128xf32, #tpu.memory_space<vmem>> -> memref<112x128xf32, #tpu.memory_space<vmem>>
      %dma_start3A_57 = arith.constant 0 : i32
      %dma_start3A_58 = tpu.memref_slice %arg7[%sub3A_28, %dma_start3A_57] : memref<10008x128xf32, #tpu.memory_space<vmem_shared>> -> memref<112x128xf32, #tpu.memory_space<vmem_shared>>
      %dma_start3A_59 = arith.constant 0 : i32
      %dma_start3A_60 = tpu.memref_slice %arg7[%sub3A_28, %dma_start3A_59] : memref<10008x128xf32, #tpu.memory_space<vmem_shared>> -> memref<112x128xf32, #tpu.memory_space<vmem_shared>>
      %dma_start3A_61 = arith.constant 0 : i32
      %dma_start3A_62 = arith.constant 0 : i32
      %dma_start3A_63 = tpu.memref_slice %arg10[%dma_start3A_61, %dma_start3A_62] : memref<128x128xf32, #tpu.memory_space<vmem>> -> memref<112x128xf32, #tpu.memory_space<vmem>>
      tpu.enqueue_dma source(%dma_start3A_63 : memref<112x128xf32, #tpu.memory_space<vmem>>) target(%dma_start3A_60 : memref<112x128xf32, #tpu.memory_space<vmem_shared>>) target_semaphore(%run_scoped3A : memref<!tpu.dma_semaphore, #tpu.memory_space<semaphore_mem>>)
      %dma_wait3A = arith.constant 0 : i32
      %dma_wait3A_64 = arith.constant 0 : i32
      %dma_wait3A_65 = tpu.memref_slice %arg10[%dma_wait3A, %dma_wait3A_64] : memref<128x128xf32, #tpu.memory_space<vmem>> -> memref<112x128xf32, #tpu.memory_space<vmem>>
      %dma_wait3A_66 = arith.constant 0 : i32
      %dma_wait3A_67 = tpu.memref_slice %arg7[%sub3A_28, %dma_wait3A_66] : memref<10008x128xf32, #tpu.memory_space<vmem_shared>> -> memref<112x128xf32, #tpu.memory_space<vmem_shared>>
      %dma_wait3A_68 = arith.constant 0 : i32
      %dma_wait3A_69 = tpu.memref_slice %arg7[%sub3A_28, %dma_wait3A_68] : memref<10008x128xf32, #tpu.memory_space<vmem_shared>> -> memref<112x128xf32, #tpu.memory_space<vmem_shared>>
      %dma_wait3A_70 = arith.constant 0 : i32
      %dma_wait3A_71 = arith.constant 0 : i32
      %dma_wait3A_72 = tpu.memref_slice %arg10[%dma_wait3A_70, %dma_wait3A_71] : memref<128x128xf32, #tpu.memory_space<vmem>> -> memref<112x128xf32, #tpu.memory_space<vmem>>
      tpu.wait_dma2 semaphore(%run_scoped3A : memref<!tpu.dma_semaphore, #tpu.memory_space<semaphore_mem>>) src(%dma_wait3A_72 : memref<112x128xf32, #tpu.memory_space<vmem>>) dst(%dma_wait3A_69 : memref<112x128xf32, #tpu.memory_space<vmem_shared>>)
      tpu.yield
    }) : () -> ()
    %eq3A = arith.constant 15 : i32
    %eq3A_29 = arith.cmpi eq, %arg1, %eq3A : i32
    %convert_element_type3A = arith.extui %eq3A_29 : i1 to i32
    %cond3A = arith.constant 0 : i32
    %cond3A_30 = arith.cmpi ne, %convert_element_type3A, %cond3A : i32
    scf.if %cond3A_30 {
      "tpu.region"() ({
        %run_scoped3A = tpu.sem_alloc : memref<!tpu.dma_semaphore, #tpu.memory_space<semaphore_mem>>
        %dma_start3A = arith.constant 0 : i32
        %dma_start3A_55 = arith.constant 0 : i32
        %dma_start3A_56 = tpu.memref_slice %arg10[%dma_start3A, %dma_start3A_55] : memref<128x128xf32, #tpu.memory_space<vmem>> -> memref<16x128xf32, #tpu.memory_space<vmem>>
        %dma_start3A_57 = arith.constant 9984 : i32
        %dma_start3A_58 = arith.constant 0 : i32
        %dma_start3A_59 = tpu.memref_slice %arg7[%dma_start3A_57, %dma_start3A_58] : memref<10008x128xf32, #tpu.memory_space<vmem_shared>> -> memref<16x128xf32, #tpu.memory_space<vmem_shared>>
        %dma_start3A_60 = arith.constant 9984 : i32
        %dma_start3A_61 = arith.constant 0 : i32
        %dma_start3A_62 = tpu.memref_slice %arg7[%dma_start3A_60, %dma_start3A_61] : memref<10008x128xf32, #tpu.memory_space<vmem_shared>> -> memref<16x128xf32, #tpu.memory_space<vmem_shared>>
        %dma_start3A_63 = arith.constant 0 : i32
        %dma_start3A_64 = arith.constant 0 : i32
        %dma_start3A_65 = tpu.memref_slice %arg10[%dma_start3A_63, %dma_start3A_64] : memref<128x128xf32, #tpu.memory_space<vmem>> -> memref<16x128xf32, #tpu.memory_space<vmem>>
        tpu.enqueue_dma source(%dma_start3A_65 : memref<16x128xf32, #tpu.memory_space<vmem>>) target(%dma_start3A_62 : memref<16x128xf32, #tpu.memory_space<vmem_shared>>) target_semaphore(%run_scoped3A : memref<!tpu.dma_semaphore, #tpu.memory_space<semaphore_mem>>)
        %dma_wait3A = arith.constant 0 : i32
        %dma_wait3A_66 = arith.constant 0 : i32
        %dma_wait3A_67 = tpu.memref_slice %arg10[%dma_wait3A, %dma_wait3A_66] : memref<128x128xf32, #tpu.memory_space<vmem>> -> memref<16x128xf32, #tpu.memory_space<vmem>>
        %dma_wait3A_68 = arith.constant 9984 : i32
        %dma_wait3A_69 = arith.constant 0 : i32
        %dma_wait3A_70 = tpu.memref_slice %arg7[%dma_wait3A_68, %dma_wait3A_69] : memref<10008x128xf32, #tpu.memory_space<vmem_shared>> -> memref<16x128xf32, #tpu.memory_space<vmem_shared>>
        %dma_wait3A_71 = arith.constant 9984 : i32
        %dma_wait3A_72 = arith.constant 0 : i32
        %dma_wait3A_73 = tpu.memref_slice %arg7[%dma_wait3A_71, %dma_wait3A_72] : memref<10008x128xf32, #tpu.memory_space<vmem_shared>> -> memref<16x128xf32, #tpu.memory_space<vmem_shared>>
        %dma_wait3A_74 = arith.constant 0 : i32
        %dma_wait3A_75 = arith.constant 0 : i32
        %dma_wait3A_76 = tpu.memref_slice %arg10[%dma_wait3A_74, %dma_wait3A_75] : memref<128x128xf32, #tpu.memory_space<vmem>> -> memref<16x128xf32, #tpu.memory_space<vmem>>
        tpu.wait_dma2 semaphore(%run_scoped3A : memref<!tpu.dma_semaphore, #tpu.memory_space<semaphore_mem>>) src(%dma_wait3A_76 : memref<16x128xf32, #tpu.memory_space<vmem>>) dst(%dma_wait3A_73 : memref<16x128xf32, #tpu.memory_space<vmem_shared>>)
        tpu.yield
      }) : () -> ()
    } else {
    }
    %broadcast_in_dim3A_31 = arith.constant 0.000000e+00 : f32
    %broadcast_in_dim3A_32 = vector.broadcast %broadcast_in_dim3A_31 : f32 to vector<16xf32>
    %scan3A_33 = arith.constant 0 : i32
    %scan3A_34 = arith.constant 0 : i32
    %scan3A_35 = arith.constant 640 : i32
    %scan3A_36 = arith.addi %scan3A_34, %scan3A_35 : i32
    %scan3A_37 = arith.constant 1 : i32
    %scan3A_38 = scf.for %scan3A_55 = %scan3A_34 to %scan3A_36 step %scan3A_37 iter_args(%scan3A_56 = %scan3A_33) -> (i32)  : i32 {
      %mul3A_57 = arith.constant 16 : i32
      %mul3A_58 = arith.muli %scan3A_55, %mul3A_57 : i32
      %swap3A = arith.index_cast %mul3A_58 : i32 to index
      %swap3A_59 = tpu.vector_load %arg16[%swap3A] {strides = array<i32>} : memref<10240xf32, #tpu.memory_space<vmem>>, vector<16xf32>,
      tpu.vector_store %arg16[%swap3A], %broadcast_in_dim3A_32 {strides = array<i32>} : memref<10240xf32, #tpu.memory_space<vmem>>, vector<16xf32>,
      %scan3A_60 = arith.constant 0 : i32
      scf.yield %scan3A_60 : i32
    }
    %scan3A_39 = arith.constant 640 : i32
    %barrier3A = arith.constant 0 : index
    tpu.barrier barrier_id(%barrier3A)
    %broadcast_in_dim3A_40 = arith.constant 1.000000e+00 : f32
    %broadcast_in_dim3A_41 = vector.broadcast %broadcast_in_dim3A_40 : f32 to vector<16xf32>
    %scan3A_42 = arith.constant 0 : i32
    %scan3A_43 = arith.constant 0 : i32
    %scan3A_44 = arith.constant 10 : i32
    %scan3A_45 = arith.addi %scan3A_43, %scan3A_44 : i32
    %scan3A_46 = arith.constant 1 : i32
    %scan3A_47 = scf.for %scan3A_55 = %scan3A_43 to %scan3A_45 step %scan3A_46 iter_args(%scan3A_56 = %scan3A_42) -> (i32)  : i32 {
      %lt3A_57 = arith.cmpi slt, %scan3A_55, %add3A_8 : i32
      %convert_element_type3A_58 = arith.extui %lt3A_57 : i1 to i32
      %cond3A_59 = arith.constant 0 : i32
      %cond3A_60 = arith.cmpi ne, %convert_element_type3A_58, %cond3A_59 : i32
      scf.if %cond3A_60 {
        %add3A_62 = arith.addi %add3A_4, %scan3A_55 : i32
        "tpu.region"() ({
          %run_scoped3A = tpu.sem_alloc : memref<!tpu.dma_semaphore, #tpu.memory_space<semaphore_mem>>
          %dma_start3A_341 = arith.constant 0 : i32
          %dma_start3A_342 = arith.constant 0 : i32
          %dma_start3A_343 = tpu.memref_slice %arg3[%add3A_62, %dma_start3A_341, %dma_start3A_342] : memref<313x8x128xi32, #tpu.memory_space<hbm>> -> memref<1x8x128xi32, #tpu.memory_space<hbm>>
          %dma_start3A_344 = tpu.memref_squeeze %dma_start3A_343 : memref<1x8x128xi32, #tpu.memory_space<hbm>> -> memref<8x128xi32, #tpu.memory_space<hbm>>
          %dma_start3A_345 = arith.constant 0 : i32
          %dma_start3A_346 = arith.constant 0 : i32
          %dma_start3A_347 = tpu.memref_slice %arg3[%add3A_62, %dma_start3A_345, %dma_start3A_346] : memref<313x8x128xi32, #tpu.memory_space<hbm>> -> memref<1x8x128xi32, #tpu.memory_space<hbm>>
          %dma_start3A_348 = tpu.memref_squeeze %dma_start3A_347 : memref<1x8x128xi32, #tpu.memory_space<hbm>> -> memref<8x128xi32, #tpu.memory_space<hbm>>
          tpu.enqueue_dma source(%dma_start3A_348 : memref<8x128xi32, #tpu.memory_space<hbm>>) target(%arg8 : memref<8x128xi32, #tpu.memory_space<vmem>>) target_semaphore(%run_scoped3A : memref<!tpu.dma_semaphore, #tpu.memory_space<semaphore_mem>>)
          %dma_wait3A_349 = arith.constant 0 : i32
          %dma_wait3A_350 = arith.constant 0 : i32
          %dma_wait3A_351 = tpu.memref_slice %arg3[%add3A_62, %dma_wait3A_349, %dma_wait3A_350] : memref<313x8x128xi32, #tpu.memory_space<hbm>> -> memref<1x8x128xi32, #tpu.memory_space<hbm>>
          %dma_wait3A_352 = tpu.memref_squeeze %dma_wait3A_351 : memref<1x8x128xi32, #tpu.memory_space<hbm>> -> memref<8x128xi32, #tpu.memory_space<hbm>>
          %dma_wait3A_353 = arith.constant 0 : i32
          %dma_wait3A_354 = arith.constant 0 : i32
          %dma_wait3A_355 = tpu.memref_slice %arg3[%add3A_62, %dma_wait3A_353, %dma_wait3A_354] : memref<313x8x128xi32, #tpu.memory_space<hbm>> -> memref<1x8x128xi32, #tpu.memory_space<hbm>>
          %dma_wait3A_356 = tpu.memref_squeeze %dma_wait3A_355 : memref<1x8x128xi32, #tpu.memory_space<hbm>> -> memref<8x128xi32, #tpu.memory_space<hbm>>
          tpu.wait_dma2 semaphore(%run_scoped3A : memref<!tpu.dma_semaphore, #tpu.memory_space<semaphore_mem>>) src(%dma_wait3A_356 : memref<8x128xi32, #tpu.memory_space<hbm>>) dst(%arg8 : memref<8x128xi32, #tpu.memory_space<vmem>>)
          tpu.yield
        }) : () -> ()
        "tpu.region"() ({
          %run_scoped3A = tpu.sem_alloc : memref<!tpu.dma_semaphore, #tpu.memory_space<semaphore_mem>>
          %dma_start3A_341 = arith.constant 0 : i32
          %dma_start3A_342 = arith.constant 0 : i32
          %dma_start3A_343 = tpu.memref_slice %arg4[%add3A_62, %dma_start3A_341, %dma_start3A_342] : memref<313x8x128xi32, #tpu.memory_space<hbm>> -> memref<1x8x128xi32, #tpu.memory_space<hbm>>
          %dma_start3A_344 = tpu.memref_squeeze %dma_start3A_343 : memref<1x8x128xi32, #tpu.memory_space<hbm>> -> memref<8x128xi32, #tpu.memory_space<hbm>>
          %dma_start3A_345 = arith.constant 0 : i32
          %dma_start3A_346 = arith.constant 0 : i32
          %dma_start3A_347 = tpu.memref_slice %arg4[%add3A_62, %dma_start3A_345, %dma_start3A_346] : memref<313x8x128xi32, #tpu.memory_space<hbm>> -> memref<1x8x128xi32, #tpu.memory_space<hbm>>
          %dma_start3A_348 = tpu.memref_squeeze %dma_start3A_347 : memref<1x8x128xi32, #tpu.memory_space<hbm>> -> memref<8x128xi32, #tpu.memory_space<hbm>>
          tpu.enqueue_dma source(%dma_start3A_348 : memref<8x128xi32, #tpu.memory_space<hbm>>) target(%arg9 : memref<8x128xi32, #tpu.memory_space<vmem>>) target_semaphore(%run_scoped3A : memref<!tpu.dma_semaphore, #tpu.memory_space<semaphore_mem>>)
          %dma_wait3A_349 = arith.constant 0 : i32
          %dma_wait3A_350 = arith.constant 0 : i32
          %dma_wait3A_351 = tpu.memref_slice %arg4[%add3A_62, %dma_wait3A_349, %dma_wait3A_350] : memref<313x8x128xi32, #tpu.memory_space<hbm>> -> memref<1x8x128xi32, #tpu.memory_space<hbm>>
          %dma_wait3A_352 = tpu.memref_squeeze %dma_wait3A_351 : memref<1x8x128xi32, #tpu.memory_space<hbm>> -> memref<8x128xi32, #tpu.memory_space<hbm>>
          %dma_wait3A_353 = arith.constant 0 : i32
          %dma_wait3A_354 = arith.constant 0 : i32
          %dma_wait3A_355 = tpu.memref_slice %arg4[%add3A_62, %dma_wait3A_353, %dma_wait3A_354] : memref<313x8x128xi32, #tpu.memory_space<hbm>> -> memref<1x8x128xi32, #tpu.memory_space<hbm>>
          %dma_wait3A_356 = tpu.memref_squeeze %dma_wait3A_355 : memref<1x8x128xi32, #tpu.memory_space<hbm>> -> memref<8x128xi32, #tpu.memory_space<hbm>>
          tpu.wait_dma2 semaphore(%run_scoped3A : memref<!tpu.dma_semaphore, #tpu.memory_space<semaphore_mem>>) src(%dma_wait3A_356 : memref<8x128xi32, #tpu.memory_space<hbm>>) dst(%arg9 : memref<8x128xi32, #tpu.memory_space<vmem>>)
          tpu.yield
        }) : () -> ()
        %dma_start3A = arith.constant 0 : i32
        %dma_start3A_63 = arith.constant 0 : i32
        %dma_start3A_64 = tpu.memref_slice %arg8[%dma_start3A, %dma_start3A_63] : memref<8x128xi32, #tpu.memory_space<vmem>> -> memref<1x128xi32, #tpu.memory_space<vmem>>
        %dma_start3A_65 = tpu.memref_squeeze %dma_start3A_64 : memref<1x128xi32, #tpu.memory_space<vmem>> -> memref<128xi32, #tpu.memory_space<vmem>>
        %dma_start3A_66 = arith.constant 0 : i32
        %dma_start3A_67 = arith.constant 0 : i32
        %dma_start3A_68 = tpu.memref_slice %arg2[%dma_start3A_66, %dma_start3A_67] : memref<10000x128xf32, #tpu.memory_space<hbm>> -> memref<10000x128xf32, #tpu.memory_space<hbm>>
        tpu.enqueue_indirect_dma source(%dma_start3A_68 : memref<10000x128xf32, #tpu.memory_space<hbm>>) target(%arg10 : memref<128x128xf32, #tpu.memory_space<vmem>>) offsets(%dma_start3A_65 : memref<128xi32, #tpu.memory_space<vmem>>) semaphore(%arg12 : memref<!tpu.dma_semaphore, #tpu.memory_space<semaphore_mem>>)
        %dma_start3A_69 = arith.constant 1 : i32
        %dma_start3A_70 = arith.constant 0 : i32
        %dma_start3A_71 = tpu.memref_slice %arg8[%dma_start3A_69, %dma_start3A_70] : memref<8x128xi32, #tpu.memory_space<vmem>> -> memref<1x128xi32, #tpu.memory_space<vmem>>
        %dma_start3A_72 = tpu.memref_squeeze %dma_start3A_71 : memref<1x128xi32, #tpu.memory_space<vmem>> -> memref<128xi32, #tpu.memory_space<vmem>>
        %dma_start3A_73 = arith.constant 0 : i32
        %dma_start3A_74 = arith.constant 0 : i32
        %dma_start3A_75 = tpu.memref_slice %arg2[%dma_start3A_73, %dma_start3A_74] : memref<10000x128xf32, #tpu.memory_space<hbm>> -> memref<10000x128xf32, #tpu.memory_space<hbm>>
        tpu.enqueue_indirect_dma source(%dma_start3A_75 : memref<10000x128xf32, #tpu.memory_space<hbm>>) target(%arg11 : memref<128x128xf32, #tpu.memory_space<vmem>>) offsets(%dma_start3A_72 : memref<128xi32, #tpu.memory_space<vmem>>) semaphore(%arg13 : memref<!tpu.dma_semaphore, #tpu.memory_space<semaphore_mem>>)
        %dma_wait3A = arith.constant 0 : i32
        %dma_wait3A_76 = arith.constant 0 : i32
        %dma_wait3A_77 = tpu.memref_slice %arg8[%dma_wait3A, %dma_wait3A_76] : memref<8x128xi32, #tpu.memory_space<vmem>> -> memref<1x128xi32, #tpu.memory_space<vmem>>
        %dma_wait3A_78 = tpu.memref_squeeze %dma_wait3A_77 : memref<1x128xi32, #tpu.memory_space<vmem>> -> memref<128xi32, #tpu.memory_space<vmem>>
        %dma_wait3A_79 = arith.constant 0 : i32
        %dma_wait3A_80 = arith.constant 0 : i32
        %dma_wait3A_81 = tpu.memref_slice %arg2[%dma_wait3A_79, %dma_wait3A_80] : memref<10000x128xf32, #tpu.memory_space<hbm>> -> memref<10000x128xf32, #tpu.memory_space<hbm>>
        tpu.wait_indirect_dma semaphore(%arg12 : memref<!tpu.dma_semaphore, #tpu.memory_space<semaphore_mem>>) src(%dma_wait3A_81 : memref<10000x128xf32, #tpu.memory_space<hbm>>) dst(%arg10 : memref<128x128xf32, #tpu.memory_space<vmem>>)
        %dma_start3A_82 = arith.constant 0 : i32
        %dma_start3A_83 = arith.constant 0 : i32
        %dma_start3A_84 = tpu.memref_slice %arg9[%dma_start3A_82, %dma_start3A_83] : memref<8x128xi32, #tpu.memory_space<vmem>> -> memref<1x128xi32, #tpu.memory_space<vmem>>
        %dma_start3A_85 = tpu.memref_squeeze %dma_start3A_84 : memref<1x128xi32, #tpu.memory_space<vmem>> -> memref<128xi32, #tpu.memory_space<vmem>>
        %dma_start3A_86 = arith.constant 0 : i32
        %dma_start3A_87 = arith.constant 0 : i32
        %dma_start3A_88 = tpu.memref_slice %arg7[%dma_start3A_86, %dma_start3A_87] : memref<10008x128xf32, #tpu.memory_space<vmem_shared>> -> memref<10008x128xf32, #tpu.memory_space<vmem_shared>>
        tpu.enqueue_indirect_dma source(%arg10 : memref<128x128xf32, #tpu.memory_space<vmem>>) target(%dma_start3A_88 : memref<10008x128xf32, #tpu.memory_space<vmem_shared>>) offsets(%dma_start3A_85 : memref<128xi32, #tpu.memory_space<vmem>>) semaphore(%arg14 : memref<!tpu.dma_semaphore, #tpu.memory_space<semaphore_mem>>) {add = true}
        %scan3A_89 = arith.constant 0 : i32
        %scan3A_90 = arith.constant 0 : i32
        %scan3A_91 = arith.constant 8 : i32
        %scan3A_92 = arith.addi %scan3A_90, %scan3A_91 : i32
        %scan3A_93 = arith.constant 1 : i32
        %scan3A_94 = scf.for %scan3A_341 = %scan3A_90 to %scan3A_92 step %scan3A_93 iter_args(%scan3A_342 = %scan3A_89) -> (i32)  : i32 {
          %mul3A_343 = arith.constant 16 : i32
          %mul3A_344 = arith.muli %scan3A_341, %mul3A_343 : i32
          %get3A = arith.constant 0 : i32
          %get3A_345 = arith.index_cast %get3A : i32 to index
          %get3A_346 = arith.index_cast %mul3A_344 : i32 to index
          %get3A_347 = tpu.vector_load %arg9[%get3A_345, %get3A_346] {strides = array<i32>} : memref<8x128xi32, #tpu.memory_space<vmem>>, vector<16xi32>,
          tpu.vector_store_idx %arg16[%get3A_347], %broadcast_in_dim3A_41 {add = true} : memref<10240xf32, #tpu.memory_space<vmem>>[vector<16xi32>], vector<16xf32>,
          %scan3A_348 = arith.constant 0 : i32
          scf.yield %scan3A_348 : i32
        }
        %scan3A_95 = arith.constant 8 : i32
        %dma_wait3A_96 = arith.constant 0 : i32
        %dma_wait3A_97 = arith.constant 0 : i32
        %dma_wait3A_98 = tpu.memref_slice %arg9[%dma_wait3A_96, %dma_wait3A_97] : memref<8x128xi32, #tpu.memory_space<vmem>> -> memref<1x128xi32, #tpu.memory_space<vmem>>
        %dma_wait3A_99 = tpu.memref_squeeze %dma_wait3A_98 : memref<1x128xi32, #tpu.memory_space<vmem>> -> memref<128xi32, #tpu.memory_space<vmem>>
        %dma_wait3A_100 = arith.constant 0 : i32
        %dma_wait3A_101 = arith.constant 0 : i32
        %dma_wait3A_102 = tpu.memref_slice %arg7[%dma_wait3A_100, %dma_wait3A_101] : memref<10008x128xf32, #tpu.memory_space<vmem_shared>> -> memref<10008x128xf32, #tpu.memory_space<vmem_shared>>
        tpu.wait_indirect_dma semaphore(%arg14 : memref<!tpu.dma_semaphore, #tpu.memory_space<semaphore_mem>>) src(%arg10 : memref<128x128xf32, #tpu.memory_space<vmem>>) dst(%dma_wait3A_102 : memref<10008x128xf32, #tpu.memory_space<vmem_shared>>)
        %dma_start3A_103 = arith.constant 2 : i32
        %dma_start3A_104 = arith.constant 0 : i32
        %dma_start3A_105 = tpu.memref_slice %arg8[%dma_start3A_103, %dma_start3A_104] : memref<8x128xi32, #tpu.memory_space<vmem>> -> memref<1x128xi32, #tpu.memory_space<vmem>>
        %dma_start3A_106 = tpu.memref_squeeze %dma_start3A_105 : memref<1x128xi32, #tpu.memory_space<vmem>> -> memref<128xi32, #tpu.memory_space<vmem>>
        %dma_start3A_107 = arith.constant 0 : i32
        %dma_start3A_108 = arith.constant 0 : i32
        %dma_start3A_109 = tpu.memref_slice %arg2[%dma_start3A_107, %dma_start3A_108] : memref<10000x128xf32, #tpu.memory_space<hbm>> -> memref<10000x128xf32, #tpu.memory_space<hbm>>
        tpu.enqueue_indirect_dma source(%dma_start3A_109 : memref<10000x128xf32, #tpu.memory_space<hbm>>) target(%arg10 : memref<128x128xf32, #tpu.memory_space<vmem>>) offsets(%dma_start3A_106 : memref<128xi32, #tpu.memory_space<vmem>>) semaphore(%arg12 : memref<!tpu.dma_semaphore, #tpu.memory_space<semaphore_mem>>)
        %dma_wait3A_110 = arith.constant 1 : i32
        %dma_wait3A_111 = arith.constant 0 : i32
        %dma_wait3A_112 = tpu.memref_slice %arg8[%dma_wait3A_110, %dma_wait3A_111] : memref<8x128xi32, #tpu.memory_space<vmem>> -> memref<1x128xi32, #tpu.memory_space<vmem>>
        %dma_wait3A_113 = tpu.memref_squeeze %dma_wait3A_112 : memref<1x128xi32, #tpu.memory_space<vmem>> -> memref<128xi32, #tpu.memory_space<vmem>>
        %dma_wait3A_114 = arith.constant 0 : i32
        %dma_wait3A_115 = arith.constant 0 : i32
        %dma_wait3A_116 = tpu.memref_slice %arg2[%dma_wait3A_114, %dma_wait3A_115] : memref<10000x128xf32, #tpu.memory_space<hbm>> -> memref<10000x128xf32, #tpu.memory_space<hbm>>
        tpu.wait_indirect_dma semaphore(%arg13 : memref<!tpu.dma_semaphore, #tpu.memory_space<semaphore_mem>>) src(%dma_wait3A_116 : memref<10000x128xf32, #tpu.memory_space<hbm>>) dst(%arg11 : memref<128x128xf32, #tpu.memory_space<vmem>>)
        %dma_start3A_117 = arith.constant 1 : i32
        %dma_start3A_118 = arith.constant 0 : i32
        %dma_start3A_119 = tpu.memref_slice %arg9[%dma_start3A_117, %dma_start3A_118] : memref<8x128xi32, #tpu.memory_space<vmem>> -> memref<1x128xi32, #tpu.memory_space<vmem>>
        %dma_start3A_120 = tpu.memref_squeeze %dma_start3A_119 : memref<1x128xi32, #tpu.memory_space<vmem>> -> memref<128xi32, #tpu.memory_space<vmem>>
        %dma_start3A_121 = arith.constant 0 : i32
        %dma_start3A_122 = arith.constant 0 : i32
        %dma_start3A_123 = tpu.memref_slice %arg7[%dma_start3A_121, %dma_start3A_122] : memref<10008x128xf32, #tpu.memory_space<vmem_shared>> -> memref<10008x128xf32, #tpu.memory_space<vmem_shared>>
        tpu.enqueue_indirect_dma source(%arg11 : memref<128x128xf32, #tpu.memory_space<vmem>>) target(%dma_start3A_123 : memref<10008x128xf32, #tpu.memory_space<vmem_shared>>) offsets(%dma_start3A_120 : memref<128xi32, #tpu.memory_space<vmem>>) semaphore(%arg15 : memref<!tpu.dma_semaphore, #tpu.memory_space<semaphore_mem>>) {add = true}
        %scan3A_124 = arith.constant 0 : i32
        %scan3A_125 = arith.constant 0 : i32
        %scan3A_126 = arith.constant 8 : i32
        %scan3A_127 = arith.addi %scan3A_125, %scan3A_126 : i32
        %scan3A_128 = arith.constant 1 : i32
        %scan3A_129 = scf.for %scan3A_341 = %scan3A_125 to %scan3A_127 step %scan3A_128 iter_args(%scan3A_342 = %scan3A_124) -> (i32)  : i32 {
          %mul3A_343 = arith.constant 16 : i32
          %mul3A_344 = arith.muli %scan3A_341, %mul3A_343 : i32
          %get3A = arith.constant 1 : i32
          %get3A_345 = arith.index_cast %get3A : i32 to index
          %get3A_346 = arith.index_cast %mul3A_344 : i32 to index
          %get3A_347 = tpu.vector_load %arg9[%get3A_345, %get3A_346] {strides = array<i32>} : memref<8x128xi32, #tpu.memory_space<vmem>>, vector<16xi32>,
          tpu.vector_store_idx %arg16[%get3A_347], %broadcast_in_dim3A_41 {add = true} : memref<10240xf32, #tpu.memory_space<vmem>>[vector<16xi32>], vector<16xf32>,
          %scan3A_348 = arith.constant 0 : i32
          scf.yield %scan3A_348 : i32
        }
        %scan3A_130 = arith.constant 8 : i32
        %dma_wait3A_131 = arith.constant 1 : i32
        %dma_wait3A_132 = arith.constant 0 : i32
        %dma_wait3A_133 = tpu.memref_slice %arg9[%dma_wait3A_131, %dma_wait3A_132] : memref<8x128xi32, #tpu.memory_space<vmem>> -> memref<1x128xi32, #tpu.memory_space<vmem>>
        %dma_wait3A_134 = tpu.memref_squeeze %dma_wait3A_133 : memref<1x128xi32, #tpu.memory_space<vmem>> -> memref<128xi32, #tpu.memory_space<vmem>>
        %dma_wait3A_135 = arith.constant 0 : i32
        %dma_wait3A_136 = arith.constant 0 : i32
        %dma_wait3A_137 = tpu.memref_slice %arg7[%dma_wait3A_135, %dma_wait3A_136] : memref<10008x128xf32, #tpu.memory_space<vmem_shared>> -> memref<10008x128xf32, #tpu.memory_space<vmem_shared>>
        tpu.wait_indirect_dma semaphore(%arg15 : memref<!tpu.dma_semaphore, #tpu.memory_space<semaphore_mem>>) src(%arg11 : memref<128x128xf32, #tpu.memory_space<vmem>>) dst(%dma_wait3A_137 : memref<10008x128xf32, #tpu.memory_space<vmem_shared>>)
        %dma_start3A_138 = arith.constant 3 : i32
        %dma_start3A_139 = arith.constant 0 : i32
        %dma_start3A_140 = tpu.memref_slice %arg8[%dma_start3A_138, %dma_start3A_139] : memref<8x128xi32, #tpu.memory_space<vmem>> -> memref<1x128xi32, #tpu.memory_space<vmem>>
        %dma_start3A_141 = tpu.memref_squeeze %dma_start3A_140 : memref<1x128xi32, #tpu.memory_space<vmem>> -> memref<128xi32, #tpu.memory_space<vmem>>
        %dma_start3A_142 = arith.constant 0 : i32
        %dma_start3A_143 = arith.constant 0 : i32
        %dma_start3A_144 = tpu.memref_slice %arg2[%dma_start3A_142, %dma_start3A_143] : memref<10000x128xf32, #tpu.memory_space<hbm>> -> memref<10000x128xf32, #tpu.memory_space<hbm>>
        tpu.enqueue_indirect_dma source(%dma_start3A_144 : memref<10000x128xf32, #tpu.memory_space<hbm>>) target(%arg11 : memref<128x128xf32, #tpu.memory_space<vmem>>) offsets(%dma_start3A_141 : memref<128xi32, #tpu.memory_space<vmem>>) semaphore(%arg13 : memref<!tpu.dma_semaphore, #tpu.memory_space<semaphore_mem>>)
        %dma_wait3A_145 = arith.constant 2 : i32
        %dma_wait3A_146 = arith.constant 0 : i32
        %dma_wait3A_147 = tpu.memref_slice %arg8[%dma_wait3A_145, %dma_wait3A_146] : memref<8x128xi32, #tpu.memory_space<vmem>> -> memref<1x128xi32, #tpu.memory_space<vmem>>
        %dma_wait3A_148 = tpu.memref_squeeze %dma_wait3A_147 : memref<1x128xi32, #tpu.memory_space<vmem>> -> memref<128xi32, #tpu.memory_space<vmem>>
        %dma_wait3A_149 = arith.constant 0 : i32
        %dma_wait3A_150 = arith.constant 0 : i32
        %dma_wait3A_151 = tpu.memref_slice %arg2[%dma_wait3A_149, %dma_wait3A_150] : memref<10000x128xf32, #tpu.memory_space<hbm>> -> memref<10000x128xf32, #tpu.memory_space<hbm>>
        tpu.wait_indirect_dma semaphore(%arg12 : memref<!tpu.dma_semaphore, #tpu.memory_space<semaphore_mem>>) src(%dma_wait3A_151 : memref<10000x128xf32, #tpu.memory_space<hbm>>) dst(%arg10 : memref<128x128xf32, #tpu.memory_space<vmem>>)
        %dma_start3A_152 = arith.constant 2 : i32
        %dma_start3A_153 = arith.constant 0 : i32
        %dma_start3A_154 = tpu.memref_slice %arg9[%dma_start3A_152, %dma_start3A_153] : memref<8x128xi32, #tpu.memory_space<vmem>> -> memref<1x128xi32, #tpu.memory_space<vmem>>
        %dma_start3A_155 = tpu.memref_squeeze %dma_start3A_154 : memref<1x128xi32, #tpu.memory_space<vmem>> -> memref<128xi32, #tpu.memory_space<vmem>>
        %dma_start3A_156 = arith.constant 0 : i32
        %dma_start3A_157 = arith.constant 0 : i32
        %dma_start3A_158 = tpu.memref_slice %arg7[%dma_start3A_156, %dma_start3A_157] : memref<10008x128xf32, #tpu.memory_space<vmem_shared>> -> memref<10008x128xf32, #tpu.memory_space<vmem_shared>>
        tpu.enqueue_indirect_dma source(%arg10 : memref<128x128xf32, #tpu.memory_space<vmem>>) target(%dma_start3A_158 : memref<10008x128xf32, #tpu.memory_space<vmem_shared>>) offsets(%dma_start3A_155 : memref<128xi32, #tpu.memory_space<vmem>>) semaphore(%arg14 : memref<!tpu.dma_semaphore, #tpu.memory_space<semaphore_mem>>) {add = true}
        %scan3A_159 = arith.constant 0 : i32
        %scan3A_160 = arith.constant 0 : i32
        %scan3A_161 = arith.constant 8 : i32
        %scan3A_162 = arith.addi %scan3A_160, %scan3A_161 : i32
        %scan3A_163 = arith.constant 1 : i32
        %scan3A_164 = scf.for %scan3A_341 = %scan3A_160 to %scan3A_162 step %scan3A_163 iter_args(%scan3A_342 = %scan3A_159) -> (i32)  : i32 {
          %mul3A_343 = arith.constant 16 : i32
          %mul3A_344 = arith.muli %scan3A_341, %mul3A_343 : i32
          %get3A = arith.constant 2 : i32
          %get3A_345 = arith.index_cast %get3A : i32 to index
          %get3A_346 = arith.index_cast %mul3A_344 : i32 to index
          %get3A_347 = tpu.vector_load %arg9[%get3A_345, %get3A_346] {strides = array<i32>} : memref<8x128xi32, #tpu.memory_space<vmem>>, vector<16xi32>,
          tpu.vector_store_idx %arg16[%get3A_347], %broadcast_in_dim3A_41 {add = true} : memref<10240xf32, #tpu.memory_space<vmem>>[vector<16xi32>], vector<16xf32>,
          %scan3A_348 = arith.constant 0 : i32
          scf.yield %scan3A_348 : i32
        }
        %scan3A_165 = arith.constant 8 : i32
        %dma_wait3A_166 = arith.constant 2 : i32
        %dma_wait3A_167 = arith.constant 0 : i32
        %dma_wait3A_168 = tpu.memref_slice %arg9[%dma_wait3A_166, %dma_wait3A_167] : memref<8x128xi32, #tpu.memory_space<vmem>> -> memref<1x128xi32, #tpu.memory_space<vmem>>
        %dma_wait3A_169 = tpu.memref_squeeze %dma_wait3A_168 : memref<1x128xi32, #tpu.memory_space<vmem>> -> memref<128xi32, #tpu.memory_space<vmem>>
        %dma_wait3A_170 = arith.constant 0 : i32
        %dma_wait3A_171 = arith.constant 0 : i32
        %dma_wait3A_172 = tpu.memref_slice %arg7[%dma_wait3A_170, %dma_wait3A_171] : memref<10008x128xf32, #tpu.memory_space<vmem_shared>> -> memref<10008x128xf32, #tpu.memory_space<vmem_shared>>
        tpu.wait_indirect_dma semaphore(%arg14 : memref<!tpu.dma_semaphore, #tpu.memory_space<semaphore_mem>>) src(%arg10 : memref<128x128xf32, #tpu.memory_space<vmem>>) dst(%dma_wait3A_172 : memref<10008x128xf32, #tpu.memory_space<vmem_shared>>)
        %dma_start3A_173 = arith.constant 4 : i32
        %dma_start3A_174 = arith.constant 0 : i32
        %dma_start3A_175 = tpu.memref_slice %arg8[%dma_start3A_173, %dma_start3A_174] : memref<8x128xi32, #tpu.memory_space<vmem>> -> memref<1x128xi32, #tpu.memory_space<vmem>>
        %dma_start3A_176 = tpu.memref_squeeze %dma_start3A_175 : memref<1x128xi32, #tpu.memory_space<vmem>> -> memref<128xi32, #tpu.memory_space<vmem>>
        %dma_start3A_177 = arith.constant 0 : i32
        %dma_start3A_178 = arith.constant 0 : i32
        %dma_start3A_179 = tpu.memref_slice %arg2[%dma_start3A_177, %dma_start3A_178] : memref<10000x128xf32, #tpu.memory_space<hbm>> -> memref<10000x128xf32, #tpu.memory_space<hbm>>
        tpu.enqueue_indirect_dma source(%dma_start3A_179 : memref<10000x128xf32, #tpu.memory_space<hbm>>) target(%arg10 : memref<128x128xf32, #tpu.memory_space<vmem>>) offsets(%dma_start3A_176 : memref<128xi32, #tpu.memory_space<vmem>>) semaphore(%arg12 : memref<!tpu.dma_semaphore, #tpu.memory_space<semaphore_mem>>)
        %dma_wait3A_180 = arith.constant 3 : i32
        %dma_wait3A_181 = arith.constant 0 : i32
        %dma_wait3A_182 = tpu.memref_slice %arg8[%dma_wait3A_180, %dma_wait3A_181] : memref<8x128xi32, #tpu.memory_space<vmem>> -> memref<1x128xi32, #tpu.memory_space<vmem>>
        %dma_wait3A_183 = tpu.memref_squeeze %dma_wait3A_182 : memref<1x128xi32, #tpu.memory_space<vmem>> -> memref<128xi32, #tpu.memory_space<vmem>>
        %dma_wait3A_184 = arith.constant 0 : i32
        %dma_wait3A_185 = arith.constant 0 : i32
        %dma_wait3A_186 = tpu.memref_slice %arg2[%dma_wait3A_184, %dma_wait3A_185] : memref<10000x128xf32, #tpu.memory_space<hbm>> -> memref<10000x128xf32, #tpu.memory_space<hbm>>
        tpu.wait_indirect_dma semaphore(%arg13 : memref<!tpu.dma_semaphore, #tpu.memory_space<semaphore_mem>>) src(%dma_wait3A_186 : memref<10000x128xf32, #tpu.memory_space<hbm>>) dst(%arg11 : memref<128x128xf32, #tpu.memory_space<vmem>>)
        %dma_start3A_187 = arith.constant 3 : i32
        %dma_start3A_188 = arith.constant 0 : i32
        %dma_start3A_189 = tpu.memref_slice %arg9[%dma_start3A_187, %dma_start3A_188] : memref<8x128xi32, #tpu.memory_space<vmem>> -> memref<1x128xi32, #tpu.memory_space<vmem>>
        %dma_start3A_190 = tpu.memref_squeeze %dma_start3A_189 : memref<1x128xi32, #tpu.memory_space<vmem>> -> memref<128xi32, #tpu.memory_space<vmem>>
        %dma_start3A_191 = arith.constant 0 : i32
        %dma_start3A_192 = arith.constant 0 : i32
        %dma_start3A_193 = tpu.memref_slice %arg7[%dma_start3A_191, %dma_start3A_192] : memref<10008x128xf32, #tpu.memory_space<vmem_shared>> -> memref<10008x128xf32, #tpu.memory_space<vmem_shared>>
        tpu.enqueue_indirect_dma source(%arg11 : memref<128x128xf32, #tpu.memory_space<vmem>>) target(%dma_start3A_193 : memref<10008x128xf32, #tpu.memory_space<vmem_shared>>) offsets(%dma_start3A_190 : memref<128xi32, #tpu.memory_space<vmem>>) semaphore(%arg15 : memref<!tpu.dma_semaphore, #tpu.memory_space<semaphore_mem>>) {add = true}
        %scan3A_194 = arith.constant 0 : i32
        %scan3A_195 = arith.constant 0 : i32
        %scan3A_196 = arith.constant 8 : i32
        %scan3A_197 = arith.addi %scan3A_195, %scan3A_196 : i32
        %scan3A_198 = arith.constant 1 : i32
        %scan3A_199 = scf.for %scan3A_341 = %scan3A_195 to %scan3A_197 step %scan3A_198 iter_args(%scan3A_342 = %scan3A_194) -> (i32)  : i32 {
          %mul3A_343 = arith.constant 16 : i32
          %mul3A_344 = arith.muli %scan3A_341, %mul3A_343 : i32
          %get3A = arith.constant 3 : i32
          %get3A_345 = arith.index_cast %get3A : i32 to index
          %get3A_346 = arith.index_cast %mul3A_344 : i32 to index
          %get3A_347 = tpu.vector_load %arg9[%get3A_345, %get3A_346] {strides = array<i32>} : memref<8x128xi32, #tpu.memory_space<vmem>>, vector<16xi32>,
          tpu.vector_store_idx %arg16[%get3A_347], %broadcast_in_dim3A_41 {add = true} : memref<10240xf32, #tpu.memory_space<vmem>>[vector<16xi32>], vector<16xf32>,
          %scan3A_348 = arith.constant 0 : i32
          scf.yield %scan3A_348 : i32
        }
        %scan3A_200 = arith.constant 8 : i32
        %dma_wait3A_201 = arith.constant 3 : i32
        %dma_wait3A_202 = arith.constant 0 : i32
        %dma_wait3A_203 = tpu.memref_slice %arg9[%dma_wait3A_201, %dma_wait3A_202] : memref<8x128xi32, #tpu.memory_space<vmem>> -> memref<1x128xi32, #tpu.memory_space<vmem>>
        %dma_wait3A_204 = tpu.memref_squeeze %dma_wait3A_203 : memref<1x128xi32, #tpu.memory_space<vmem>> -> memref<128xi32, #tpu.memory_space<vmem>>
        %dma_wait3A_205 = arith.constant 0 : i32
        %dma_wait3A_206 = arith.constant 0 : i32
        %dma_wait3A_207 = tpu.memref_slice %arg7[%dma_wait3A_205, %dma_wait3A_206] : memref<10008x128xf32, #tpu.memory_space<vmem_shared>> -> memref<10008x128xf32, #tpu.memory_space<vmem_shared>>
        tpu.wait_indirect_dma semaphore(%arg15 : memref<!tpu.dma_semaphore, #tpu.memory_space<semaphore_mem>>) src(%arg11 : memref<128x128xf32, #tpu.memory_space<vmem>>) dst(%dma_wait3A_207 : memref<10008x128xf32, #tpu.memory_space<vmem_shared>>)
        %dma_start3A_208 = arith.constant 5 : i32
        %dma_start3A_209 = arith.constant 0 : i32
        %dma_start3A_210 = tpu.memref_slice %arg8[%dma_start3A_208, %dma_start3A_209] : memref<8x128xi32, #tpu.memory_space<vmem>> -> memref<1x128xi32, #tpu.memory_space<vmem>>
        %dma_start3A_211 = tpu.memref_squeeze %dma_start3A_210 : memref<1x128xi32, #tpu.memory_space<vmem>> -> memref<128xi32, #tpu.memory_space<vmem>>
        %dma_start3A_212 = arith.constant 0 : i32
        %dma_start3A_213 = arith.constant 0 : i32
        %dma_start3A_214 = tpu.memref_slice %arg2[%dma_start3A_212, %dma_start3A_213] : memref<10000x128xf32, #tpu.memory_space<hbm>> -> memref<10000x128xf32, #tpu.memory_space<hbm>>
        tpu.enqueue_indirect_dma source(%dma_start3A_214 : memref<10000x128xf32, #tpu.memory_space<hbm>>) target(%arg11 : memref<128x128xf32, #tpu.memory_space<vmem>>) offsets(%dma_start3A_211 : memref<128xi32, #tpu.memory_space<vmem>>) semaphore(%arg13 : memref<!tpu.dma_semaphore, #tpu.memory_space<semaphore_mem>>)
        %dma_wait3A_215 = arith.constant 4 : i32
        %dma_wait3A_216 = arith.constant 0 : i32
        %dma_wait3A_217 = tpu.memref_slice %arg8[%dma_wait3A_215, %dma_wait3A_216] : memref<8x128xi32, #tpu.memory_space<vmem>> -> memref<1x128xi32, #tpu.memory_space<vmem>>
        %dma_wait3A_218 = tpu.memref_squeeze %dma_wait3A_217 : memref<1x128xi32, #tpu.memory_space<vmem>> -> memref<128xi32, #tpu.memory_space<vmem>>
        %dma_wait3A_219 = arith.constant 0 : i32
        %dma_wait3A_220 = arith.constant 0 : i32
        %dma_wait3A_221 = tpu.memref_slice %arg2[%dma_wait3A_219, %dma_wait3A_220] : memref<10000x128xf32, #tpu.memory_space<hbm>> -> memref<10000x128xf32, #tpu.memory_space<hbm>>
        tpu.wait_indirect_dma semaphore(%arg12 : memref<!tpu.dma_semaphore, #tpu.memory_space<semaphore_mem>>) src(%dma_wait3A_221 : memref<10000x128xf32, #tpu.memory_space<hbm>>) dst(%arg10 : memref<128x128xf32, #tpu.memory_space<vmem>>)
        %dma_start3A_222 = arith.constant 4 : i32
        %dma_start3A_223 = arith.constant 0 : i32
        %dma_start3A_224 = tpu.memref_slice %arg9[%dma_start3A_222, %dma_start3A_223] : memref<8x128xi32, #tpu.memory_space<vmem>> -> memref<1x128xi32, #tpu.memory_space<vmem>>
        %dma_start3A_225 = tpu.memref_squeeze %dma_start3A_224 : memref<1x128xi32, #tpu.memory_space<vmem>> -> memref<128xi32, #tpu.memory_space<vmem>>
        %dma_start3A_226 = arith.constant 0 : i32
        %dma_start3A_227 = arith.constant 0 : i32
        %dma_start3A_228 = tpu.memref_slice %arg7[%dma_start3A_226, %dma_start3A_227] : memref<10008x128xf32, #tpu.memory_space<vmem_shared>> -> memref<10008x128xf32, #tpu.memory_space<vmem_shared>>
        tpu.enqueue_indirect_dma source(%arg10 : memref<128x128xf32, #tpu.memory_space<vmem>>) target(%dma_start3A_228 : memref<10008x128xf32, #tpu.memory_space<vmem_shared>>) offsets(%dma_start3A_225 : memref<128xi32, #tpu.memory_space<vmem>>) semaphore(%arg14 : memref<!tpu.dma_semaphore, #tpu.memory_space<semaphore_mem>>) {add = true}
        %scan3A_229 = arith.constant 0 : i32
        %scan3A_230 = arith.constant 0 : i32
        %scan3A_231 = arith.constant 8 : i32
        %scan3A_232 = arith.addi %scan3A_230, %scan3A_231 : i32
        %scan3A_233 = arith.constant 1 : i32
        %scan3A_234 = scf.for %scan3A_341 = %scan3A_230 to %scan3A_232 step %scan3A_233 iter_args(%scan3A_342 = %scan3A_229) -> (i32)  : i32 {
          %mul3A_343 = arith.constant 16 : i32
          %mul3A_344 = arith.muli %scan3A_341, %mul3A_343 : i32
          %get3A = arith.constant 4 : i32
          %get3A_345 = arith.index_cast %get3A : i32 to index
          %get3A_346 = arith.index_cast %mul3A_344 : i32 to index
          %get3A_347 = tpu.vector_load %arg9[%get3A_345, %get3A_346] {strides = array<i32>} : memref<8x128xi32, #tpu.memory_space<vmem>>, vector<16xi32>,
          tpu.vector_store_idx %arg16[%get3A_347], %broadcast_in_dim3A_41 {add = true} : memref<10240xf32, #tpu.memory_space<vmem>>[vector<16xi32>], vector<16xf32>,
          %scan3A_348 = arith.constant 0 : i32
          scf.yield %scan3A_348 : i32
        }
        %scan3A_235 = arith.constant 8 : i32
        %dma_wait3A_236 = arith.constant 4 : i32
        %dma_wait3A_237 = arith.constant 0 : i32
        %dma_wait3A_238 = tpu.memref_slice %arg9[%dma_wait3A_236, %dma_wait3A_237] : memref<8x128xi32, #tpu.memory_space<vmem>> -> memref<1x128xi32, #tpu.memory_space<vmem>>
        %dma_wait3A_239 = tpu.memref_squeeze %dma_wait3A_238 : memref<1x128xi32, #tpu.memory_space<vmem>> -> memref<128xi32, #tpu.memory_space<vmem>>
        %dma_wait3A_240 = arith.constant 0 : i32
        %dma_wait3A_241 = arith.constant 0 : i32
        %dma_wait3A_242 = tpu.memref_slice %arg7[%dma_wait3A_240, %dma_wait3A_241] : memref<10008x128xf32, #tpu.memory_space<vmem_shared>> -> memref<10008x128xf32, #tpu.memory_space<vmem_shared>>
        tpu.wait_indirect_dma semaphore(%arg14 : memref<!tpu.dma_semaphore, #tpu.memory_space<semaphore_mem>>) src(%arg10 : memref<128x128xf32, #tpu.memory_space<vmem>>) dst(%dma_wait3A_242 : memref<10008x128xf32, #tpu.memory_space<vmem_shared>>)
        %dma_start3A_243 = arith.constant 6 : i32
        %dma_start3A_244 = arith.constant 0 : i32
        %dma_start3A_245 = tpu.memref_slice %arg8[%dma_start3A_243, %dma_start3A_244] : memref<8x128xi32, #tpu.memory_space<vmem>> -> memref<1x128xi32, #tpu.memory_space<vmem>>
        %dma_start3A_246 = tpu.memref_squeeze %dma_start3A_245 : memref<1x128xi32, #tpu.memory_space<vmem>> -> memref<128xi32, #tpu.memory_space<vmem>>
        %dma_start3A_247 = arith.constant 0 : i32
        %dma_start3A_248 = arith.constant 0 : i32
        %dma_start3A_249 = tpu.memref_slice %arg2[%dma_start3A_247, %dma_start3A_248] : memref<10000x128xf32, #tpu.memory_space<hbm>> -> memref<10000x128xf32, #tpu.memory_space<hbm>>
        tpu.enqueue_indirect_dma source(%dma_start3A_249 : memref<10000x128xf32, #tpu.memory_space<hbm>>) target(%arg10 : memref<128x128xf32, #tpu.memory_space<vmem>>) offsets(%dma_start3A_246 : memref<128xi32, #tpu.memory_space<vmem>>) semaphore(%arg12 : memref<!tpu.dma_semaphore, #tpu.memory_space<semaphore_mem>>)
        %dma_wait3A_250 = arith.constant 5 : i32
        %dma_wait3A_251 = arith.constant 0 : i32
        %dma_wait3A_252 = tpu.memref_slice %arg8[%dma_wait3A_250, %dma_wait3A_251] : memref<8x128xi32, #tpu.memory_space<vmem>> -> memref<1x128xi32, #tpu.memory_space<vmem>>
        %dma_wait3A_253 = tpu.memref_squeeze %dma_wait3A_252 : memref<1x128xi32, #tpu.memory_space<vmem>> -> memref<128xi32, #tpu.memory_space<vmem>>
        %dma_wait3A_254 = arith.constant 0 : i32
        %dma_wait3A_255 = arith.constant 0 : i32
        %dma_wait3A_256 = tpu.memref_slice %arg2[%dma_wait3A_254, %dma_wait3A_255] : memref<10000x128xf32, #tpu.memory_space<hbm>> -> memref<10000x128xf32, #tpu.memory_space<hbm>>
        tpu.wait_indirect_dma semaphore(%arg13 : memref<!tpu.dma_semaphore, #tpu.memory_space<semaphore_mem>>) src(%dma_wait3A_256 : memref<10000x128xf32, #tpu.memory_space<hbm>>) dst(%arg11 : memref<128x128xf32, #tpu.memory_space<vmem>>)
        %dma_start3A_257 = arith.constant 5 : i32
        %dma_start3A_258 = arith.constant 0 : i32
        %dma_start3A_259 = tpu.memref_slice %arg9[%dma_start3A_257, %dma_start3A_258] : memref<8x128xi32, #tpu.memory_space<vmem>> -> memref<1x128xi32, #tpu.memory_space<vmem>>
        %dma_start3A_260 = tpu.memref_squeeze %dma_start3A_259 : memref<1x128xi32, #tpu.memory_space<vmem>> -> memref<128xi32, #tpu.memory_space<vmem>>
        %dma_start3A_261 = arith.constant 0 : i32
        %dma_start3A_262 = arith.constant 0 : i32
        %dma_start3A_263 = tpu.memref_slice %arg7[%dma_start3A_261, %dma_start3A_262] : memref<10008x128xf32, #tpu.memory_space<vmem_shared>> -> memref<10008x128xf32, #tpu.memory_space<vmem_shared>>
        tpu.enqueue_indirect_dma source(%arg11 : memref<128x128xf32, #tpu.memory_space<vmem>>) target(%dma_start3A_263 : memref<10008x128xf32, #tpu.memory_space<vmem_shared>>) offsets(%dma_start3A_260 : memref<128xi32, #tpu.memory_space<vmem>>) semaphore(%arg15 : memref<!tpu.dma_semaphore, #tpu.memory_space<semaphore_mem>>) {add = true}
        %scan3A_264 = arith.constant 0 : i32
        %scan3A_265 = arith.constant 0 : i32
        %scan3A_266 = arith.constant 8 : i32
        %scan3A_267 = arith.addi %scan3A_265, %scan3A_266 : i32
        %scan3A_268 = arith.constant 1 : i32
        %scan3A_269 = scf.for %scan3A_341 = %scan3A_265 to %scan3A_267 step %scan3A_268 iter_args(%scan3A_342 = %scan3A_264) -> (i32)  : i32 {
          %mul3A_343 = arith.constant 16 : i32
          %mul3A_344 = arith.muli %scan3A_341, %mul3A_343 : i32
          %get3A = arith.constant 5 : i32
          %get3A_345 = arith.index_cast %get3A : i32 to index
          %get3A_346 = arith.index_cast %mul3A_344 : i32 to index
          %get3A_347 = tpu.vector_load %arg9[%get3A_345, %get3A_346] {strides = array<i32>} : memref<8x128xi32, #tpu.memory_space<vmem>>, vector<16xi32>,
          tpu.vector_store_idx %arg16[%get3A_347], %broadcast_in_dim3A_41 {add = true} : memref<10240xf32, #tpu.memory_space<vmem>>[vector<16xi32>], vector<16xf32>,
          %scan3A_348 = arith.constant 0 : i32
          scf.yield %scan3A_348 : i32
        }
        %scan3A_270 = arith.constant 8 : i32
        %dma_wait3A_271 = arith.constant 5 : i32
        %dma_wait3A_272 = arith.constant 0 : i32
        %dma_wait3A_273 = tpu.memref_slice %arg9[%dma_wait3A_271, %dma_wait3A_272] : memref<8x128xi32, #tpu.memory_space<vmem>> -> memref<1x128xi32, #tpu.memory_space<vmem>>
        %dma_wait3A_274 = tpu.memref_squeeze %dma_wait3A_273 : memref<1x128xi32, #tpu.memory_space<vmem>> -> memref<128xi32, #tpu.memory_space<vmem>>
        %dma_wait3A_275 = arith.constant 0 : i32
        %dma_wait3A_276 = arith.constant 0 : i32
        %dma_wait3A_277 = tpu.memref_slice %arg7[%dma_wait3A_275, %dma_wait3A_276] : memref<10008x128xf32, #tpu.memory_space<vmem_shared>> -> memref<10008x128xf32, #tpu.memory_space<vmem_shared>>
        tpu.wait_indirect_dma semaphore(%arg15 : memref<!tpu.dma_semaphore, #tpu.memory_space<semaphore_mem>>) src(%arg11 : memref<128x128xf32, #tpu.memory_space<vmem>>) dst(%dma_wait3A_277 : memref<10008x128xf32, #tpu.memory_space<vmem_shared>>)
        %dma_start3A_278 = arith.constant 7 : i32
        %dma_start3A_279 = arith.constant 0 : i32
        %dma_start3A_280 = tpu.memref_slice %arg8[%dma_start3A_278, %dma_start3A_279] : memref<8x128xi32, #tpu.memory_space<vmem>> -> memref<1x128xi32, #tpu.memory_space<vmem>>
        %dma_start3A_281 = tpu.memref_squeeze %dma_start3A_280 : memref<1x128xi32, #tpu.memory_space<vmem>> -> memref<128xi32, #tpu.memory_space<vmem>>
        %dma_start3A_282 = arith.constant 0 : i32
        %dma_start3A_283 = arith.constant 0 : i32
        %dma_start3A_284 = tpu.memref_slice %arg2[%dma_start3A_282, %dma_start3A_283] : memref<10000x128xf32, #tpu.memory_space<hbm>> -> memref<10000x128xf32, #tpu.memory_space<hbm>>
        tpu.enqueue_indirect_dma source(%dma_start3A_284 : memref<10000x128xf32, #tpu.memory_space<hbm>>) target(%arg11 : memref<128x128xf32, #tpu.memory_space<vmem>>) offsets(%dma_start3A_281 : memref<128xi32, #tpu.memory_space<vmem>>) semaphore(%arg13 : memref<!tpu.dma_semaphore, #tpu.memory_space<semaphore_mem>>)
        %dma_wait3A_285 = arith.constant 6 : i32
        %dma_wait3A_286 = arith.constant 0 : i32
        %dma_wait3A_287 = tpu.memref_slice %arg8[%dma_wait3A_285, %dma_wait3A_286] : memref<8x128xi32, #tpu.memory_space<vmem>> -> memref<1x128xi32, #tpu.memory_space<vmem>>
        %dma_wait3A_288 = tpu.memref_squeeze %dma_wait3A_287 : memref<1x128xi32, #tpu.memory_space<vmem>> -> memref<128xi32, #tpu.memory_space<vmem>>
        %dma_wait3A_289 = arith.constant 0 : i32
        %dma_wait3A_290 = arith.constant 0 : i32
        %dma_wait3A_291 = tpu.memref_slice %arg2[%dma_wait3A_289, %dma_wait3A_290] : memref<10000x128xf32, #tpu.memory_space<hbm>> -> memref<10000x128xf32, #tpu.memory_space<hbm>>
        tpu.wait_indirect_dma semaphore(%arg12 : memref<!tpu.dma_semaphore, #tpu.memory_space<semaphore_mem>>) src(%dma_wait3A_291 : memref<10000x128xf32, #tpu.memory_space<hbm>>) dst(%arg10 : memref<128x128xf32, #tpu.memory_space<vmem>>)
        %dma_start3A_292 = arith.constant 6 : i32
        %dma_start3A_293 = arith.constant 0 : i32
        %dma_start3A_294 = tpu.memref_slice %arg9[%dma_start3A_292, %dma_start3A_293] : memref<8x128xi32, #tpu.memory_space<vmem>> -> memref<1x128xi32, #tpu.memory_space<vmem>>
        %dma_start3A_295 = tpu.memref_squeeze %dma_start3A_294 : memref<1x128xi32, #tpu.memory_space<vmem>> -> memref<128xi32, #tpu.memory_space<vmem>>
        %dma_start3A_296 = arith.constant 0 : i32
        %dma_start3A_297 = arith.constant 0 : i32
        %dma_start3A_298 = tpu.memref_slice %arg7[%dma_start3A_296, %dma_start3A_297] : memref<10008x128xf32, #tpu.memory_space<vmem_shared>> -> memref<10008x128xf32, #tpu.memory_space<vmem_shared>>
        tpu.enqueue_indirect_dma source(%arg10 : memref<128x128xf32, #tpu.memory_space<vmem>>) target(%dma_start3A_298 : memref<10008x128xf32, #tpu.memory_space<vmem_shared>>) offsets(%dma_start3A_295 : memref<128xi32, #tpu.memory_space<vmem>>) semaphore(%arg14 : memref<!tpu.dma_semaphore, #tpu.memory_space<semaphore_mem>>) {add = true}
        %scan3A_299 = arith.constant 0 : i32
        %scan3A_300 = arith.constant 0 : i32
        %scan3A_301 = arith.constant 8 : i32
        %scan3A_302 = arith.addi %scan3A_300, %scan3A_301 : i32
        %scan3A_303 = arith.constant 1 : i32
        %scan3A_304 = scf.for %scan3A_341 = %scan3A_300 to %scan3A_302 step %scan3A_303 iter_args(%scan3A_342 = %scan3A_299) -> (i32)  : i32 {
          %mul3A_343 = arith.constant 16 : i32
          %mul3A_344 = arith.muli %scan3A_341, %mul3A_343 : i32
          %get3A = arith.constant 6 : i32
          %get3A_345 = arith.index_cast %get3A : i32 to index
          %get3A_346 = arith.index_cast %mul3A_344 : i32 to index
          %get3A_347 = tpu.vector_load %arg9[%get3A_345, %get3A_346] {strides = array<i32>} : memref<8x128xi32, #tpu.memory_space<vmem>>, vector<16xi32>,
          tpu.vector_store_idx %arg16[%get3A_347], %broadcast_in_dim3A_41 {add = true} : memref<10240xf32, #tpu.memory_space<vmem>>[vector<16xi32>], vector<16xf32>,
          %scan3A_348 = arith.constant 0 : i32
          scf.yield %scan3A_348 : i32
        }
        %scan3A_305 = arith.constant 8 : i32
        %dma_wait3A_306 = arith.constant 7 : i32
        %dma_wait3A_307 = arith.constant 0 : i32
        %dma_wait3A_308 = tpu.memref_slice %arg8[%dma_wait3A_306, %dma_wait3A_307] : memref<8x128xi32, #tpu.memory_space<vmem>> -> memref<1x128xi32, #tpu.memory_space<vmem>>
        %dma_wait3A_309 = tpu.memref_squeeze %dma_wait3A_308 : memref<1x128xi32, #tpu.memory_space<vmem>> -> memref<128xi32, #tpu.memory_space<vmem>>
        %dma_wait3A_310 = arith.constant 0 : i32
        %dma_wait3A_311 = arith.constant 0 : i32
        %dma_wait3A_312 = tpu.memref_slice %arg2[%dma_wait3A_310, %dma_wait3A_311] : memref<10000x128xf32, #tpu.memory_space<hbm>> -> memref<10000x128xf32, #tpu.memory_space<hbm>>
        tpu.wait_indirect_dma semaphore(%arg13 : memref<!tpu.dma_semaphore, #tpu.memory_space<semaphore_mem>>) src(%dma_wait3A_312 : memref<10000x128xf32, #tpu.memory_space<hbm>>) dst(%arg11 : memref<128x128xf32, #tpu.memory_space<vmem>>)
        %dma_start3A_313 = arith.constant 7 : i32
        %dma_start3A_314 = arith.constant 0 : i32
        %dma_start3A_315 = tpu.memref_slice %arg9[%dma_start3A_313, %dma_start3A_314] : memref<8x128xi32, #tpu.memory_space<vmem>> -> memref<1x128xi32, #tpu.memory_space<vmem>>
        %dma_start3A_316 = tpu.memref_squeeze %dma_start3A_315 : memref<1x128xi32, #tpu.memory_space<vmem>> -> memref<128xi32, #tpu.memory_space<vmem>>
        %dma_start3A_317 = arith.constant 0 : i32
        %dma_start3A_318 = arith.constant 0 : i32
        %dma_start3A_319 = tpu.memref_slice %arg7[%dma_start3A_317, %dma_start3A_318] : memref<10008x128xf32, #tpu.memory_space<vmem_shared>> -> memref<10008x128xf32, #tpu.memory_space<vmem_shared>>
        tpu.enqueue_indirect_dma source(%arg11 : memref<128x128xf32, #tpu.memory_space<vmem>>) target(%dma_start3A_319 : memref<10008x128xf32, #tpu.memory_space<vmem_shared>>) offsets(%dma_start3A_316 : memref<128xi32, #tpu.memory_space<vmem>>) semaphore(%arg15 : memref<!tpu.dma_semaphore, #tpu.memory_space<semaphore_mem>>) {add = true}
        %scan3A_320 = arith.constant 0 : i32
        %scan3A_321 = arith.constant 0 : i32
        %scan3A_322 = arith.constant 8 : i32
        %scan3A_323 = arith.addi %scan3A_321, %scan3A_322 : i32
        %scan3A_324 = arith.constant 1 : i32
        %scan3A_325 = scf.for %scan3A_341 = %scan3A_321 to %scan3A_323 step %scan3A_324 iter_args(%scan3A_342 = %scan3A_320) -> (i32)  : i32 {
          %mul3A_343 = arith.constant 16 : i32
          %mul3A_344 = arith.muli %scan3A_341, %mul3A_343 : i32
          %get3A = arith.constant 7 : i32
          %get3A_345 = arith.index_cast %get3A : i32 to index
          %get3A_346 = arith.index_cast %mul3A_344 : i32 to index
          %get3A_347 = tpu.vector_load %arg9[%get3A_345, %get3A_346] {strides = array<i32>} : memref<8x128xi32, #tpu.memory_space<vmem>>, vector<16xi32>,
          tpu.vector_store_idx %arg16[%get3A_347], %broadcast_in_dim3A_41 {add = true} : memref<10240xf32, #tpu.memory_space<vmem>>[vector<16xi32>], vector<16xf32>,
          %scan3A_348 = arith.constant 0 : i32
          scf.yield %scan3A_348 : i32
        }
        %scan3A_326 = arith.constant 8 : i32
        %dma_wait3A_327 = arith.constant 6 : i32
        %dma_wait3A_328 = arith.constant 0 : i32
        %dma_wait3A_329 = tpu.memref_slice %arg9[%dma_wait3A_327, %dma_wait3A_328] : memref<8x128xi32, #tpu.memory_space<vmem>> -> memref<1x128xi32, #tpu.memory_space<vmem>>
        %dma_wait3A_330 = tpu.memref_squeeze %dma_wait3A_329 : memref<1x128xi32, #tpu.memory_space<vmem>> -> memref<128xi32, #tpu.memory_space<vmem>>
        %dma_wait3A_331 = arith.constant 0 : i32
        %dma_wait3A_332 = arith.constant 0 : i32
        %dma_wait3A_333 = tpu.memref_slice %arg7[%dma_wait3A_331, %dma_wait3A_332] : memref<10008x128xf32, #tpu.memory_space<vmem_shared>> -> memref<10008x128xf32, #tpu.memory_space<vmem_shared>>
        tpu.wait_indirect_dma semaphore(%arg14 : memref<!tpu.dma_semaphore, #tpu.memory_space<semaphore_mem>>) src(%arg10 : memref<128x128xf32, #tpu.memory_space<vmem>>) dst(%dma_wait3A_333 : memref<10008x128xf32, #tpu.memory_space<vmem_shared>>)
        %dma_wait3A_334 = arith.constant 7 : i32
        %dma_wait3A_335 = arith.constant 0 : i32
        %dma_wait3A_336 = tpu.memref_slice %arg9[%dma_wait3A_334, %dma_wait3A_335] : memref<8x128xi32, #tpu.memory_space<vmem>> -> memref<1x128xi32, #tpu.memory_space<vmem>>
        %dma_wait3A_337 = tpu.memref_squeeze %dma_wait3A_336 : memref<1x128xi32, #tpu.memory_space<vmem>> -> memref<128xi32, #tpu.memory_space<vmem>>
        %dma_wait3A_338 = arith.constant 0 : i32
        %dma_wait3A_339 = arith.constant 0 : i32
        %dma_wait3A_340 = tpu.memref_slice %arg7[%dma_wait3A_338, %dma_wait3A_339] : memref<10008x128xf32, #tpu.memory_space<vmem_shared>> -> memref<10008x128xf32, #tpu.memory_space<vmem_shared>>
        tpu.wait_indirect_dma semaphore(%arg15 : memref<!tpu.dma_semaphore, #tpu.memory_space<semaphore_mem>>) src(%arg11 : memref<128x128xf32, #tpu.memory_space<vmem>>) dst(%dma_wait3A_340 : memref<10008x128xf32, #tpu.memory_space<vmem_shared>>)
      } else {
      }
      %scan3A_61 = arith.constant 0 : i32
      scf.yield %scan3A_61 : i32
    }
    %scan3A_48 = arith.constant 10 : i32
    %barrier3A_49 = arith.constant 0 : index
    tpu.barrier barrier_id(%barrier3A_49)
    "tpu.region"() ({
      %run_scoped3A = tpu.sem_alloc : memref<!tpu.dma_semaphore, #tpu.memory_space<semaphore_mem>>
      %dma_start3A = arith.constant 0 : i32
      %dma_start3A_55 = tpu.memref_slice %arg5[%arg0, %mul3A_17, %dma_start3A] : memref<2x10000x128xf32, #tpu.memory_space<hbm>> -> memref<1x624x128xf32, #tpu.memory_space<hbm>>
      %dma_start3A_56 = tpu.memref_squeeze %dma_start3A_55 : memref<1x624x128xf32, #tpu.memory_space<hbm>> -> memref<624x128xf32, #tpu.memory_space<hbm>>
      %dma_start3A_57 = arith.constant 0 : i32
      %dma_start3A_58 = tpu.memref_slice %arg7[%mul3A_17, %dma_start3A_57] : memref<10008x128xf32, #tpu.memory_space<vmem_shared>> -> memref<624x128xf32, #tpu.memory_space<vmem_shared>>
      tpu.enqueue_dma source(%dma_start3A_58 : memref<624x128xf32, #tpu.memory_space<vmem_shared>>) target(%dma_start3A_56 : memref<624x128xf32, #tpu.memory_space<hbm>>) target_semaphore(%run_scoped3A : memref<!tpu.dma_semaphore, #tpu.memory_space<semaphore_mem>>)
      %dma_wait3A = arith.constant 0 : i32
      %dma_wait3A_59 = tpu.memref_slice %arg5[%arg0, %mul3A_17, %dma_wait3A] : memref<2x10000x128xf32, #tpu.memory_space<hbm>> -> memref<1x624x128xf32, #tpu.memory_space<hbm>>
      %dma_wait3A_60 = tpu.memref_squeeze %dma_wait3A_59 : memref<1x624x128xf32, #tpu.memory_space<hbm>> -> memref<624x128xf32, #tpu.memory_space<hbm>>
      %dma_wait3A_61 = arith.constant 0 : i32
      %dma_wait3A_62 = tpu.memref_slice %arg7[%mul3A_17, %dma_wait3A_61] : memref<10008x128xf32, #tpu.memory_space<vmem_shared>> -> memref<624x128xf32, #tpu.memory_space<vmem_shared>>
      tpu.wait_dma2 semaphore(%run_scoped3A : memref<!tpu.dma_semaphore, #tpu.memory_space<semaphore_mem>>) src(%dma_wait3A_62 : memref<624x128xf32, #tpu.memory_space<vmem_shared>>) dst(%dma_wait3A_60 : memref<624x128xf32, #tpu.memory_space<hbm>>)
      tpu.yield
    }) : () -> ()
    %eq3A_50 = arith.constant 15 : i32
    %eq3A_51 = arith.cmpi eq, %arg1, %eq3A_50 : i32
    %convert_element_type3A_52 = arith.extui %eq3A_51 : i1 to i32
    %cond3A_53 = arith.constant 0 : i32
    %cond3A_54 = arith.cmpi ne, %convert_element_type3A_52, %cond3A_53 : i32
    scf.if %cond3A_54 {
      "tpu.region"() ({
        %run_scoped3A = tpu.sem_alloc : memref<!tpu.dma_semaphore, #tpu.memory_space<semaphore_mem>>
        %dma_start3A = arith.constant 9984 : i32
        %dma_start3A_55 = arith.constant 0 : i32
        %dma_start3A_56 = tpu.memref_slice %arg5[%arg0, %dma_start3A, %dma_start3A_55] : memref<2x10000x128xf32, #tpu.memory_space<hbm>> -> memref<1x16x128xf32, #tpu.memory_space<hbm>>
        %dma_start3A_57 = tpu.memref_squeeze %dma_start3A_56 : memref<1x16x128xf32, #tpu.memory_space<hbm>> -> memref<16x128xf32, #tpu.memory_space<hbm>>
        %dma_start3A_58 = arith.constant 9984 : i32
        %dma_start3A_59 = arith.constant 0 : i32
        %dma_start3A_60 = tpu.memref_slice %arg7[%dma_start3A_58, %dma_start3A_59] : memref<10008x128xf32, #tpu.memory_space<vmem_shared>> -> memref<16x128xf32, #tpu.memory_space<vmem_shared>>
        tpu.enqueue_dma source(%dma_start3A_60 : memref<16x128xf32, #tpu.memory_space<vmem_shared>>) target(%dma_start3A_57 : memref<16x128xf32, #tpu.memory_space<hbm>>) target_semaphore(%run_scoped3A : memref<!tpu.dma_semaphore, #tpu.memory_space<semaphore_mem>>)
        %dma_wait3A = arith.constant 9984 : i32
        %dma_wait3A_61 = arith.constant 0 : i32
        %dma_wait3A_62 = tpu.memref_slice %arg5[%arg0, %dma_wait3A, %dma_wait3A_61] : memref<2x10000x128xf32, #tpu.memory_space<hbm>> -> memref<1x16x128xf32, #tpu.memory_space<hbm>>
        %dma_wait3A_63 = tpu.memref_squeeze %dma_wait3A_62 : memref<1x16x128xf32, #tpu.memory_space<hbm>> -> memref<16x128xf32, #tpu.memory_space<hbm>>
        %dma_wait3A_64 = arith.constant 9984 : i32
        %dma_wait3A_65 = arith.constant 0 : i32
        %dma_wait3A_66 = tpu.memref_slice %arg7[%dma_wait3A_64, %dma_wait3A_65] : memref<10008x128xf32, #tpu.memory_space<vmem_shared>> -> memref<16x128xf32, #tpu.memory_space<vmem_shared>>
        tpu.wait_dma2 semaphore(%run_scoped3A : memref<!tpu.dma_semaphore, #tpu.memory_space<semaphore_mem>>) src(%dma_wait3A_66 : memref<16x128xf32, #tpu.memory_space<vmem_shared>>) dst(%dma_wait3A_63 : memref<16x128xf32, #tpu.memory_space<hbm>>)
        tpu.yield
      }) : () -> ()
    } else {
    }
    "tpu.region"() ({
      %run_scoped3A = tpu.sem_alloc : memref<!tpu.dma_semaphore, #tpu.memory_space<semaphore_mem>>
      %dma_start3A = arith.constant 0 : i32
      %dma_start3A_55 = tpu.memref_slice %arg6[%add3A, %dma_start3A] : memref<32x10240xf32, #tpu.memory_space<hbm>> -> memref<1x10240xf32, #tpu.memory_space<hbm>>
      %dma_start3A_56 = tpu.memref_squeeze %dma_start3A_55 : memref<1x10240xf32, #tpu.memory_space<hbm>> -> memref<10240xf32, #tpu.memory_space<hbm>>
      %dma_start3A_57 = arith.constant 0 : i32
      %dma_start3A_58 = tpu.memref_slice %arg6[%add3A, %dma_start3A_57] : memref<32x10240xf32, #tpu.memory_space<hbm>> -> memref<1x10240xf32, #tpu.memory_space<hbm>>
      %dma_start3A_59 = tpu.memref_squeeze %dma_start3A_58 : memref<1x10240xf32, #tpu.memory_space<hbm>> -> memref<10240xf32, #tpu.memory_space<hbm>>
      tpu.enqueue_dma source(%arg16 : memref<10240xf32, #tpu.memory_space<vmem>>) target(%dma_start3A_59 : memref<10240xf32, #tpu.memory_space<hbm>>) target_semaphore(%run_scoped3A : memref<!tpu.dma_semaphore, #tpu.memory_space<semaphore_mem>>)
      %dma_wait3A = arith.constant 0 : i32
      %dma_wait3A_60 = tpu.memref_slice %arg6[%add3A, %dma_wait3A] : memref<32x10240xf32, #tpu.memory_space<hbm>> -> memref<1x10240xf32, #tpu.memory_space<hbm>>
      %dma_wait3A_61 = tpu.memref_squeeze %dma_wait3A_60 : memref<1x10240xf32, #tpu.memory_space<hbm>> -> memref<10240xf32, #tpu.memory_space<hbm>>
      %dma_wait3A_62 = arith.constant 0 : i32
      %dma_wait3A_63 = tpu.memref_slice %arg6[%add3A, %dma_wait3A_62] : memref<32x10240xf32, #tpu.memory_space<hbm>> -> memref<1x10240xf32, #tpu.memory_space<hbm>>
      %dma_wait3A_64 = tpu.memref_squeeze %dma_wait3A_63 : memref<1x10240xf32, #tpu.memory_space<hbm>> -> memref<10240xf32, #tpu.memory_space<hbm>>
      tpu.wait_dma2 semaphore(%run_scoped3A : memref<!tpu.dma_semaphore, #tpu.memory_space<semaphore_mem>>) src(%arg16 : memref<10240xf32, #tpu.memory_space<vmem>>) dst(%dma_wait3A_64 : memref<10240xf32, #tpu.memory_space<hbm>>)
      tpu.yield
    }) : () -> ()
    return
  }
}

#map = affine_map<(d0, d1) -> (0, 0)>
#map1 = affine_map<(d0, d1) -> (0, 0, 0)>
module attributes {stable_mosaic.version = 14 : i64} {
  func.func @sc_kernel(%arg0: i32, %arg1: i32, %arg2: memref<10000x128xf32, #tpu.memory_space<hbm>>, %arg3: memref<313x8x128xi32, #tpu.memory_space<hbm>>, %arg4: memref<313x8x128xi32, #tpu.memory_space<hbm>>, %arg5: memref<2x10000x128xf32, #tpu.memory_space<hbm>>, %arg6: memref<10008x128xf32, #tpu.memory_space<vmem_shared>>, %arg7: memref<8x128xi32, #tpu.memory_space<vmem>>, %arg8: memref<8x128xi32, #tpu.memory_space<vmem>>, %arg9: memref<128x128xf32, #tpu.memory_space<vmem>>, %arg10: memref<128x128xf32, #tpu.memory_space<vmem>>, %arg11: memref<!tpu.dma_semaphore, #tpu.memory_space<semaphore_mem>>, %arg12: memref<!tpu.dma_semaphore, #tpu.memory_space<semaphore_mem>>, %arg13: memref<!tpu.dma_semaphore, #tpu.memory_space<semaphore_mem>>, %arg14: memref<!tpu.dma_semaphore, #tpu.memory_space<semaphore_mem>>) attributes {dimension_semantics = [#tpu.dimension_semantics<core_parallel>, #tpu.dimension_semantics<subcore_parallel>], iteration_bounds = array<i64: 2, 16>, scalar_prefetch = 0 : i64, scratch_operands = 9 : i64, tpu.core_type = #tpu.core_type<sc_vector_subcore>, window_params = [{transform_indices = #map}, {transform_indices = #map1}, {transform_indices = #map1}, {transform_indices = #map1}]} {
    %mul3A = arith.constant 2 : i32
    %mul3A_0 = arith.muli %arg1, %mul3A : i32
    %add3A = arith.addi %mul3A_0, %arg0 : i32
    %mul3A_1 = arith.constant 9 : i32
    %mul3A_2 = arith.muli %add3A, %mul3A_1 : i32
    %min3A = arith.constant 25 : i32
    %min3A_3 = arith.minsi %add3A, %min3A : i32
    %add3A_4 = arith.addi %mul3A_2, %min3A_3 : i32
    %lt3A = arith.constant 25 : i32
    %lt3A_5 = arith.cmpi slt, %add3A, %lt3A : i32
    %jit3A = arith.constant 1 : i32
    %jit3A_6 = arith.constant 0 : i32
    %select_n3A = arith.select %lt3A_5, %jit3A, %jit3A_6 : i32
    %add3A_7 = arith.constant 9 : i32
    %add3A_8 = arith.addi %add3A_7, %select_n3A : i32
    %broadcast_in_dim3A = arith.constant 0.000000e+00 : f32
    %broadcast_in_dim3A_9 = vector.broadcast %broadcast_in_dim3A : f32 to vector<16xf32>
    %scan3A = arith.constant 0 : i32
    %scan3A_10 = arith.constant 0 : i32
    %scan3A_11 = arith.constant 128 : i32
    %scan3A_12 = arith.addi %scan3A_10, %scan3A_11 : i32
    %scan3A_13 = arith.constant 1 : i32
    %scan3A_14 = scf.for %scan3A_44 = %scan3A_10 to %scan3A_12 step %scan3A_13 iter_args(%scan3A_45 = %scan3A) -> (i32)  : i32 {
      %swap3A = arith.index_cast %scan3A_44 : i32 to index
      %swap3A_46 = arith.constant 0 : index
      %swap3A_47 = tpu.vector_load %arg9[%swap3A, %swap3A_46] {strides = array<i32>} : memref<128x128xf32, #tpu.memory_space<vmem>>, vector<16xf32>,
      tpu.vector_store %arg9[%swap3A, %swap3A_46], %broadcast_in_dim3A_9 {strides = array<i32>} : memref<128x128xf32, #tpu.memory_space<vmem>>, vector<16xf32>,
      %swap3A_48 = arith.index_cast %scan3A_44 : i32 to index
      %swap3A_49 = arith.constant 16 : index
      %swap3A_50 = tpu.vector_load %arg9[%swap3A_48, %swap3A_49] {strides = array<i32>} : memref<128x128xf32, #tpu.memory_space<vmem>>, vector<16xf32>,
      tpu.vector_store %arg9[%swap3A_48, %swap3A_49], %broadcast_in_dim3A_9 {strides = array<i32>} : memref<128x128xf32, #tpu.memory_space<vmem>>, vector<16xf32>,
      %swap3A_51 = arith.index_cast %scan3A_44 : i32 to index
      %swap3A_52 = arith.constant 32 : index
      %swap3A_53 = tpu.vector_load %arg9[%swap3A_51, %swap3A_52] {strides = array<i32>} : memref<128x128xf32, #tpu.memory_space<vmem>>, vector<16xf32>,
      tpu.vector_store %arg9[%swap3A_51, %swap3A_52], %broadcast_in_dim3A_9 {strides = array<i32>} : memref<128x128xf32, #tpu.memory_space<vmem>>, vector<16xf32>,
      %swap3A_54 = arith.index_cast %scan3A_44 : i32 to index
      %swap3A_55 = arith.constant 48 : index
      %swap3A_56 = tpu.vector_load %arg9[%swap3A_54, %swap3A_55] {strides = array<i32>} : memref<128x128xf32, #tpu.memory_space<vmem>>, vector<16xf32>,
      tpu.vector_store %arg9[%swap3A_54, %swap3A_55], %broadcast_in_dim3A_9 {strides = array<i32>} : memref<128x128xf32, #tpu.memory_space<vmem>>, vector<16xf32>,
      %swap3A_57 = arith.index_cast %scan3A_44 : i32 to index
      %swap3A_58 = arith.constant 64 : index
      %swap3A_59 = tpu.vector_load %arg9[%swap3A_57, %swap3A_58] {strides = array<i32>} : memref<128x128xf32, #tpu.memory_space<vmem>>, vector<16xf32>,
      tpu.vector_store %arg9[%swap3A_57, %swap3A_58], %broadcast_in_dim3A_9 {strides = array<i32>} : memref<128x128xf32, #tpu.memory_space<vmem>>, vector<16xf32>,
      %swap3A_60 = arith.index_cast %scan3A_44 : i32 to index
      %swap3A_61 = arith.constant 80 : index
      %swap3A_62 = tpu.vector_load %arg9[%swap3A_60, %swap3A_61] {strides = array<i32>} : memref<128x128xf32, #tpu.memory_space<vmem>>, vector<16xf32>,
      tpu.vector_store %arg9[%swap3A_60, %swap3A_61], %broadcast_in_dim3A_9 {strides = array<i32>} : memref<128x128xf32, #tpu.memory_space<vmem>>, vector<16xf32>,
      %swap3A_63 = arith.index_cast %scan3A_44 : i32 to index
      %swap3A_64 = arith.constant 96 : index
      %swap3A_65 = tpu.vector_load %arg9[%swap3A_63, %swap3A_64] {strides = array<i32>} : memref<128x128xf32, #tpu.memory_space<vmem>>, vector<16xf32>,
      tpu.vector_store %arg9[%swap3A_63, %swap3A_64], %broadcast_in_dim3A_9 {strides = array<i32>} : memref<128x128xf32, #tpu.memory_space<vmem>>, vector<16xf32>,
      %swap3A_66 = arith.index_cast %scan3A_44 : i32 to index
      %swap3A_67 = arith.constant 112 : index
      %swap3A_68 = tpu.vector_load %arg9[%swap3A_66, %swap3A_67] {strides = array<i32>} : memref<128x128xf32, #tpu.memory_space<vmem>>, vector<16xf32>,
      tpu.vector_store %arg9[%swap3A_66, %swap3A_67], %broadcast_in_dim3A_9 {strides = array<i32>} : memref<128x128xf32, #tpu.memory_space<vmem>>, vector<16xf32>,
      %scan3A_69 = arith.constant 0 : i32
      scf.yield %scan3A_69 : i32
    }
    %scan3A_15 = arith.constant 128 : i32
    %mul3A_16 = arith.constant 624 : i32
    %mul3A_17 = arith.muli %arg1, %mul3A_16 : i32
    %add3A_18 = arith.constant 0 : i32
    %add3A_19 = arith.addi %mul3A_17, %add3A_18 : i32
    "tpu.region"() ({
      %run_scoped3A = tpu.sem_alloc : memref<!tpu.dma_semaphore, #tpu.memory_space<semaphore_mem>>
      %dma_start3A = arith.constant 0 : i32
      %dma_start3A_44 = tpu.memref_slice %arg6[%add3A_19, %dma_start3A] : memref<10008x128xf32, #tpu.memory_space<vmem_shared>> -> memref<128x128xf32, #tpu.memory_space<vmem_shared>>
      %dma_start3A_45 = arith.constant 0 : i32
      %dma_start3A_46 = tpu.memref_slice %arg6[%add3A_19, %dma_start3A_45] : memref<10008x128xf32, #tpu.memory_space<vmem_shared>> -> memref<128x128xf32, #tpu.memory_space<vmem_shared>>
      tpu.enqueue_dma source(%arg9 : memref<128x128xf32, #tpu.memory_space<vmem>>) target(%dma_start3A_46 : memref<128x128xf32, #tpu.memory_space<vmem_shared>>) target_semaphore(%run_scoped3A : memref<!tpu.dma_semaphore, #tpu.memory_space<semaphore_mem>>)
      %dma_wait3A = arith.constant 0 : i32
      %dma_wait3A_47 = tpu.memref_slice %arg6[%add3A_19, %dma_wait3A] : memref<10008x128xf32, #tpu.memory_space<vmem_shared>> -> memref<128x128xf32, #tpu.memory_space<vmem_shared>>
      %dma_wait3A_48 = arith.constant 0 : i32
      %dma_wait3A_49 = tpu.memref_slice %arg6[%add3A_19, %dma_wait3A_48] : memref<10008x128xf32, #tpu.memory_space<vmem_shared>> -> memref<128x128xf32, #tpu.memory_space<vmem_shared>>
      tpu.wait_dma2 semaphore(%run_scoped3A : memref<!tpu.dma_semaphore, #tpu.memory_space<semaphore_mem>>) src(%arg9 : memref<128x128xf32, #tpu.memory_space<vmem>>) dst(%dma_wait3A_49 : memref<128x128xf32, #tpu.memory_space<vmem_shared>>)
      tpu.yield
    }) : () -> ()
    %add3A_20 = arith.constant 128 : i32
    %add3A_21 = arith.addi %mul3A_17, %add3A_20 : i32
    "tpu.region"() ({
      %run_scoped3A = tpu.sem_alloc : memref<!tpu.dma_semaphore, #tpu.memory_space<semaphore_mem>>
      %dma_start3A = arith.constant 0 : i32
      %dma_start3A_44 = tpu.memref_slice %arg6[%add3A_21, %dma_start3A] : memref<10008x128xf32, #tpu.memory_space<vmem_shared>> -> memref<128x128xf32, #tpu.memory_space<vmem_shared>>
      %dma_start3A_45 = arith.constant 0 : i32
      %dma_start3A_46 = tpu.memref_slice %arg6[%add3A_21, %dma_start3A_45] : memref<10008x128xf32, #tpu.memory_space<vmem_shared>> -> memref<128x128xf32, #tpu.memory_space<vmem_shared>>
      tpu.enqueue_dma source(%arg9 : memref<128x128xf32, #tpu.memory_space<vmem>>) target(%dma_start3A_46 : memref<128x128xf32, #tpu.memory_space<vmem_shared>>) target_semaphore(%run_scoped3A : memref<!tpu.dma_semaphore, #tpu.memory_space<semaphore_mem>>)
      %dma_wait3A = arith.constant 0 : i32
      %dma_wait3A_47 = tpu.memref_slice %arg6[%add3A_21, %dma_wait3A] : memref<10008x128xf32, #tpu.memory_space<vmem_shared>> -> memref<128x128xf32, #tpu.memory_space<vmem_shared>>
      %dma_wait3A_48 = arith.constant 0 : i32
      %dma_wait3A_49 = tpu.memref_slice %arg6[%add3A_21, %dma_wait3A_48] : memref<10008x128xf32, #tpu.memory_space<vmem_shared>> -> memref<128x128xf32, #tpu.memory_space<vmem_shared>>
      tpu.wait_dma2 semaphore(%run_scoped3A : memref<!tpu.dma_semaphore, #tpu.memory_space<semaphore_mem>>) src(%arg9 : memref<128x128xf32, #tpu.memory_space<vmem>>) dst(%dma_wait3A_49 : memref<128x128xf32, #tpu.memory_space<vmem_shared>>)
      tpu.yield
    }) : () -> ()
    %add3A_22 = arith.constant 256 : i32
    %add3A_23 = arith.addi %mul3A_17, %add3A_22 : i32
    "tpu.region"() ({
      %run_scoped3A = tpu.sem_alloc : memref<!tpu.dma_semaphore, #tpu.memory_space<semaphore_mem>>
      %dma_start3A = arith.constant 0 : i32
      %dma_start3A_44 = tpu.memref_slice %arg6[%add3A_23, %dma_start3A] : memref<10008x128xf32, #tpu.memory_space<vmem_shared>> -> memref<128x128xf32, #tpu.memory_space<vmem_shared>>
      %dma_start3A_45 = arith.constant 0 : i32
      %dma_start3A_46 = tpu.memref_slice %arg6[%add3A_23, %dma_start3A_45] : memref<10008x128xf32, #tpu.memory_space<vmem_shared>> -> memref<128x128xf32, #tpu.memory_space<vmem_shared>>
      tpu.enqueue_dma source(%arg9 : memref<128x128xf32, #tpu.memory_space<vmem>>) target(%dma_start3A_46 : memref<128x128xf32, #tpu.memory_space<vmem_shared>>) target_semaphore(%run_scoped3A : memref<!tpu.dma_semaphore, #tpu.memory_space<semaphore_mem>>)
      %dma_wait3A = arith.constant 0 : i32
      %dma_wait3A_47 = tpu.memref_slice %arg6[%add3A_23, %dma_wait3A] : memref<10008x128xf32, #tpu.memory_space<vmem_shared>> -> memref<128x128xf32, #tpu.memory_space<vmem_shared>>
      %dma_wait3A_48 = arith.constant 0 : i32
      %dma_wait3A_49 = tpu.memref_slice %arg6[%add3A_23, %dma_wait3A_48] : memref<10008x128xf32, #tpu.memory_space<vmem_shared>> -> memref<128x128xf32, #tpu.memory_space<vmem_shared>>
      tpu.wait_dma2 semaphore(%run_scoped3A : memref<!tpu.dma_semaphore, #tpu.memory_space<semaphore_mem>>) src(%arg9 : memref<128x128xf32, #tpu.memory_space<vmem>>) dst(%dma_wait3A_49 : memref<128x128xf32, #tpu.memory_space<vmem_shared>>)
      tpu.yield
    }) : () -> ()
    %add3A_24 = arith.constant 384 : i32
    %add3A_25 = arith.addi %mul3A_17, %add3A_24 : i32
    "tpu.region"() ({
      %run_scoped3A = tpu.sem_alloc : memref<!tpu.dma_semaphore, #tpu.memory_space<semaphore_mem>>
      %dma_start3A = arith.constant 0 : i32
      %dma_start3A_44 = tpu.memref_slice %arg6[%add3A_25, %dma_start3A] : memref<10008x128xf32, #tpu.memory_space<vmem_shared>> -> memref<128x128xf32, #tpu.memory_space<vmem_shared>>
      %dma_start3A_45 = arith.constant 0 : i32
      %dma_start3A_46 = tpu.memref_slice %arg6[%add3A_25, %dma_start3A_45] : memref<10008x128xf32, #tpu.memory_space<vmem_shared>> -> memref<128x128xf32, #tpu.memory_space<vmem_shared>>
      tpu.enqueue_dma source(%arg9 : memref<128x128xf32, #tpu.memory_space<vmem>>) target(%dma_start3A_46 : memref<128x128xf32, #tpu.memory_space<vmem_shared>>) target_semaphore(%run_scoped3A : memref<!tpu.dma_semaphore, #tpu.memory_space<semaphore_mem>>)
      %dma_wait3A = arith.constant 0 : i32
      %dma_wait3A_47 = tpu.memref_slice %arg6[%add3A_25, %dma_wait3A] : memref<10008x128xf32, #tpu.memory_space<vmem_shared>> -> memref<128x128xf32, #tpu.memory_space<vmem_shared>>
      %dma_wait3A_48 = arith.constant 0 : i32
      %dma_wait3A_49 = tpu.memref_slice %arg6[%add3A_25, %dma_wait3A_48] : memref<10008x128xf32, #tpu.memory_space<vmem_shared>> -> memref<128x128xf32, #tpu.memory_space<vmem_shared>>
      tpu.wait_dma2 semaphore(%run_scoped3A : memref<!tpu.dma_semaphore, #tpu.memory_space<semaphore_mem>>) src(%arg9 : memref<128x128xf32, #tpu.memory_space<vmem>>) dst(%dma_wait3A_49 : memref<128x128xf32, #tpu.memory_space<vmem_shared>>)
      tpu.yield
    }) : () -> ()
    %add3A_26 = arith.constant 624 : i32
    %add3A_27 = arith.addi %mul3A_17, %add3A_26 : i32
    %sub3A = arith.constant 112 : i32
    %sub3A_28 = arith.subi %add3A_27, %sub3A : i32
    "tpu.region"() ({
      %run_scoped3A = tpu.sem_alloc : memref<!tpu.dma_semaphore, #tpu.memory_space<semaphore_mem>>
      %dma_start3A = arith.constant 0 : i32
      %dma_start3A_44 = arith.constant 0 : i32
      %dma_start3A_45 = tpu.memref_slice %arg9[%dma_start3A, %dma_start3A_44] : memref<128x128xf32, #tpu.memory_space<vmem>> -> memref<112x128xf32, #tpu.memory_space<vmem>>
      %dma_start3A_46 = arith.constant 0 : i32
      %dma_start3A_47 = tpu.memref_slice %arg6[%sub3A_28, %dma_start3A_46] : memref<10008x128xf32, #tpu.memory_space<vmem_shared>> -> memref<112x128xf32, #tpu.memory_space<vmem_shared>>
      %dma_start3A_48 = arith.constant 0 : i32
      %dma_start3A_49 = tpu.memref_slice %arg6[%sub3A_28, %dma_start3A_48] : memref<10008x128xf32, #tpu.memory_space<vmem_shared>> -> memref<112x128xf32, #tpu.memory_space<vmem_shared>>
      %dma_start3A_50 = arith.constant 0 : i32
      %dma_start3A_51 = arith.constant 0 : i32
      %dma_start3A_52 = tpu.memref_slice %arg9[%dma_start3A_50, %dma_start3A_51] : memref<128x128xf32, #tpu.memory_space<vmem>> -> memref<112x128xf32, #tpu.memory_space<vmem>>
      tpu.enqueue_dma source(%dma_start3A_52 : memref<112x128xf32, #tpu.memory_space<vmem>>) target(%dma_start3A_49 : memref<112x128xf32, #tpu.memory_space<vmem_shared>>) target_semaphore(%run_scoped3A : memref<!tpu.dma_semaphore, #tpu.memory_space<semaphore_mem>>)
      %dma_wait3A = arith.constant 0 : i32
      %dma_wait3A_53 = arith.constant 0 : i32
      %dma_wait3A_54 = tpu.memref_slice %arg9[%dma_wait3A, %dma_wait3A_53] : memref<128x128xf32, #tpu.memory_space<vmem>> -> memref<112x128xf32, #tpu.memory_space<vmem>>
      %dma_wait3A_55 = arith.constant 0 : i32
      %dma_wait3A_56 = tpu.memref_slice %arg6[%sub3A_28, %dma_wait3A_55] : memref<10008x128xf32, #tpu.memory_space<vmem_shared>> -> memref<112x128xf32, #tpu.memory_space<vmem_shared>>
      %dma_wait3A_57 = arith.constant 0 : i32
      %dma_wait3A_58 = tpu.memref_slice %arg6[%sub3A_28, %dma_wait3A_57] : memref<10008x128xf32, #tpu.memory_space<vmem_shared>> -> memref<112x128xf32, #tpu.memory_space<vmem_shared>>
      %dma_wait3A_59 = arith.constant 0 : i32
      %dma_wait3A_60 = arith.constant 0 : i32
      %dma_wait3A_61 = tpu.memref_slice %arg9[%dma_wait3A_59, %dma_wait3A_60] : memref<128x128xf32, #tpu.memory_space<vmem>> -> memref<112x128xf32, #tpu.memory_space<vmem>>
      tpu.wait_dma2 semaphore(%run_scoped3A : memref<!tpu.dma_semaphore, #tpu.memory_space<semaphore_mem>>) src(%dma_wait3A_61 : memref<112x128xf32, #tpu.memory_space<vmem>>) dst(%dma_wait3A_58 : memref<112x128xf32, #tpu.memory_space<vmem_shared>>)
      tpu.yield
    }) : () -> ()
    %eq3A = arith.constant 15 : i32
    %eq3A_29 = arith.cmpi eq, %arg1, %eq3A : i32
    %convert_element_type3A = arith.extui %eq3A_29 : i1 to i32
    %cond3A = arith.constant 0 : i32
    %cond3A_30 = arith.cmpi ne, %convert_element_type3A, %cond3A : i32
    scf.if %cond3A_30 {
      "tpu.region"() ({
        %run_scoped3A = tpu.sem_alloc : memref<!tpu.dma_semaphore, #tpu.memory_space<semaphore_mem>>
        %dma_start3A = arith.constant 0 : i32
        %dma_start3A_44 = arith.constant 0 : i32
        %dma_start3A_45 = tpu.memref_slice %arg9[%dma_start3A, %dma_start3A_44] : memref<128x128xf32, #tpu.memory_space<vmem>> -> memref<16x128xf32, #tpu.memory_space<vmem>>
        %dma_start3A_46 = arith.constant 9984 : i32
        %dma_start3A_47 = arith.constant 0 : i32
        %dma_start3A_48 = tpu.memref_slice %arg6[%dma_start3A_46, %dma_start3A_47] : memref<10008x128xf32, #tpu.memory_space<vmem_shared>> -> memref<16x128xf32, #tpu.memory_space<vmem_shared>>
        %dma_start3A_49 = arith.constant 9984 : i32
        %dma_start3A_50 = arith.constant 0 : i32
        %dma_start3A_51 = tpu.memref_slice %arg6[%dma_start3A_49, %dma_start3A_50] : memref<10008x128xf32, #tpu.memory_space<vmem_shared>> -> memref<16x128xf32, #tpu.memory_space<vmem_shared>>
        %dma_start3A_52 = arith.constant 0 : i32
        %dma_start3A_53 = arith.constant 0 : i32
        %dma_start3A_54 = tpu.memref_slice %arg9[%dma_start3A_52, %dma_start3A_53] : memref<128x128xf32, #tpu.memory_space<vmem>> -> memref<16x128xf32, #tpu.memory_space<vmem>>
        tpu.enqueue_dma source(%dma_start3A_54 : memref<16x128xf32, #tpu.memory_space<vmem>>) target(%dma_start3A_51 : memref<16x128xf32, #tpu.memory_space<vmem_shared>>) target_semaphore(%run_scoped3A : memref<!tpu.dma_semaphore, #tpu.memory_space<semaphore_mem>>)
        %dma_wait3A = arith.constant 0 : i32
        %dma_wait3A_55 = arith.constant 0 : i32
        %dma_wait3A_56 = tpu.memref_slice %arg9[%dma_wait3A, %dma_wait3A_55] : memref<128x128xf32, #tpu.memory_space<vmem>> -> memref<16x128xf32, #tpu.memory_space<vmem>>
        %dma_wait3A_57 = arith.constant 9984 : i32
        %dma_wait3A_58 = arith.constant 0 : i32
        %dma_wait3A_59 = tpu.memref_slice %arg6[%dma_wait3A_57, %dma_wait3A_58] : memref<10008x128xf32, #tpu.memory_space<vmem_shared>> -> memref<16x128xf32, #tpu.memory_space<vmem_shared>>
        %dma_wait3A_60 = arith.constant 9984 : i32
        %dma_wait3A_61 = arith.constant 0 : i32
        %dma_wait3A_62 = tpu.memref_slice %arg6[%dma_wait3A_60, %dma_wait3A_61] : memref<10008x128xf32, #tpu.memory_space<vmem_shared>> -> memref<16x128xf32, #tpu.memory_space<vmem_shared>>
        %dma_wait3A_63 = arith.constant 0 : i32
        %dma_wait3A_64 = arith.constant 0 : i32
        %dma_wait3A_65 = tpu.memref_slice %arg9[%dma_wait3A_63, %dma_wait3A_64] : memref<128x128xf32, #tpu.memory_space<vmem>> -> memref<16x128xf32, #tpu.memory_space<vmem>>
        tpu.wait_dma2 semaphore(%run_scoped3A : memref<!tpu.dma_semaphore, #tpu.memory_space<semaphore_mem>>) src(%dma_wait3A_65 : memref<16x128xf32, #tpu.memory_space<vmem>>) dst(%dma_wait3A_62 : memref<16x128xf32, #tpu.memory_space<vmem_shared>>)
        tpu.yield
      }) : () -> ()
    } else {
    }
    %barrier3A = arith.constant 0 : index
    tpu.barrier barrier_id(%barrier3A)
    %scan3A_31 = arith.constant 0 : i32
    %scan3A_32 = arith.constant 0 : i32
    %scan3A_33 = arith.constant 10 : i32
    %scan3A_34 = arith.addi %scan3A_32, %scan3A_33 : i32
    %scan3A_35 = arith.constant 1 : i32
    %scan3A_36 = scf.for %scan3A_44 = %scan3A_32 to %scan3A_34 step %scan3A_35 iter_args(%scan3A_45 = %scan3A_31) -> (i32)  : i32 {
      %lt3A_46 = arith.cmpi slt, %scan3A_44, %add3A_8 : i32
      %convert_element_type3A_47 = arith.extui %lt3A_46 : i1 to i32
      %cond3A_48 = arith.constant 0 : i32
      %cond3A_49 = arith.cmpi ne, %convert_element_type3A_47, %cond3A_48 : i32
      scf.if %cond3A_49 {
        %add3A_51 = arith.addi %add3A_4, %scan3A_44 : i32
        "tpu.region"() ({
          %run_scoped3A = tpu.sem_alloc : memref<!tpu.dma_semaphore, #tpu.memory_space<semaphore_mem>>
          %dma_start3A_274 = arith.constant 0 : i32
          %dma_start3A_275 = arith.constant 0 : i32
          %dma_start3A_276 = tpu.memref_slice %arg3[%add3A_51, %dma_start3A_274, %dma_start3A_275] : memref<313x8x128xi32, #tpu.memory_space<hbm>> -> memref<1x8x128xi32, #tpu.memory_space<hbm>>
          %dma_start3A_277 = tpu.memref_squeeze %dma_start3A_276 : memref<1x8x128xi32, #tpu.memory_space<hbm>> -> memref<8x128xi32, #tpu.memory_space<hbm>>
          %dma_start3A_278 = arith.constant 0 : i32
          %dma_start3A_279 = arith.constant 0 : i32
          %dma_start3A_280 = tpu.memref_slice %arg3[%add3A_51, %dma_start3A_278, %dma_start3A_279] : memref<313x8x128xi32, #tpu.memory_space<hbm>> -> memref<1x8x128xi32, #tpu.memory_space<hbm>>
          %dma_start3A_281 = tpu.memref_squeeze %dma_start3A_280 : memref<1x8x128xi32, #tpu.memory_space<hbm>> -> memref<8x128xi32, #tpu.memory_space<hbm>>
          tpu.enqueue_dma source(%dma_start3A_281 : memref<8x128xi32, #tpu.memory_space<hbm>>) target(%arg7 : memref<8x128xi32, #tpu.memory_space<vmem>>) target_semaphore(%run_scoped3A : memref<!tpu.dma_semaphore, #tpu.memory_space<semaphore_mem>>)
          %dma_wait3A_282 = arith.constant 0 : i32
          %dma_wait3A_283 = arith.constant 0 : i32
          %dma_wait3A_284 = tpu.memref_slice %arg3[%add3A_51, %dma_wait3A_282, %dma_wait3A_283] : memref<313x8x128xi32, #tpu.memory_space<hbm>> -> memref<1x8x128xi32, #tpu.memory_space<hbm>>
          %dma_wait3A_285 = tpu.memref_squeeze %dma_wait3A_284 : memref<1x8x128xi32, #tpu.memory_space<hbm>> -> memref<8x128xi32, #tpu.memory_space<hbm>>
          %dma_wait3A_286 = arith.constant 0 : i32
          %dma_wait3A_287 = arith.constant 0 : i32
          %dma_wait3A_288 = tpu.memref_slice %arg3[%add3A_51, %dma_wait3A_286, %dma_wait3A_287] : memref<313x8x128xi32, #tpu.memory_space<hbm>> -> memref<1x8x128xi32, #tpu.memory_space<hbm>>
          %dma_wait3A_289 = tpu.memref_squeeze %dma_wait3A_288 : memref<1x8x128xi32, #tpu.memory_space<hbm>> -> memref<8x128xi32, #tpu.memory_space<hbm>>
          tpu.wait_dma2 semaphore(%run_scoped3A : memref<!tpu.dma_semaphore, #tpu.memory_space<semaphore_mem>>) src(%dma_wait3A_289 : memref<8x128xi32, #tpu.memory_space<hbm>>) dst(%arg7 : memref<8x128xi32, #tpu.memory_space<vmem>>)
          tpu.yield
        }) : () -> ()
        "tpu.region"() ({
          %run_scoped3A = tpu.sem_alloc : memref<!tpu.dma_semaphore, #tpu.memory_space<semaphore_mem>>
          %dma_start3A_274 = arith.constant 0 : i32
          %dma_start3A_275 = arith.constant 0 : i32
          %dma_start3A_276 = tpu.memref_slice %arg4[%add3A_51, %dma_start3A_274, %dma_start3A_275] : memref<313x8x128xi32, #tpu.memory_space<hbm>> -> memref<1x8x128xi32, #tpu.memory_space<hbm>>
          %dma_start3A_277 = tpu.memref_squeeze %dma_start3A_276 : memref<1x8x128xi32, #tpu.memory_space<hbm>> -> memref<8x128xi32, #tpu.memory_space<hbm>>
          %dma_start3A_278 = arith.constant 0 : i32
          %dma_start3A_279 = arith.constant 0 : i32
          %dma_start3A_280 = tpu.memref_slice %arg4[%add3A_51, %dma_start3A_278, %dma_start3A_279] : memref<313x8x128xi32, #tpu.memory_space<hbm>> -> memref<1x8x128xi32, #tpu.memory_space<hbm>>
          %dma_start3A_281 = tpu.memref_squeeze %dma_start3A_280 : memref<1x8x128xi32, #tpu.memory_space<hbm>> -> memref<8x128xi32, #tpu.memory_space<hbm>>
          tpu.enqueue_dma source(%dma_start3A_281 : memref<8x128xi32, #tpu.memory_space<hbm>>) target(%arg8 : memref<8x128xi32, #tpu.memory_space<vmem>>) target_semaphore(%run_scoped3A : memref<!tpu.dma_semaphore, #tpu.memory_space<semaphore_mem>>)
          %dma_wait3A_282 = arith.constant 0 : i32
          %dma_wait3A_283 = arith.constant 0 : i32
          %dma_wait3A_284 = tpu.memref_slice %arg4[%add3A_51, %dma_wait3A_282, %dma_wait3A_283] : memref<313x8x128xi32, #tpu.memory_space<hbm>> -> memref<1x8x128xi32, #tpu.memory_space<hbm>>
          %dma_wait3A_285 = tpu.memref_squeeze %dma_wait3A_284 : memref<1x8x128xi32, #tpu.memory_space<hbm>> -> memref<8x128xi32, #tpu.memory_space<hbm>>
          %dma_wait3A_286 = arith.constant 0 : i32
          %dma_wait3A_287 = arith.constant 0 : i32
          %dma_wait3A_288 = tpu.memref_slice %arg4[%add3A_51, %dma_wait3A_286, %dma_wait3A_287] : memref<313x8x128xi32, #tpu.memory_space<hbm>> -> memref<1x8x128xi32, #tpu.memory_space<hbm>>
          %dma_wait3A_289 = tpu.memref_squeeze %dma_wait3A_288 : memref<1x8x128xi32, #tpu.memory_space<hbm>> -> memref<8x128xi32, #tpu.memory_space<hbm>>
          tpu.wait_dma2 semaphore(%run_scoped3A : memref<!tpu.dma_semaphore, #tpu.memory_space<semaphore_mem>>) src(%dma_wait3A_289 : memref<8x128xi32, #tpu.memory_space<hbm>>) dst(%arg8 : memref<8x128xi32, #tpu.memory_space<vmem>>)
          tpu.yield
        }) : () -> ()
        %dma_start3A = arith.constant 0 : i32
        %dma_start3A_52 = arith.constant 0 : i32
        %dma_start3A_53 = tpu.memref_slice %arg7[%dma_start3A, %dma_start3A_52] : memref<8x128xi32, #tpu.memory_space<vmem>> -> memref<1x128xi32, #tpu.memory_space<vmem>>
        %dma_start3A_54 = tpu.memref_squeeze %dma_start3A_53 : memref<1x128xi32, #tpu.memory_space<vmem>> -> memref<128xi32, #tpu.memory_space<vmem>>
        %dma_start3A_55 = arith.constant 0 : i32
        %dma_start3A_56 = arith.constant 0 : i32
        %dma_start3A_57 = tpu.memref_slice %arg2[%dma_start3A_55, %dma_start3A_56] : memref<10000x128xf32, #tpu.memory_space<hbm>> -> memref<10000x128xf32, #tpu.memory_space<hbm>>
        tpu.enqueue_indirect_dma source(%dma_start3A_57 : memref<10000x128xf32, #tpu.memory_space<hbm>>) target(%arg9 : memref<128x128xf32, #tpu.memory_space<vmem>>) offsets(%dma_start3A_54 : memref<128xi32, #tpu.memory_space<vmem>>) semaphore(%arg11 : memref<!tpu.dma_semaphore, #tpu.memory_space<semaphore_mem>>)
        %dma_start3A_58 = arith.constant 1 : i32
        %dma_start3A_59 = arith.constant 0 : i32
        %dma_start3A_60 = tpu.memref_slice %arg7[%dma_start3A_58, %dma_start3A_59] : memref<8x128xi32, #tpu.memory_space<vmem>> -> memref<1x128xi32, #tpu.memory_space<vmem>>
        %dma_start3A_61 = tpu.memref_squeeze %dma_start3A_60 : memref<1x128xi32, #tpu.memory_space<vmem>> -> memref<128xi32, #tpu.memory_space<vmem>>
        %dma_start3A_62 = arith.constant 0 : i32
        %dma_start3A_63 = arith.constant 0 : i32
        %dma_start3A_64 = tpu.memref_slice %arg2[%dma_start3A_62, %dma_start3A_63] : memref<10000x128xf32, #tpu.memory_space<hbm>> -> memref<10000x128xf32, #tpu.memory_space<hbm>>
        tpu.enqueue_indirect_dma source(%dma_start3A_64 : memref<10000x128xf32, #tpu.memory_space<hbm>>) target(%arg10 : memref<128x128xf32, #tpu.memory_space<vmem>>) offsets(%dma_start3A_61 : memref<128xi32, #tpu.memory_space<vmem>>) semaphore(%arg12 : memref<!tpu.dma_semaphore, #tpu.memory_space<semaphore_mem>>)
        %dma_wait3A = arith.constant 0 : i32
        %dma_wait3A_65 = arith.constant 0 : i32
        %dma_wait3A_66 = tpu.memref_slice %arg7[%dma_wait3A, %dma_wait3A_65] : memref<8x128xi32, #tpu.memory_space<vmem>> -> memref<1x128xi32, #tpu.memory_space<vmem>>
        %dma_wait3A_67 = tpu.memref_squeeze %dma_wait3A_66 : memref<1x128xi32, #tpu.memory_space<vmem>> -> memref<128xi32, #tpu.memory_space<vmem>>
        %dma_wait3A_68 = arith.constant 0 : i32
        %dma_wait3A_69 = arith.constant 0 : i32
        %dma_wait3A_70 = tpu.memref_slice %arg2[%dma_wait3A_68, %dma_wait3A_69] : memref<10000x128xf32, #tpu.memory_space<hbm>> -> memref<10000x128xf32, #tpu.memory_space<hbm>>
        tpu.wait_indirect_dma semaphore(%arg11 : memref<!tpu.dma_semaphore, #tpu.memory_space<semaphore_mem>>) src(%dma_wait3A_70 : memref<10000x128xf32, #tpu.memory_space<hbm>>) dst(%arg9 : memref<128x128xf32, #tpu.memory_space<vmem>>)
        %dma_start3A_71 = arith.constant 0 : i32
        %dma_start3A_72 = arith.constant 0 : i32
        %dma_start3A_73 = tpu.memref_slice %arg8[%dma_start3A_71, %dma_start3A_72] : memref<8x128xi32, #tpu.memory_space<vmem>> -> memref<1x128xi32, #tpu.memory_space<vmem>>
        %dma_start3A_74 = tpu.memref_squeeze %dma_start3A_73 : memref<1x128xi32, #tpu.memory_space<vmem>> -> memref<128xi32, #tpu.memory_space<vmem>>
        %dma_start3A_75 = arith.constant 0 : i32
        %dma_start3A_76 = arith.constant 0 : i32
        %dma_start3A_77 = tpu.memref_slice %arg6[%dma_start3A_75, %dma_start3A_76] : memref<10008x128xf32, #tpu.memory_space<vmem_shared>> -> memref<10008x128xf32, #tpu.memory_space<vmem_shared>>
        tpu.enqueue_indirect_dma source(%arg9 : memref<128x128xf32, #tpu.memory_space<vmem>>) target(%dma_start3A_77 : memref<10008x128xf32, #tpu.memory_space<vmem_shared>>) offsets(%dma_start3A_74 : memref<128xi32, #tpu.memory_space<vmem>>) semaphore(%arg13 : memref<!tpu.dma_semaphore, #tpu.memory_space<semaphore_mem>>) {add = true}
        %dma_wait3A_78 = arith.constant 0 : i32
        %dma_wait3A_79 = arith.constant 0 : i32
        %dma_wait3A_80 = tpu.memref_slice %arg8[%dma_wait3A_78, %dma_wait3A_79] : memref<8x128xi32, #tpu.memory_space<vmem>> -> memref<1x128xi32, #tpu.memory_space<vmem>>
        %dma_wait3A_81 = tpu.memref_squeeze %dma_wait3A_80 : memref<1x128xi32, #tpu.memory_space<vmem>> -> memref<128xi32, #tpu.memory_space<vmem>>
        %dma_wait3A_82 = arith.constant 0 : i32
        %dma_wait3A_83 = arith.constant 0 : i32
        %dma_wait3A_84 = tpu.memref_slice %arg6[%dma_wait3A_82, %dma_wait3A_83] : memref<10008x128xf32, #tpu.memory_space<vmem_shared>> -> memref<10008x128xf32, #tpu.memory_space<vmem_shared>>
        tpu.wait_indirect_dma semaphore(%arg13 : memref<!tpu.dma_semaphore, #tpu.memory_space<semaphore_mem>>) src(%arg9 : memref<128x128xf32, #tpu.memory_space<vmem>>) dst(%dma_wait3A_84 : memref<10008x128xf32, #tpu.memory_space<vmem_shared>>)
        %dma_start3A_85 = arith.constant 2 : i32
        %dma_start3A_86 = arith.constant 0 : i32
        %dma_start3A_87 = tpu.memref_slice %arg7[%dma_start3A_85, %dma_start3A_86] : memref<8x128xi32, #tpu.memory_space<vmem>> -> memref<1x128xi32, #tpu.memory_space<vmem>>
        %dma_start3A_88 = tpu.memref_squeeze %dma_start3A_87 : memref<1x128xi32, #tpu.memory_space<vmem>> -> memref<128xi32, #tpu.memory_space<vmem>>
        %dma_start3A_89 = arith.constant 0 : i32
        %dma_start3A_90 = arith.constant 0 : i32
        %dma_start3A_91 = tpu.memref_slice %arg2[%dma_start3A_89, %dma_start3A_90] : memref<10000x128xf32, #tpu.memory_space<hbm>> -> memref<10000x128xf32, #tpu.memory_space<hbm>>
        tpu.enqueue_indirect_dma source(%dma_start3A_91 : memref<10000x128xf32, #tpu.memory_space<hbm>>) target(%arg9 : memref<128x128xf32, #tpu.memory_space<vmem>>) offsets(%dma_start3A_88 : memref<128xi32, #tpu.memory_space<vmem>>) semaphore(%arg11 : memref<!tpu.dma_semaphore, #tpu.memory_space<semaphore_mem>>)
        %dma_wait3A_92 = arith.constant 1 : i32
        %dma_wait3A_93 = arith.constant 0 : i32
        %dma_wait3A_94 = tpu.memref_slice %arg7[%dma_wait3A_92, %dma_wait3A_93] : memref<8x128xi32, #tpu.memory_space<vmem>> -> memref<1x128xi32, #tpu.memory_space<vmem>>
        %dma_wait3A_95 = tpu.memref_squeeze %dma_wait3A_94 : memref<1x128xi32, #tpu.memory_space<vmem>> -> memref<128xi32, #tpu.memory_space<vmem>>
        %dma_wait3A_96 = arith.constant 0 : i32
        %dma_wait3A_97 = arith.constant 0 : i32
        %dma_wait3A_98 = tpu.memref_slice %arg2[%dma_wait3A_96, %dma_wait3A_97] : memref<10000x128xf32, #tpu.memory_space<hbm>> -> memref<10000x128xf32, #tpu.memory_space<hbm>>
        tpu.wait_indirect_dma semaphore(%arg12 : memref<!tpu.dma_semaphore, #tpu.memory_space<semaphore_mem>>) src(%dma_wait3A_98 : memref<10000x128xf32, #tpu.memory_space<hbm>>) dst(%arg10 : memref<128x128xf32, #tpu.memory_space<vmem>>)
        %dma_start3A_99 = arith.constant 1 : i32
        %dma_start3A_100 = arith.constant 0 : i32
        %dma_start3A_101 = tpu.memref_slice %arg8[%dma_start3A_99, %dma_start3A_100] : memref<8x128xi32, #tpu.memory_space<vmem>> -> memref<1x128xi32, #tpu.memory_space<vmem>>
        %dma_start3A_102 = tpu.memref_squeeze %dma_start3A_101 : memref<1x128xi32, #tpu.memory_space<vmem>> -> memref<128xi32, #tpu.memory_space<vmem>>
        %dma_start3A_103 = arith.constant 0 : i32
        %dma_start3A_104 = arith.constant 0 : i32
        %dma_start3A_105 = tpu.memref_slice %arg6[%dma_start3A_103, %dma_start3A_104] : memref<10008x128xf32, #tpu.memory_space<vmem_shared>> -> memref<10008x128xf32, #tpu.memory_space<vmem_shared>>
        tpu.enqueue_indirect_dma source(%arg10 : memref<128x128xf32, #tpu.memory_space<vmem>>) target(%dma_start3A_105 : memref<10008x128xf32, #tpu.memory_space<vmem_shared>>) offsets(%dma_start3A_102 : memref<128xi32, #tpu.memory_space<vmem>>) semaphore(%arg14 : memref<!tpu.dma_semaphore, #tpu.memory_space<semaphore_mem>>) {add = true}
        %dma_wait3A_106 = arith.constant 1 : i32
        %dma_wait3A_107 = arith.constant 0 : i32
        %dma_wait3A_108 = tpu.memref_slice %arg8[%dma_wait3A_106, %dma_wait3A_107] : memref<8x128xi32, #tpu.memory_space<vmem>> -> memref<1x128xi32, #tpu.memory_space<vmem>>
        %dma_wait3A_109 = tpu.memref_squeeze %dma_wait3A_108 : memref<1x128xi32, #tpu.memory_space<vmem>> -> memref<128xi32, #tpu.memory_space<vmem>>
        %dma_wait3A_110 = arith.constant 0 : i32
        %dma_wait3A_111 = arith.constant 0 : i32
        %dma_wait3A_112 = tpu.memref_slice %arg6[%dma_wait3A_110, %dma_wait3A_111] : memref<10008x128xf32, #tpu.memory_space<vmem_shared>> -> memref<10008x128xf32, #tpu.memory_space<vmem_shared>>
        tpu.wait_indirect_dma semaphore(%arg14 : memref<!tpu.dma_semaphore, #tpu.memory_space<semaphore_mem>>) src(%arg10 : memref<128x128xf32, #tpu.memory_space<vmem>>) dst(%dma_wait3A_112 : memref<10008x128xf32, #tpu.memory_space<vmem_shared>>)
        %dma_start3A_113 = arith.constant 3 : i32
        %dma_start3A_114 = arith.constant 0 : i32
        %dma_start3A_115 = tpu.memref_slice %arg7[%dma_start3A_113, %dma_start3A_114] : memref<8x128xi32, #tpu.memory_space<vmem>> -> memref<1x128xi32, #tpu.memory_space<vmem>>
        %dma_start3A_116 = tpu.memref_squeeze %dma_start3A_115 : memref<1x128xi32, #tpu.memory_space<vmem>> -> memref<128xi32, #tpu.memory_space<vmem>>
        %dma_start3A_117 = arith.constant 0 : i32
        %dma_start3A_118 = arith.constant 0 : i32
        %dma_start3A_119 = tpu.memref_slice %arg2[%dma_start3A_117, %dma_start3A_118] : memref<10000x128xf32, #tpu.memory_space<hbm>> -> memref<10000x128xf32, #tpu.memory_space<hbm>>
        tpu.enqueue_indirect_dma source(%dma_start3A_119 : memref<10000x128xf32, #tpu.memory_space<hbm>>) target(%arg10 : memref<128x128xf32, #tpu.memory_space<vmem>>) offsets(%dma_start3A_116 : memref<128xi32, #tpu.memory_space<vmem>>) semaphore(%arg12 : memref<!tpu.dma_semaphore, #tpu.memory_space<semaphore_mem>>)
        %dma_wait3A_120 = arith.constant 2 : i32
        %dma_wait3A_121 = arith.constant 0 : i32
        %dma_wait3A_122 = tpu.memref_slice %arg7[%dma_wait3A_120, %dma_wait3A_121] : memref<8x128xi32, #tpu.memory_space<vmem>> -> memref<1x128xi32, #tpu.memory_space<vmem>>
        %dma_wait3A_123 = tpu.memref_squeeze %dma_wait3A_122 : memref<1x128xi32, #tpu.memory_space<vmem>> -> memref<128xi32, #tpu.memory_space<vmem>>
        %dma_wait3A_124 = arith.constant 0 : i32
        %dma_wait3A_125 = arith.constant 0 : i32
        %dma_wait3A_126 = tpu.memref_slice %arg2[%dma_wait3A_124, %dma_wait3A_125] : memref<10000x128xf32, #tpu.memory_space<hbm>> -> memref<10000x128xf32, #tpu.memory_space<hbm>>
        tpu.wait_indirect_dma semaphore(%arg11 : memref<!tpu.dma_semaphore, #tpu.memory_space<semaphore_mem>>) src(%dma_wait3A_126 : memref<10000x128xf32, #tpu.memory_space<hbm>>) dst(%arg9 : memref<128x128xf32, #tpu.memory_space<vmem>>)
        %dma_start3A_127 = arith.constant 2 : i32
        %dma_start3A_128 = arith.constant 0 : i32
        %dma_start3A_129 = tpu.memref_slice %arg8[%dma_start3A_127, %dma_start3A_128] : memref<8x128xi32, #tpu.memory_space<vmem>> -> memref<1x128xi32, #tpu.memory_space<vmem>>
        %dma_start3A_130 = tpu.memref_squeeze %dma_start3A_129 : memref<1x128xi32, #tpu.memory_space<vmem>> -> memref<128xi32, #tpu.memory_space<vmem>>
        %dma_start3A_131 = arith.constant 0 : i32
        %dma_start3A_132 = arith.constant 0 : i32
        %dma_start3A_133 = tpu.memref_slice %arg6[%dma_start3A_131, %dma_start3A_132] : memref<10008x128xf32, #tpu.memory_space<vmem_shared>> -> memref<10008x128xf32, #tpu.memory_space<vmem_shared>>
        tpu.enqueue_indirect_dma source(%arg9 : memref<128x128xf32, #tpu.memory_space<vmem>>) target(%dma_start3A_133 : memref<10008x128xf32, #tpu.memory_space<vmem_shared>>) offsets(%dma_start3A_130 : memref<128xi32, #tpu.memory_space<vmem>>) semaphore(%arg13 : memref<!tpu.dma_semaphore, #tpu.memory_space<semaphore_mem>>) {add = true}
        %dma_wait3A_134 = arith.constant 2 : i32
        %dma_wait3A_135 = arith.constant 0 : i32
        %dma_wait3A_136 = tpu.memref_slice %arg8[%dma_wait3A_134, %dma_wait3A_135] : memref<8x128xi32, #tpu.memory_space<vmem>> -> memref<1x128xi32, #tpu.memory_space<vmem>>
        %dma_wait3A_137 = tpu.memref_squeeze %dma_wait3A_136 : memref<1x128xi32, #tpu.memory_space<vmem>> -> memref<128xi32, #tpu.memory_space<vmem>>
        %dma_wait3A_138 = arith.constant 0 : i32
        %dma_wait3A_139 = arith.constant 0 : i32
        %dma_wait3A_140 = tpu.memref_slice %arg6[%dma_wait3A_138, %dma_wait3A_139] : memref<10008x128xf32, #tpu.memory_space<vmem_shared>> -> memref<10008x128xf32, #tpu.memory_space<vmem_shared>>
        tpu.wait_indirect_dma semaphore(%arg13 : memref<!tpu.dma_semaphore, #tpu.memory_space<semaphore_mem>>) src(%arg9 : memref<128x128xf32, #tpu.memory_space<vmem>>) dst(%dma_wait3A_140 : memref<10008x128xf32, #tpu.memory_space<vmem_shared>>)
        %dma_start3A_141 = arith.constant 4 : i32
        %dma_start3A_142 = arith.constant 0 : i32
        %dma_start3A_143 = tpu.memref_slice %arg7[%dma_start3A_141, %dma_start3A_142] : memref<8x128xi32, #tpu.memory_space<vmem>> -> memref<1x128xi32, #tpu.memory_space<vmem>>
        %dma_start3A_144 = tpu.memref_squeeze %dma_start3A_143 : memref<1x128xi32, #tpu.memory_space<vmem>> -> memref<128xi32, #tpu.memory_space<vmem>>
        %dma_start3A_145 = arith.constant 0 : i32
        %dma_start3A_146 = arith.constant 0 : i32
        %dma_start3A_147 = tpu.memref_slice %arg2[%dma_start3A_145, %dma_start3A_146] : memref<10000x128xf32, #tpu.memory_space<hbm>> -> memref<10000x128xf32, #tpu.memory_space<hbm>>
        tpu.enqueue_indirect_dma source(%dma_start3A_147 : memref<10000x128xf32, #tpu.memory_space<hbm>>) target(%arg9 : memref<128x128xf32, #tpu.memory_space<vmem>>) offsets(%dma_start3A_144 : memref<128xi32, #tpu.memory_space<vmem>>) semaphore(%arg11 : memref<!tpu.dma_semaphore, #tpu.memory_space<semaphore_mem>>)
        %dma_wait3A_148 = arith.constant 3 : i32
        %dma_wait3A_149 = arith.constant 0 : i32
        %dma_wait3A_150 = tpu.memref_slice %arg7[%dma_wait3A_148, %dma_wait3A_149] : memref<8x128xi32, #tpu.memory_space<vmem>> -> memref<1x128xi32, #tpu.memory_space<vmem>>
        %dma_wait3A_151 = tpu.memref_squeeze %dma_wait3A_150 : memref<1x128xi32, #tpu.memory_space<vmem>> -> memref<128xi32, #tpu.memory_space<vmem>>
        %dma_wait3A_152 = arith.constant 0 : i32
        %dma_wait3A_153 = arith.constant 0 : i32
        %dma_wait3A_154 = tpu.memref_slice %arg2[%dma_wait3A_152, %dma_wait3A_153] : memref<10000x128xf32, #tpu.memory_space<hbm>> -> memref<10000x128xf32, #tpu.memory_space<hbm>>
        tpu.wait_indirect_dma semaphore(%arg12 : memref<!tpu.dma_semaphore, #tpu.memory_space<semaphore_mem>>) src(%dma_wait3A_154 : memref<10000x128xf32, #tpu.memory_space<hbm>>) dst(%arg10 : memref<128x128xf32, #tpu.memory_space<vmem>>)
        %dma_start3A_155 = arith.constant 3 : i32
        %dma_start3A_156 = arith.constant 0 : i32
        %dma_start3A_157 = tpu.memref_slice %arg8[%dma_start3A_155, %dma_start3A_156] : memref<8x128xi32, #tpu.memory_space<vmem>> -> memref<1x128xi32, #tpu.memory_space<vmem>>
        %dma_start3A_158 = tpu.memref_squeeze %dma_start3A_157 : memref<1x128xi32, #tpu.memory_space<vmem>> -> memref<128xi32, #tpu.memory_space<vmem>>
        %dma_start3A_159 = arith.constant 0 : i32
        %dma_start3A_160 = arith.constant 0 : i32
        %dma_start3A_161 = tpu.memref_slice %arg6[%dma_start3A_159, %dma_start3A_160] : memref<10008x128xf32, #tpu.memory_space<vmem_shared>> -> memref<10008x128xf32, #tpu.memory_space<vmem_shared>>
        tpu.enqueue_indirect_dma source(%arg10 : memref<128x128xf32, #tpu.memory_space<vmem>>) target(%dma_start3A_161 : memref<10008x128xf32, #tpu.memory_space<vmem_shared>>) offsets(%dma_start3A_158 : memref<128xi32, #tpu.memory_space<vmem>>) semaphore(%arg14 : memref<!tpu.dma_semaphore, #tpu.memory_space<semaphore_mem>>) {add = true}
        %dma_wait3A_162 = arith.constant 3 : i32
        %dma_wait3A_163 = arith.constant 0 : i32
        %dma_wait3A_164 = tpu.memref_slice %arg8[%dma_wait3A_162, %dma_wait3A_163] : memref<8x128xi32, #tpu.memory_space<vmem>> -> memref<1x128xi32, #tpu.memory_space<vmem>>
        %dma_wait3A_165 = tpu.memref_squeeze %dma_wait3A_164 : memref<1x128xi32, #tpu.memory_space<vmem>> -> memref<128xi32, #tpu.memory_space<vmem>>
        %dma_wait3A_166 = arith.constant 0 : i32
        %dma_wait3A_167 = arith.constant 0 : i32
        %dma_wait3A_168 = tpu.memref_slice %arg6[%dma_wait3A_166, %dma_wait3A_167] : memref<10008x128xf32, #tpu.memory_space<vmem_shared>> -> memref<10008x128xf32, #tpu.memory_space<vmem_shared>>
        tpu.wait_indirect_dma semaphore(%arg14 : memref<!tpu.dma_semaphore, #tpu.memory_space<semaphore_mem>>) src(%arg10 : memref<128x128xf32, #tpu.memory_space<vmem>>) dst(%dma_wait3A_168 : memref<10008x128xf32, #tpu.memory_space<vmem_shared>>)
        %dma_start3A_169 = arith.constant 5 : i32
        %dma_start3A_170 = arith.constant 0 : i32
        %dma_start3A_171 = tpu.memref_slice %arg7[%dma_start3A_169, %dma_start3A_170] : memref<8x128xi32, #tpu.memory_space<vmem>> -> memref<1x128xi32, #tpu.memory_space<vmem>>
        %dma_start3A_172 = tpu.memref_squeeze %dma_start3A_171 : memref<1x128xi32, #tpu.memory_space<vmem>> -> memref<128xi32, #tpu.memory_space<vmem>>
        %dma_start3A_173 = arith.constant 0 : i32
        %dma_start3A_174 = arith.constant 0 : i32
        %dma_start3A_175 = tpu.memref_slice %arg2[%dma_start3A_173, %dma_start3A_174] : memref<10000x128xf32, #tpu.memory_space<hbm>> -> memref<10000x128xf32, #tpu.memory_space<hbm>>
        tpu.enqueue_indirect_dma source(%dma_start3A_175 : memref<10000x128xf32, #tpu.memory_space<hbm>>) target(%arg10 : memref<128x128xf32, #tpu.memory_space<vmem>>) offsets(%dma_start3A_172 : memref<128xi32, #tpu.memory_space<vmem>>) semaphore(%arg12 : memref<!tpu.dma_semaphore, #tpu.memory_space<semaphore_mem>>)
        %dma_wait3A_176 = arith.constant 4 : i32
        %dma_wait3A_177 = arith.constant 0 : i32
        %dma_wait3A_178 = tpu.memref_slice %arg7[%dma_wait3A_176, %dma_wait3A_177] : memref<8x128xi32, #tpu.memory_space<vmem>> -> memref<1x128xi32, #tpu.memory_space<vmem>>
        %dma_wait3A_179 = tpu.memref_squeeze %dma_wait3A_178 : memref<1x128xi32, #tpu.memory_space<vmem>> -> memref<128xi32, #tpu.memory_space<vmem>>
        %dma_wait3A_180 = arith.constant 0 : i32
        %dma_wait3A_181 = arith.constant 0 : i32
        %dma_wait3A_182 = tpu.memref_slice %arg2[%dma_wait3A_180, %dma_wait3A_181] : memref<10000x128xf32, #tpu.memory_space<hbm>> -> memref<10000x128xf32, #tpu.memory_space<hbm>>
        tpu.wait_indirect_dma semaphore(%arg11 : memref<!tpu.dma_semaphore, #tpu.memory_space<semaphore_mem>>) src(%dma_wait3A_182 : memref<10000x128xf32, #tpu.memory_space<hbm>>) dst(%arg9 : memref<128x128xf32, #tpu.memory_space<vmem>>)
        %dma_start3A_183 = arith.constant 4 : i32
        %dma_start3A_184 = arith.constant 0 : i32
        %dma_start3A_185 = tpu.memref_slice %arg8[%dma_start3A_183, %dma_start3A_184] : memref<8x128xi32, #tpu.memory_space<vmem>> -> memref<1x128xi32, #tpu.memory_space<vmem>>
        %dma_start3A_186 = tpu.memref_squeeze %dma_start3A_185 : memref<1x128xi32, #tpu.memory_space<vmem>> -> memref<128xi32, #tpu.memory_space<vmem>>
        %dma_start3A_187 = arith.constant 0 : i32
        %dma_start3A_188 = arith.constant 0 : i32
        %dma_start3A_189 = tpu.memref_slice %arg6[%dma_start3A_187, %dma_start3A_188] : memref<10008x128xf32, #tpu.memory_space<vmem_shared>> -> memref<10008x128xf32, #tpu.memory_space<vmem_shared>>
        tpu.enqueue_indirect_dma source(%arg9 : memref<128x128xf32, #tpu.memory_space<vmem>>) target(%dma_start3A_189 : memref<10008x128xf32, #tpu.memory_space<vmem_shared>>) offsets(%dma_start3A_186 : memref<128xi32, #tpu.memory_space<vmem>>) semaphore(%arg13 : memref<!tpu.dma_semaphore, #tpu.memory_space<semaphore_mem>>) {add = true}
        %dma_wait3A_190 = arith.constant 4 : i32
        %dma_wait3A_191 = arith.constant 0 : i32
        %dma_wait3A_192 = tpu.memref_slice %arg8[%dma_wait3A_190, %dma_wait3A_191] : memref<8x128xi32, #tpu.memory_space<vmem>> -> memref<1x128xi32, #tpu.memory_space<vmem>>
        %dma_wait3A_193 = tpu.memref_squeeze %dma_wait3A_192 : memref<1x128xi32, #tpu.memory_space<vmem>> -> memref<128xi32, #tpu.memory_space<vmem>>
        %dma_wait3A_194 = arith.constant 0 : i32
        %dma_wait3A_195 = arith.constant 0 : i32
        %dma_wait3A_196 = tpu.memref_slice %arg6[%dma_wait3A_194, %dma_wait3A_195] : memref<10008x128xf32, #tpu.memory_space<vmem_shared>> -> memref<10008x128xf32, #tpu.memory_space<vmem_shared>>
        tpu.wait_indirect_dma semaphore(%arg13 : memref<!tpu.dma_semaphore, #tpu.memory_space<semaphore_mem>>) src(%arg9 : memref<128x128xf32, #tpu.memory_space<vmem>>) dst(%dma_wait3A_196 : memref<10008x128xf32, #tpu.memory_space<vmem_shared>>)
        %dma_start3A_197 = arith.constant 6 : i32
        %dma_start3A_198 = arith.constant 0 : i32
        %dma_start3A_199 = tpu.memref_slice %arg7[%dma_start3A_197, %dma_start3A_198] : memref<8x128xi32, #tpu.memory_space<vmem>> -> memref<1x128xi32, #tpu.memory_space<vmem>>
        %dma_start3A_200 = tpu.memref_squeeze %dma_start3A_199 : memref<1x128xi32, #tpu.memory_space<vmem>> -> memref<128xi32, #tpu.memory_space<vmem>>
        %dma_start3A_201 = arith.constant 0 : i32
        %dma_start3A_202 = arith.constant 0 : i32
        %dma_start3A_203 = tpu.memref_slice %arg2[%dma_start3A_201, %dma_start3A_202] : memref<10000x128xf32, #tpu.memory_space<hbm>> -> memref<10000x128xf32, #tpu.memory_space<hbm>>
        tpu.enqueue_indirect_dma source(%dma_start3A_203 : memref<10000x128xf32, #tpu.memory_space<hbm>>) target(%arg9 : memref<128x128xf32, #tpu.memory_space<vmem>>) offsets(%dma_start3A_200 : memref<128xi32, #tpu.memory_space<vmem>>) semaphore(%arg11 : memref<!tpu.dma_semaphore, #tpu.memory_space<semaphore_mem>>)
        %dma_wait3A_204 = arith.constant 5 : i32
        %dma_wait3A_205 = arith.constant 0 : i32
        %dma_wait3A_206 = tpu.memref_slice %arg7[%dma_wait3A_204, %dma_wait3A_205] : memref<8x128xi32, #tpu.memory_space<vmem>> -> memref<1x128xi32, #tpu.memory_space<vmem>>
        %dma_wait3A_207 = tpu.memref_squeeze %dma_wait3A_206 : memref<1x128xi32, #tpu.memory_space<vmem>> -> memref<128xi32, #tpu.memory_space<vmem>>
        %dma_wait3A_208 = arith.constant 0 : i32
        %dma_wait3A_209 = arith.constant 0 : i32
        %dma_wait3A_210 = tpu.memref_slice %arg2[%dma_wait3A_208, %dma_wait3A_209] : memref<10000x128xf32, #tpu.memory_space<hbm>> -> memref<10000x128xf32, #tpu.memory_space<hbm>>
        tpu.wait_indirect_dma semaphore(%arg12 : memref<!tpu.dma_semaphore, #tpu.memory_space<semaphore_mem>>) src(%dma_wait3A_210 : memref<10000x128xf32, #tpu.memory_space<hbm>>) dst(%arg10 : memref<128x128xf32, #tpu.memory_space<vmem>>)
        %dma_start3A_211 = arith.constant 5 : i32
        %dma_start3A_212 = arith.constant 0 : i32
        %dma_start3A_213 = tpu.memref_slice %arg8[%dma_start3A_211, %dma_start3A_212] : memref<8x128xi32, #tpu.memory_space<vmem>> -> memref<1x128xi32, #tpu.memory_space<vmem>>
        %dma_start3A_214 = tpu.memref_squeeze %dma_start3A_213 : memref<1x128xi32, #tpu.memory_space<vmem>> -> memref<128xi32, #tpu.memory_space<vmem>>
        %dma_start3A_215 = arith.constant 0 : i32
        %dma_start3A_216 = arith.constant 0 : i32
        %dma_start3A_217 = tpu.memref_slice %arg6[%dma_start3A_215, %dma_start3A_216] : memref<10008x128xf32, #tpu.memory_space<vmem_shared>> -> memref<10008x128xf32, #tpu.memory_space<vmem_shared>>
        tpu.enqueue_indirect_dma source(%arg10 : memref<128x128xf32, #tpu.memory_space<vmem>>) target(%dma_start3A_217 : memref<10008x128xf32, #tpu.memory_space<vmem_shared>>) offsets(%dma_start3A_214 : memref<128xi32, #tpu.memory_space<vmem>>) semaphore(%arg14 : memref<!tpu.dma_semaphore, #tpu.memory_space<semaphore_mem>>) {add = true}
        %dma_wait3A_218 = arith.constant 5 : i32
        %dma_wait3A_219 = arith.constant 0 : i32
        %dma_wait3A_220 = tpu.memref_slice %arg8[%dma_wait3A_218, %dma_wait3A_219] : memref<8x128xi32, #tpu.memory_space<vmem>> -> memref<1x128xi32, #tpu.memory_space<vmem>>
        %dma_wait3A_221 = tpu.memref_squeeze %dma_wait3A_220 : memref<1x128xi32, #tpu.memory_space<vmem>> -> memref<128xi32, #tpu.memory_space<vmem>>
        %dma_wait3A_222 = arith.constant 0 : i32
        %dma_wait3A_223 = arith.constant 0 : i32
        %dma_wait3A_224 = tpu.memref_slice %arg6[%dma_wait3A_222, %dma_wait3A_223] : memref<10008x128xf32, #tpu.memory_space<vmem_shared>> -> memref<10008x128xf32, #tpu.memory_space<vmem_shared>>
        tpu.wait_indirect_dma semaphore(%arg14 : memref<!tpu.dma_semaphore, #tpu.memory_space<semaphore_mem>>) src(%arg10 : memref<128x128xf32, #tpu.memory_space<vmem>>) dst(%dma_wait3A_224 : memref<10008x128xf32, #tpu.memory_space<vmem_shared>>)
        %dma_start3A_225 = arith.constant 7 : i32
        %dma_start3A_226 = arith.constant 0 : i32
        %dma_start3A_227 = tpu.memref_slice %arg7[%dma_start3A_225, %dma_start3A_226] : memref<8x128xi32, #tpu.memory_space<vmem>> -> memref<1x128xi32, #tpu.memory_space<vmem>>
        %dma_start3A_228 = tpu.memref_squeeze %dma_start3A_227 : memref<1x128xi32, #tpu.memory_space<vmem>> -> memref<128xi32, #tpu.memory_space<vmem>>
        %dma_start3A_229 = arith.constant 0 : i32
        %dma_start3A_230 = arith.constant 0 : i32
        %dma_start3A_231 = tpu.memref_slice %arg2[%dma_start3A_229, %dma_start3A_230] : memref<10000x128xf32, #tpu.memory_space<hbm>> -> memref<10000x128xf32, #tpu.memory_space<hbm>>
        tpu.enqueue_indirect_dma source(%dma_start3A_231 : memref<10000x128xf32, #tpu.memory_space<hbm>>) target(%arg10 : memref<128x128xf32, #tpu.memory_space<vmem>>) offsets(%dma_start3A_228 : memref<128xi32, #tpu.memory_space<vmem>>) semaphore(%arg12 : memref<!tpu.dma_semaphore, #tpu.memory_space<semaphore_mem>>)
        %dma_wait3A_232 = arith.constant 6 : i32
        %dma_wait3A_233 = arith.constant 0 : i32
        %dma_wait3A_234 = tpu.memref_slice %arg7[%dma_wait3A_232, %dma_wait3A_233] : memref<8x128xi32, #tpu.memory_space<vmem>> -> memref<1x128xi32, #tpu.memory_space<vmem>>
        %dma_wait3A_235 = tpu.memref_squeeze %dma_wait3A_234 : memref<1x128xi32, #tpu.memory_space<vmem>> -> memref<128xi32, #tpu.memory_space<vmem>>
        %dma_wait3A_236 = arith.constant 0 : i32
        %dma_wait3A_237 = arith.constant 0 : i32
        %dma_wait3A_238 = tpu.memref_slice %arg2[%dma_wait3A_236, %dma_wait3A_237] : memref<10000x128xf32, #tpu.memory_space<hbm>> -> memref<10000x128xf32, #tpu.memory_space<hbm>>
        tpu.wait_indirect_dma semaphore(%arg11 : memref<!tpu.dma_semaphore, #tpu.memory_space<semaphore_mem>>) src(%dma_wait3A_238 : memref<10000x128xf32, #tpu.memory_space<hbm>>) dst(%arg9 : memref<128x128xf32, #tpu.memory_space<vmem>>)
        %dma_start3A_239 = arith.constant 6 : i32
        %dma_start3A_240 = arith.constant 0 : i32
        %dma_start3A_241 = tpu.memref_slice %arg8[%dma_start3A_239, %dma_start3A_240] : memref<8x128xi32, #tpu.memory_space<vmem>> -> memref<1x128xi32, #tpu.memory_space<vmem>>
        %dma_start3A_242 = tpu.memref_squeeze %dma_start3A_241 : memref<1x128xi32, #tpu.memory_space<vmem>> -> memref<128xi32, #tpu.memory_space<vmem>>
        %dma_start3A_243 = arith.constant 0 : i32
        %dma_start3A_244 = arith.constant 0 : i32
        %dma_start3A_245 = tpu.memref_slice %arg6[%dma_start3A_243, %dma_start3A_244] : memref<10008x128xf32, #tpu.memory_space<vmem_shared>> -> memref<10008x128xf32, #tpu.memory_space<vmem_shared>>
        tpu.enqueue_indirect_dma source(%arg9 : memref<128x128xf32, #tpu.memory_space<vmem>>) target(%dma_start3A_245 : memref<10008x128xf32, #tpu.memory_space<vmem_shared>>) offsets(%dma_start3A_242 : memref<128xi32, #tpu.memory_space<vmem>>) semaphore(%arg13 : memref<!tpu.dma_semaphore, #tpu.memory_space<semaphore_mem>>) {add = true}
        %dma_wait3A_246 = arith.constant 7 : i32
        %dma_wait3A_247 = arith.constant 0 : i32
        %dma_wait3A_248 = tpu.memref_slice %arg7[%dma_wait3A_246, %dma_wait3A_247] : memref<8x128xi32, #tpu.memory_space<vmem>> -> memref<1x128xi32, #tpu.memory_space<vmem>>
        %dma_wait3A_249 = tpu.memref_squeeze %dma_wait3A_248 : memref<1x128xi32, #tpu.memory_space<vmem>> -> memref<128xi32, #tpu.memory_space<vmem>>
        %dma_wait3A_250 = arith.constant 0 : i32
        %dma_wait3A_251 = arith.constant 0 : i32
        %dma_wait3A_252 = tpu.memref_slice %arg2[%dma_wait3A_250, %dma_wait3A_251] : memref<10000x128xf32, #tpu.memory_space<hbm>> -> memref<10000x128xf32, #tpu.memory_space<hbm>>
        tpu.wait_indirect_dma semaphore(%arg12 : memref<!tpu.dma_semaphore, #tpu.memory_space<semaphore_mem>>) src(%dma_wait3A_252 : memref<10000x128xf32, #tpu.memory_space<hbm>>) dst(%arg10 : memref<128x128xf32, #tpu.memory_space<vmem>>)
        %dma_start3A_253 = arith.constant 7 : i32
        %dma_start3A_254 = arith.constant 0 : i32
        %dma_start3A_255 = tpu.memref_slice %arg8[%dma_start3A_253, %dma_start3A_254] : memref<8x128xi32, #tpu.memory_space<vmem>> -> memref<1x128xi32, #tpu.memory_space<vmem>>
        %dma_start3A_256 = tpu.memref_squeeze %dma_start3A_255 : memref<1x128xi32, #tpu.memory_space<vmem>> -> memref<128xi32, #tpu.memory_space<vmem>>
        %dma_start3A_257 = arith.constant 0 : i32
        %dma_start3A_258 = arith.constant 0 : i32
        %dma_start3A_259 = tpu.memref_slice %arg6[%dma_start3A_257, %dma_start3A_258] : memref<10008x128xf32, #tpu.memory_space<vmem_shared>> -> memref<10008x128xf32, #tpu.memory_space<vmem_shared>>
        tpu.enqueue_indirect_dma source(%arg10 : memref<128x128xf32, #tpu.memory_space<vmem>>) target(%dma_start3A_259 : memref<10008x128xf32, #tpu.memory_space<vmem_shared>>) offsets(%dma_start3A_256 : memref<128xi32, #tpu.memory_space<vmem>>) semaphore(%arg14 : memref<!tpu.dma_semaphore, #tpu.memory_space<semaphore_mem>>) {add = true}
        %dma_wait3A_260 = arith.constant 6 : i32
        %dma_wait3A_261 = arith.constant 0 : i32
        %dma_wait3A_262 = tpu.memref_slice %arg8[%dma_wait3A_260, %dma_wait3A_261] : memref<8x128xi32, #tpu.memory_space<vmem>> -> memref<1x128xi32, #tpu.memory_space<vmem>>
        %dma_wait3A_263 = tpu.memref_squeeze %dma_wait3A_262 : memref<1x128xi32, #tpu.memory_space<vmem>> -> memref<128xi32, #tpu.memory_space<vmem>>
        %dma_wait3A_264 = arith.constant 0 : i32
        %dma_wait3A_265 = arith.constant 0 : i32
        %dma_wait3A_266 = tpu.memref_slice %arg6[%dma_wait3A_264, %dma_wait3A_265] : memref<10008x128xf32, #tpu.memory_space<vmem_shared>> -> memref<10008x128xf32, #tpu.memory_space<vmem_shared>>
        tpu.wait_indirect_dma semaphore(%arg13 : memref<!tpu.dma_semaphore, #tpu.memory_space<semaphore_mem>>) src(%arg9 : memref<128x128xf32, #tpu.memory_space<vmem>>) dst(%dma_wait3A_266 : memref<10008x128xf32, #tpu.memory_space<vmem_shared>>)
        %dma_wait3A_267 = arith.constant 7 : i32
        %dma_wait3A_268 = arith.constant 0 : i32
        %dma_wait3A_269 = tpu.memref_slice %arg8[%dma_wait3A_267, %dma_wait3A_268] : memref<8x128xi32, #tpu.memory_space<vmem>> -> memref<1x128xi32, #tpu.memory_space<vmem>>
        %dma_wait3A_270 = tpu.memref_squeeze %dma_wait3A_269 : memref<1x128xi32, #tpu.memory_space<vmem>> -> memref<128xi32, #tpu.memory_space<vmem>>
        %dma_wait3A_271 = arith.constant 0 : i32
        %dma_wait3A_272 = arith.constant 0 : i32
        %dma_wait3A_273 = tpu.memref_slice %arg6[%dma_wait3A_271, %dma_wait3A_272] : memref<10008x128xf32, #tpu.memory_space<vmem_shared>> -> memref<10008x128xf32, #tpu.memory_space<vmem_shared>>
        tpu.wait_indirect_dma semaphore(%arg14 : memref<!tpu.dma_semaphore, #tpu.memory_space<semaphore_mem>>) src(%arg10 : memref<128x128xf32, #tpu.memory_space<vmem>>) dst(%dma_wait3A_273 : memref<10008x128xf32, #tpu.memory_space<vmem_shared>>)
      } else {
      }
      %scan3A_50 = arith.constant 0 : i32
      scf.yield %scan3A_50 : i32
    }
    %scan3A_37 = arith.constant 10 : i32
    %barrier3A_38 = arith.constant 0 : index
    tpu.barrier barrier_id(%barrier3A_38)
    "tpu.region"() ({
      %run_scoped3A = tpu.sem_alloc : memref<!tpu.dma_semaphore, #tpu.memory_space<semaphore_mem>>
      %dma_start3A = arith.constant 0 : i32
      %dma_start3A_44 = tpu.memref_slice %arg5[%arg0, %mul3A_17, %dma_start3A] : memref<2x10000x128xf32, #tpu.memory_space<hbm>> -> memref<1x624x128xf32, #tpu.memory_space<hbm>>
      %dma_start3A_45 = tpu.memref_squeeze %dma_start3A_44 : memref<1x624x128xf32, #tpu.memory_space<hbm>> -> memref<624x128xf32, #tpu.memory_space<hbm>>
      %dma_start3A_46 = arith.constant 0 : i32
      %dma_start3A_47 = tpu.memref_slice %arg6[%mul3A_17, %dma_start3A_46] : memref<10008x128xf32, #tpu.memory_space<vmem_shared>> -> memref<624x128xf32, #tpu.memory_space<vmem_shared>>
      tpu.enqueue_dma source(%dma_start3A_47 : memref<624x128xf32, #tpu.memory_space<vmem_shared>>) target(%dma_start3A_45 : memref<624x128xf32, #tpu.memory_space<hbm>>) target_semaphore(%run_scoped3A : memref<!tpu.dma_semaphore, #tpu.memory_space<semaphore_mem>>)
      %dma_wait3A = arith.constant 0 : i32
      %dma_wait3A_48 = tpu.memref_slice %arg5[%arg0, %mul3A_17, %dma_wait3A] : memref<2x10000x128xf32, #tpu.memory_space<hbm>> -> memref<1x624x128xf32, #tpu.memory_space<hbm>>
      %dma_wait3A_49 = tpu.memref_squeeze %dma_wait3A_48 : memref<1x624x128xf32, #tpu.memory_space<hbm>> -> memref<624x128xf32, #tpu.memory_space<hbm>>
      %dma_wait3A_50 = arith.constant 0 : i32
      %dma_wait3A_51 = tpu.memref_slice %arg6[%mul3A_17, %dma_wait3A_50] : memref<10008x128xf32, #tpu.memory_space<vmem_shared>> -> memref<624x128xf32, #tpu.memory_space<vmem_shared>>
      tpu.wait_dma2 semaphore(%run_scoped3A : memref<!tpu.dma_semaphore, #tpu.memory_space<semaphore_mem>>) src(%dma_wait3A_51 : memref<624x128xf32, #tpu.memory_space<vmem_shared>>) dst(%dma_wait3A_49 : memref<624x128xf32, #tpu.memory_space<hbm>>)
      tpu.yield
    }) : () -> ()
    %eq3A_39 = arith.constant 15 : i32
    %eq3A_40 = arith.cmpi eq, %arg1, %eq3A_39 : i32
    %convert_element_type3A_41 = arith.extui %eq3A_40 : i1 to i32
    %cond3A_42 = arith.constant 0 : i32
    %cond3A_43 = arith.cmpi ne, %convert_element_type3A_41, %cond3A_42 : i32
    scf.if %cond3A_43 {
      "tpu.region"() ({
        %run_scoped3A = tpu.sem_alloc : memref<!tpu.dma_semaphore, #tpu.memory_space<semaphore_mem>>
        %dma_start3A = arith.constant 9984 : i32
        %dma_start3A_44 = arith.constant 0 : i32
        %dma_start3A_45 = tpu.memref_slice %arg5[%arg0, %dma_start3A, %dma_start3A_44] : memref<2x10000x128xf32, #tpu.memory_space<hbm>> -> memref<1x16x128xf32, #tpu.memory_space<hbm>>
        %dma_start3A_46 = tpu.memref_squeeze %dma_start3A_45 : memref<1x16x128xf32, #tpu.memory_space<hbm>> -> memref<16x128xf32, #tpu.memory_space<hbm>>
        %dma_start3A_47 = arith.constant 9984 : i32
        %dma_start3A_48 = arith.constant 0 : i32
        %dma_start3A_49 = tpu.memref_slice %arg6[%dma_start3A_47, %dma_start3A_48] : memref<10008x128xf32, #tpu.memory_space<vmem_shared>> -> memref<16x128xf32, #tpu.memory_space<vmem_shared>>
        tpu.enqueue_dma source(%dma_start3A_49 : memref<16x128xf32, #tpu.memory_space<vmem_shared>>) target(%dma_start3A_46 : memref<16x128xf32, #tpu.memory_space<hbm>>) target_semaphore(%run_scoped3A : memref<!tpu.dma_semaphore, #tpu.memory_space<semaphore_mem>>)
        %dma_wait3A = arith.constant 9984 : i32
        %dma_wait3A_50 = arith.constant 0 : i32
        %dma_wait3A_51 = tpu.memref_slice %arg5[%arg0, %dma_wait3A, %dma_wait3A_50] : memref<2x10000x128xf32, #tpu.memory_space<hbm>> -> memref<1x16x128xf32, #tpu.memory_space<hbm>>
        %dma_wait3A_52 = tpu.memref_squeeze %dma_wait3A_51 : memref<1x16x128xf32, #tpu.memory_space<hbm>> -> memref<16x128xf32, #tpu.memory_space<hbm>>
        %dma_wait3A_53 = arith.constant 9984 : i32
        %dma_wait3A_54 = arith.constant 0 : i32
        %dma_wait3A_55 = tpu.memref_slice %arg6[%dma_wait3A_53, %dma_wait3A_54] : memref<10008x128xf32, #tpu.memory_space<vmem_shared>> -> memref<16x128xf32, #tpu.memory_space<vmem_shared>>
        tpu.wait_dma2 semaphore(%run_scoped3A : memref<!tpu.dma_semaphore, #tpu.memory_space<semaphore_mem>>) src(%dma_wait3A_55 : memref<16x128xf32, #tpu.memory_space<vmem_shared>>) dst(%dma_wait3A_52 : memref<16x128xf32, #tpu.memory_space<hbm>>)
        tpu.yield
      }) : () -> ()
    } else {
    }
    return
  }
}

module attributes {stable_mosaic.version = 14 : i64} {
  func.func @_tc_layer_body(%arg0: i32, %arg1: memref<2x1024x128xf32, #tpu.memory_space<vmem>>, %arg2: memref<32x1024xf32, #tpu.memory_space<vmem>>, %arg3: memref<1024x128xf32, #tpu.memory_space<vmem>>, %arg4: memref<128x128xf32, #tpu.memory_space<vmem>>, %arg5: memref<1x128xf32, #tpu.memory_space<vmem>>, %arg6: memref<128x128xf32, #tpu.memory_space<vmem>>, %arg7: memref<1024x128xf32, #tpu.memory_space<vmem>>) attributes {dimension_semantics = [#tpu.dimension_semantics<arbitrary>], iteration_bounds = array<i64: 10>, scalar_prefetch = 0 : i64, scratch_operands = 0 : i64, tpu.core_type = #tpu.core_type<tc>, window_params = [{transform_indices = @transform_0, window_bounds = array<i64: 2, 1024, 128>}, {transform_indices = @transform_1, window_bounds = array<i64: 32, 1024>}, {transform_indices = @transform_2, window_bounds = array<i64: 1024, 128>}, {pipeline_mode = #tpu.pipeline_mode<synchronous>, transform_indices = @transform_3, window_bounds = array<i64: 128, 128>}, {pipeline_mode = #tpu.pipeline_mode<synchronous>, transform_indices = @transform_4, window_bounds = array<i64: 1, 128>}, {pipeline_mode = #tpu.pipeline_mode<synchronous>, transform_indices = @transform_5, window_bounds = array<i64: 128, 128>}, {transform_indices = @transform_6, window_bounds = array<i64: 1024, 128>}]} {
    %get3A = arith.constant 0 : index
    %get3A_0 = arith.constant 0 : index
    %get3A_1 = arith.constant 0 : index
    %get3A_2 = vector.load %arg1[%get3A, %get3A_0, %get3A_1] : memref<2x1024x128xf32, #tpu.memory_space<vmem>>, vector<1x1024x128xf32>
    %get3A_3 = vector.shape_cast %get3A_2 : vector<1x1024x128xf32> to vector<1024x128xf32>
    %get3A_4 = arith.constant 1 : index
    %get3A_5 = arith.constant 0 : index
    %get3A_6 = arith.constant 0 : index
    %get3A_7 = vector.load %arg1[%get3A_4, %get3A_5, %get3A_6] : memref<2x1024x128xf32, #tpu.memory_space<vmem>>, vector<1x1024x128xf32>
    %get3A_8 = vector.shape_cast %get3A_7 : vector<1x1024x128xf32> to vector<1024x128xf32>
    %add3A = arith.addf %get3A_3, %get3A_8 : vector<1024x128xf32>
    %get3A_9 = arith.constant 0 : index
    %get3A_10 = arith.constant 0 : index
    %get3A_11 = vector.load %arg2[%get3A_9, %get3A_10] : memref<32x1024xf32, #tpu.memory_space<vmem>>, vector<32x1024xf32>
    %reduce_sum3A = arith.constant dense<0.000000e+00> : vector<1024xf32>
    %reduce_sum3A_12 = vector.multi_reduction <add>, %get3A_11, %reduce_sum3A [0] : vector<32x1024xf32> to vector<1024xf32>
    %broadcast_in_dim3A = vector.shape_cast %reduce_sum3A_12 : vector<1024xf32> to vector<1x1024xf32>
    %iota3A = tpu.iota {dimensions = array<i32: 0>} : vector<1024x1024xi32>
    %iota3A_13 = tpu.iota {dimensions = array<i32: 1>} : vector<1024x1024xi32>
    %broadcast_in_dim3A_14 = vector.shape_cast %broadcast_in_dim3A : vector<1x1024xf32> to vector<1x1024xf32>
    %broadcast_in_dim3A_15 = vector.broadcast %broadcast_in_dim3A_14 : vector<1x1024xf32> to vector<1024x1024xf32>
    %eq3A = arith.cmpi eq, %iota3A, %iota3A_13 : vector<1024x1024xi32>
    %jit3A = arith.constant 0.000000e+00 : f32
    %broadcast_in_dim3A_16 = vector.broadcast %jit3A : f32 to vector<1024x1024xf32>
    %select_n3A = arith.select %eq3A, %broadcast_in_dim3A_15, %broadcast_in_dim3A_16 : vector<1024x1024xi1>, vector<1024x1024xf32>
    %reduce_sum3A_17 = arith.constant dense<0.000000e+00> : vector<1024xf32>
    %reduce_sum3A_18 = vector.multi_reduction <add>, %select_n3A, %reduce_sum3A_17 [1] : vector<1024x1024xf32> to vector<1024xf32>
    %broadcast_in_dim3A_19 = vector.shape_cast %reduce_sum3A_18 : vector<1024xf32> to vector<1024x1xf32>
    %max3A = arith.constant 1.000000e+00 : f32
    %max3A_20 = vector.broadcast %max3A : f32 to vector<1024x1xf32>
    %max3A_21 = arith.maximumf %broadcast_in_dim3A_19, %max3A_20 : vector<1024x1xf32>
    %div3A = vector.broadcast %max3A_21 : vector<1024x1xf32> to vector<1024x128xf32>
    %div3A_22 = arith.divf %add3A, %div3A : vector<1024x128xf32>
    %get3A_23 = arith.constant 0 : index
    %get3A_24 = arith.constant 0 : index
    %get3A_25 = vector.load %arg3[%get3A_23, %get3A_24] : memref<1024x128xf32, #tpu.memory_space<vmem>>, vector<1024x128xf32>
    %get3A_26 = arith.constant 0 : index
    %get3A_27 = arith.constant 0 : index
    %get3A_28 = vector.load %arg4[%get3A_26, %get3A_27] : memref<128x128xf32, #tpu.memory_space<vmem>>, vector<128x128xf32>
    %dot_general3A = arith.constant dense<0.000000e+00> : vector<1024x128xf32>
    %dot_general3A_29 = tpu.matmul %div3A_22, %get3A_28, %dot_general3A {dimension_numbers = #tpu.dot_dimension_numbers<[1], [0], [0], [1], [0, 0, 1, 1], [], []>, transpose_lhs_hint = false} : vector<1024x128xf32>, vector<128x128xf32>, vector<1024x128xf32> -> vector<1024x128xf32>
    %get3A_30 = arith.constant 0 : index
    %get3A_31 = arith.constant 0 : index
    %get3A_32 = vector.load %arg5[%get3A_30, %get3A_31] : memref<1x128xf32, #tpu.memory_space<vmem>>, vector<1x128xf32>
    %add3A_33 = vector.broadcast %get3A_32 : vector<1x128xf32> to vector<1024x128xf32>
    %add3A_34 = arith.addf %dot_general3A_29, %add3A_33 : vector<1024x128xf32>
    %get3A_35 = arith.constant 0 : index
    %get3A_36 = arith.constant 0 : index
    %get3A_37 = vector.load %arg6[%get3A_35, %get3A_36] : memref<128x128xf32, #tpu.memory_space<vmem>>, vector<128x128xf32>
    %dot_general3A_38 = arith.constant dense<0.000000e+00> : vector<1024x128xf32>
    %dot_general3A_39 = tpu.matmul %get3A_25, %get3A_37, %dot_general3A_38 {dimension_numbers = #tpu.dot_dimension_numbers<[1], [0], [0], [1], [0, 0, 1, 1], [], []>, transpose_lhs_hint = false} : vector<1024x128xf32>, vector<128x128xf32>, vector<1024x128xf32> -> vector<1024x128xf32>
    %add3A_40 = arith.addf %add3A_34, %dot_general3A_39 : vector<1024x128xf32>
    %mul3A = arith.mulf %add3A_40, %add3A_40 : vector<1024x128xf32>
    %reduce_sum3A_41 = arith.constant dense<0.000000e+00> : vector<1024xf32>
    %reduce_sum3A_42 = vector.multi_reduction <add>, %mul3A, %reduce_sum3A_41 [1] : vector<1024x128xf32> to vector<1024xf32>
    %broadcast_in_dim3A_43 = vector.shape_cast %reduce_sum3A_42 : vector<1024xf32> to vector<1024x1xf32>
    %sqrt3A = math.sqrt %broadcast_in_dim3A_43 : vector<1024x1xf32>
    %max3A_44 = arith.constant 9.99999996E-13 : f32
    %max3A_45 = vector.broadcast %max3A_44 : f32 to vector<1024x1xf32>
    %max3A_46 = arith.maximumf %sqrt3A, %max3A_45 : vector<1024x1xf32>
    %div3A_47 = vector.broadcast %max3A_46 : vector<1024x1xf32> to vector<1024x128xf32>
    %div3A_48 = arith.divf %add3A_40, %div3A_47 : vector<1024x128xf32>
    %ge3A = arith.constant 0.000000e+00 : f32
    %ge3A_49 = vector.broadcast %ge3A : f32 to vector<1024x128xf32>
    %ge3A_50 = arith.cmpf oge, %div3A_48, %ge3A_49 : vector<1024x128xf32>
    %mul3A_51 = arith.constant 0.00999999977 : f32
    %mul3A_52 = vector.broadcast %mul3A_51 : f32 to vector<1024x128xf32>
    %mul3A_53 = arith.mulf %mul3A_52, %div3A_48 : vector<1024x128xf32>
    %select_n3A_54 = arith.select %ge3A_50, %div3A_48, %mul3A_53 : vector<1024x128xi1>, vector<1024x128xf32>
    %swap3A = arith.constant 0 : index
    %swap3A_55 = arith.constant 0 : index
    %swap3A_56 = vector.load %arg7[%swap3A, %swap3A_55] : memref<1024x128xf32, #tpu.memory_space<vmem>>, vector<1024x128xf32>
    tpu.vector_store %arg7[%swap3A, %swap3A_55], %select_n3A_54 {strides = array<i32>} : memref<1024x128xf32, #tpu.memory_space<vmem>>, vector<1024x128xf32>,
    return
  }
  func.func @transform_0(%arg0: i32) -> (i32, i32, i32) {
    %c0_i32 = arith.constant 0 : i32
    %c0_i32_0 = arith.constant 0 : i32
    %c0_i32_1 = arith.constant 0 : i32
    return %c0_i32, %arg0, %c0_i32_0 : i32, i32, i32
  }
  func.func @transform_1(%arg0: i32) -> (i32, i32) {
    %c0_i32 = arith.constant 0 : i32
    %c0_i32_0 = arith.constant 0 : i32
    return %c0_i32, %arg0 : i32, i32
  }
  func.func @transform_2(%arg0: i32) -> (i32, i32) {
    %c0_i32 = arith.constant 0 : i32
    %c0_i32_0 = arith.constant 0 : i32
    return %arg0, %c0_i32 : i32, i32
  }
  func.func @transform_3(%arg0: i32) -> (i32, i32) {
    %c0_i32 = arith.constant 0 : i32
    %c0_i32_0 = arith.constant 0 : i32
    %c0_i32_1 = arith.constant 0 : i32
    return %c0_i32, %c0_i32_0 : i32, i32
  }
  func.func @transform_4(%arg0: i32) -> (i32, i32) {
    %c0_i32 = arith.constant 0 : i32
    %c0_i32_0 = arith.constant 0 : i32
    %c0_i32_1 = arith.constant 0 : i32
    return %c0_i32, %c0_i32_0 : i32, i32
  }
  func.func @transform_5(%arg0: i32) -> (i32, i32) {
    %c0_i32 = arith.constant 0 : i32
    %c0_i32_0 = arith.constant 0 : i32
    %c0_i32_1 = arith.constant 0 : i32
    return %c0_i32, %c0_i32_0 : i32, i32
  }
  func.func @transform_6(%arg0: i32) -> (i32, i32) {
    %c0_i32 = arith.constant 0 : i32
    %c0_i32_0 = arith.constant 0 : i32
    return %arg0, %c0_i32 : i32, i32
  }
}

module attributes {stable_mosaic.version = 14 : i64} {
  func.func @_tc_layer_body(%arg0: i32, %arg1: memref<2x1024x128xf32, #tpu.memory_space<vmem>>, %arg2: memref<32x1024xf32, #tpu.memory_space<vmem>>, %arg3: memref<1024x128xf32, #tpu.memory_space<vmem>>, %arg4: memref<128x128xf32, #tpu.memory_space<vmem>>, %arg5: memref<1x128xf32, #tpu.memory_space<vmem>>, %arg6: memref<128x128xf32, #tpu.memory_space<vmem>>, %arg7: memref<1024x128xf32, #tpu.memory_space<vmem>>) attributes {dimension_semantics = [#tpu.dimension_semantics<arbitrary>], iteration_bounds = array<i64: 10>, scalar_prefetch = 0 : i64, scratch_operands = 0 : i64, tpu.core_type = #tpu.core_type<tc>, window_params = [{transform_indices = @transform_0, window_bounds = array<i64: 2, 1024, 128>}, {transform_indices = @transform_1, window_bounds = array<i64: 32, 1024>}, {transform_indices = @transform_2, window_bounds = array<i64: 1024, 128>}, {pipeline_mode = #tpu.pipeline_mode<synchronous>, transform_indices = @transform_3, window_bounds = array<i64: 128, 128>}, {pipeline_mode = #tpu.pipeline_mode<synchronous>, transform_indices = @transform_4, window_bounds = array<i64: 1, 128>}, {pipeline_mode = #tpu.pipeline_mode<synchronous>, transform_indices = @transform_5, window_bounds = array<i64: 128, 128>}, {transform_indices = @transform_6, window_bounds = array<i64: 1024, 128>}]} {
    %get3A = arith.constant 0 : index
    %get3A_0 = arith.constant 0 : index
    %get3A_1 = arith.constant 0 : index
    %get3A_2 = vector.load %arg1[%get3A, %get3A_0, %get3A_1] : memref<2x1024x128xf32, #tpu.memory_space<vmem>>, vector<1x1024x128xf32>
    %get3A_3 = vector.shape_cast %get3A_2 : vector<1x1024x128xf32> to vector<1024x128xf32>
    %get3A_4 = arith.constant 1 : index
    %get3A_5 = arith.constant 0 : index
    %get3A_6 = arith.constant 0 : index
    %get3A_7 = vector.load %arg1[%get3A_4, %get3A_5, %get3A_6] : memref<2x1024x128xf32, #tpu.memory_space<vmem>>, vector<1x1024x128xf32>
    %get3A_8 = vector.shape_cast %get3A_7 : vector<1x1024x128xf32> to vector<1024x128xf32>
    %add3A = arith.addf %get3A_3, %get3A_8 : vector<1024x128xf32>
    %get3A_9 = arith.constant 0 : index
    %get3A_10 = arith.constant 0 : index
    %get3A_11 = vector.load %arg2[%get3A_9, %get3A_10] : memref<32x1024xf32, #tpu.memory_space<vmem>>, vector<32x1024xf32>
    %reduce_sum3A = arith.constant dense<0.000000e+00> : vector<1024xf32>
    %reduce_sum3A_12 = vector.multi_reduction <add>, %get3A_11, %reduce_sum3A [0] : vector<32x1024xf32> to vector<1024xf32>
    %broadcast_in_dim3A = vector.shape_cast %reduce_sum3A_12 : vector<1024xf32> to vector<1x1024xf32>
    %iota3A = tpu.iota {dimensions = array<i32: 0>} : vector<1024x1024xi32>
    %iota3A_13 = tpu.iota {dimensions = array<i32: 1>} : vector<1024x1024xi32>
    %broadcast_in_dim3A_14 = vector.shape_cast %broadcast_in_dim3A : vector<1x1024xf32> to vector<1x1024xf32>
    %broadcast_in_dim3A_15 = vector.broadcast %broadcast_in_dim3A_14 : vector<1x1024xf32> to vector<1024x1024xf32>
    %eq3A = arith.cmpi eq, %iota3A, %iota3A_13 : vector<1024x1024xi32>
    %jit3A = arith.constant 0.000000e+00 : f32
    %broadcast_in_dim3A_16 = vector.broadcast %jit3A : f32 to vector<1024x1024xf32>
    %select_n3A = arith.select %eq3A, %broadcast_in_dim3A_15, %broadcast_in_dim3A_16 : vector<1024x1024xi1>, vector<1024x1024xf32>
    %reduce_sum3A_17 = arith.constant dense<0.000000e+00> : vector<1024xf32>
    %reduce_sum3A_18 = vector.multi_reduction <add>, %select_n3A, %reduce_sum3A_17 [1] : vector<1024x1024xf32> to vector<1024xf32>
    %broadcast_in_dim3A_19 = vector.shape_cast %reduce_sum3A_18 : vector<1024xf32> to vector<1024x1xf32>
    %max3A = arith.constant 1.000000e+00 : f32
    %max3A_20 = vector.broadcast %max3A : f32 to vector<1024x1xf32>
    %max3A_21 = arith.maximumf %broadcast_in_dim3A_19, %max3A_20 : vector<1024x1xf32>
    %div3A = vector.broadcast %max3A_21 : vector<1024x1xf32> to vector<1024x128xf32>
    %div3A_22 = arith.divf %add3A, %div3A : vector<1024x128xf32>
    %get3A_23 = arith.constant 0 : index
    %get3A_24 = arith.constant 0 : index
    %get3A_25 = vector.load %arg3[%get3A_23, %get3A_24] : memref<1024x128xf32, #tpu.memory_space<vmem>>, vector<1024x128xf32>
    %get3A_26 = arith.constant 0 : index
    %get3A_27 = arith.constant 0 : index
    %get3A_28 = vector.load %arg4[%get3A_26, %get3A_27] : memref<128x128xf32, #tpu.memory_space<vmem>>, vector<128x128xf32>
    %dot_general3A = arith.constant dense<0.000000e+00> : vector<1024x128xf32>
    %dot_general3A_29 = tpu.matmul %div3A_22, %get3A_28, %dot_general3A {dimension_numbers = #tpu.dot_dimension_numbers<[1], [0], [0], [1], [0, 0, 1, 1], [], []>, transpose_lhs_hint = false} : vector<1024x128xf32>, vector<128x128xf32>, vector<1024x128xf32> -> vector<1024x128xf32>
    %get3A_30 = arith.constant 0 : index
    %get3A_31 = arith.constant 0 : index
    %get3A_32 = vector.load %arg5[%get3A_30, %get3A_31] : memref<1x128xf32, #tpu.memory_space<vmem>>, vector<1x128xf32>
    %add3A_33 = vector.broadcast %get3A_32 : vector<1x128xf32> to vector<1024x128xf32>
    %add3A_34 = arith.addf %dot_general3A_29, %add3A_33 : vector<1024x128xf32>
    %get3A_35 = arith.constant 0 : index
    %get3A_36 = arith.constant 0 : index
    %get3A_37 = vector.load %arg6[%get3A_35, %get3A_36] : memref<128x128xf32, #tpu.memory_space<vmem>>, vector<128x128xf32>
    %dot_general3A_38 = arith.constant dense<0.000000e+00> : vector<1024x128xf32>
    %dot_general3A_39 = tpu.matmul %get3A_25, %get3A_37, %dot_general3A_38 {dimension_numbers = #tpu.dot_dimension_numbers<[1], [0], [0], [1], [0, 0, 1, 1], [], []>, transpose_lhs_hint = false} : vector<1024x128xf32>, vector<128x128xf32>, vector<1024x128xf32> -> vector<1024x128xf32>
    %add3A_40 = arith.addf %add3A_34, %dot_general3A_39 : vector<1024x128xf32>
    %mul3A = arith.mulf %add3A_40, %add3A_40 : vector<1024x128xf32>
    %reduce_sum3A_41 = arith.constant dense<0.000000e+00> : vector<1024xf32>
    %reduce_sum3A_42 = vector.multi_reduction <add>, %mul3A, %reduce_sum3A_41 [1] : vector<1024x128xf32> to vector<1024xf32>
    %broadcast_in_dim3A_43 = vector.shape_cast %reduce_sum3A_42 : vector<1024xf32> to vector<1024x1xf32>
    %sqrt3A = math.sqrt %broadcast_in_dim3A_43 : vector<1024x1xf32>
    %max3A_44 = arith.constant 9.99999996E-13 : f32
    %max3A_45 = vector.broadcast %max3A_44 : f32 to vector<1024x1xf32>
    %max3A_46 = arith.maximumf %sqrt3A, %max3A_45 : vector<1024x1xf32>
    %div3A_47 = vector.broadcast %max3A_46 : vector<1024x1xf32> to vector<1024x128xf32>
    %div3A_48 = arith.divf %add3A_40, %div3A_47 : vector<1024x128xf32>
    %add3A_49 = arith.addf %div3A_48, %get3A_25 : vector<1024x128xf32>
    %swap3A = arith.constant 0 : index
    %swap3A_50 = arith.constant 0 : index
    %swap3A_51 = vector.load %arg7[%swap3A, %swap3A_50] : memref<1024x128xf32, #tpu.memory_space<vmem>>, vector<1024x128xf32>
    tpu.vector_store %arg7[%swap3A, %swap3A_50], %add3A_49 {strides = array<i32>} : memref<1024x128xf32, #tpu.memory_space<vmem>>, vector<1024x128xf32>,
    return
  }
  func.func @transform_0(%arg0: i32) -> (i32, i32, i32) {
    %c0_i32 = arith.constant 0 : i32
    %c0_i32_0 = arith.constant 0 : i32
    %c0_i32_1 = arith.constant 0 : i32
    return %c0_i32, %arg0, %c0_i32_0 : i32, i32, i32
  }
  func.func @transform_1(%arg0: i32) -> (i32, i32) {
    %c0_i32 = arith.constant 0 : i32
    %c0_i32_0 = arith.constant 0 : i32
    return %c0_i32, %arg0 : i32, i32
  }
  func.func @transform_2(%arg0: i32) -> (i32, i32) {
    %c0_i32 = arith.constant 0 : i32
    %c0_i32_0 = arith.constant 0 : i32
    return %arg0, %c0_i32 : i32, i32
  }
  func.func @transform_3(%arg0: i32) -> (i32, i32) {
    %c0_i32 = arith.constant 0 : i32
    %c0_i32_0 = arith.constant 0 : i32
    %c0_i32_1 = arith.constant 0 : i32
    return %c0_i32, %c0_i32_0 : i32, i32
  }
  func.func @transform_4(%arg0: i32) -> (i32, i32) {
    %c0_i32 = arith.constant 0 : i32
    %c0_i32_0 = arith.constant 0 : i32
    %c0_i32_1 = arith.constant 0 : i32
    return %c0_i32, %c0_i32_0 : i32, i32
  }
  func.func @transform_5(%arg0: i32) -> (i32, i32) {
    %c0_i32 = arith.constant 0 : i32
    %c0_i32_0 = arith.constant 0 : i32
    %c0_i32_1 = arith.constant 0 : i32
    return %c0_i32, %c0_i32_0 : i32, i32
  }
  func.func @transform_6(%arg0: i32) -> (i32, i32) {
    %c0_i32 = arith.constant 0 : i32
    %c0_i32_0 = arith.constant 0 : i32
    return %arg0, %c0_i32 : i32, i32
  }
}

</mosaic_0001>

<sc_bundles>
// kernel: kernel.6.cloned.1.call-start
scs
__scs_entry_jumppad:
0x0: {  	(pc) =	sbr.rel $0x88, $3  }
0x1: {  	(tag) =	ssettag $0x0;
	lr =	simm.s32 $0x1  }
0x2: {  	[smem:$0x3F99] =	sst lr;
	_ =	strace $0xD0000000  }
0x3: {  	_ = 	snop  }
0x4: {  	_ = 	snop  }
0x5: {  	_ = 	snop  }
0x6: {  	_ = 	snop  }
0x7: {  	_ = 	snop  }
__scs_overlays_trampoline_lowered:
0x8: {  	[smem:$0x3FA8] =	sst s0  }
0x9: {  	[smem:$0x3FA9] =	sst s1  }
0xa: {  	[smem:$0x3FAA] =	sst s2  }
0xb: {  	[smem:$0x3FAB] =	sst s3  }
0xc: {  	[smem:$0x3FAC] =	sst s4  }
0xd: {  	[smem:$0x3FAD] =	sst s5  }
0xe: {  	[smem:$0x3FAE] =	sst s6  }
0xf: {  	[smem:$0x3FAF] =	sst s7  }
0x10: {  	[smem:$0x3FB0] =	sst s8  }
0x11: {  	[smem:$0x3FB1] =	sst s9;
	s0 =	simm.s32 @!p0 $0x0  }
0x12: {  	s1 =	sld [smem:$0x3F97];
	s0 =	simm.s32 @p0 $0x1  }
0x13: {  	[smem:$0x3FB2] =	sst s0;
	s0 =	simm.s32 @!p1 $0x0  }
0x14: {  	s2 =	sld [smem:$0x3F96];
	s0 =	simm.s32 @p1 $0x1  }
0x15: {  	[smem:$0x3FB3] =	sst s0;
	s0 =	simm.s32 @!p2 $0x0  }
0x16: {  	s3 =	sld [smem:$0x3FDB];
	s0 =	simm.s32 @p2 $0x1  }
0x17: {  	s4 =	simm.s32 $0x1BF5;
	[smem:$0x3FB5] =	sst s0  }
0x18: {  	s0 =	sld [smem:$0x3F98];
	_ =	swait.ge [sflag:s4], $0x0  }
0x19: {  	s7 =	sld [smem:$0x3F99]  }
0x1a: {  	s8 =	sadd.s32 $0xFFFFE003, lr  }
0x1b: {  	s9 =	sadd.s32 $0xFFFFFEF7, lr;
	s5 =	simm.s32 $0xFFFFFFFF;
	p2 =	slt.u32 s8, $0xFFFFF086  }
0x1c: {  	p1 =	slt.u32 s9, $0xF7A;
	s5 =	simm.s32 @!p2 $0x0  }
0x1d: {  	s5 =	simm.s32 @p1 $0x1;
	p0 =	seq.s32 s7, s2  }
0x1e: {  	s7 =	smul.u32 @!p0 $0xF7A, s2;
	p2 =	seq.s32 @!p0 s5, $0x0  }
0x1f: {  	s9 =	smul.u32 $0xF7A, s1;
	s8 =	simm.s32 @!p0 $0x1BF5;
	p2 =	por !p2, p0  }
0x20: {  	[sflag:s8] =	ssyncset.s32 @!p0 $0xFFFFF086;
	s6 =	sadd.s32 @!p0 s3, s7;
	s7 =	simm.s32 @!p0 $0x108  }
0x21: {  	s3 =	sadd.s32 s3, s9;
	s6 =	sadd.s32 @!p0 $0x88, s6;
	s7 =	simm.s32 @p2 $0x1082  }
0x22: {  	[simem:s7], [sflag:s8] =	dma.local @!p0 [hbm:s6], $0xF7A  }
0x23: {  	s9 =	sor.u32 $0xD0000000, s2;
	s6 =	simm.s32 $0x108;
	_ =	swait.ge @!p0 [sflag:s8], $0x0  }
0x24: {  	s3 =	sadd.s32 $0x88, s3;
	s6 =	simm.s32 @!p1 $0x1082;
	[sflag:s4] =	ssyncset.s32 $0xFFFFF086  }
0x25: {  	[simem:s6], [sflag:s4] =	dma.local [hbm:s3], $0xF7A  }
0x26: {  	[smem:$0x3F99] =	sst s1;
	(tag) =	ssettag s2;
	_ =	strace s9  }
0x27: {  	s1 =	sld [smem:$0x3FA9]  }
0x28: {  	s2 =	sld [smem:$0x3FAA]  }
0x29: {  	s4 =	sld [smem:$0x3FAC]  }
0x2a: {  	p0 =	seq.s32 s5, $0x0;
	s5 =	sld [smem:$0x3FAD]  }
0x2b: {  	s6 =	sld [smem:$0x3FAE]  }
0x2c: {  	s7 =	sld [smem:$0x3FAF]  }
0x2d: {  	s3 =	simm.s32 $0x108;
	s8 =	sld [smem:$0x3FB0]  }
0x2e: {  	s3 =	simm.s32 @!p0 $0x1082;
	s9 =	sld [smem:$0x3FB1]  }
0x2f: {  	lr =	sadd.s32 s0, s3;
	s0 =	sld [smem:$0x3FA8]  }
0x30: {  	s3 =	sld [smem:$0x3FAB]  }
0x31: {  	[smem:$0x3FB4] =	sst s10  }
0x32: {  	s10 =	sld [smem:$0x3FB2];
	_ =	sdelay $0x3  }
0x33: {  	p0 =	seq.s32 s10, $0x1;
	s10 =	sld [smem:$0x3FB4];
	_ =	sdelay $0x3  }
0x34: {  	[smem:$0x3FB4] =	sst s10  }
0x35: {  	s10 =	sld [smem:$0x3FB3];
	_ =	sdelay $0x3  }
0x36: {  	p1 =	seq.s32 s10, $0x1;
	s10 =	sld [smem:$0x3FB4];
	_ =	sdelay $0x3  }
0x37: {  	[smem:$0x3FB4] =	sst s10  }
0x38: {  	s10 =	sld [smem:$0x3FB5]  }
0x39: {  	_ = 	snop;
	(pc) =	sbr.ind lr, $3  }
0x3a: {  	_ = 	snop  }
0x3b: {  	_ = 	snop  }
0x3c: {  	p2 =	seq.s32 s10, $0x1;
	s10 =	sld [smem:$0x3FB4]  }
0x3d: {  	_ =	shalt  }
0x3e: {  	_ =	shalt  }
0x3f: {  	_ =	shalt  }
0x40: {  	_ =	shalt  }
0x41: {  	_ =	shalt  }
0x42: {  	_ =	shalt  }
0x43: {  	_ =	shalt  }
0x44: {  	_ =	shalt  }
0x45: {  	_ =	shalt  }
0x46: {  	_ =	shalt  }
0x47: {  	_ =	shalt  }
0x48: {  	_ =	shalt  }
0x49: {  	_ =	shalt  }
0x4a: {  	_ =	shalt  }
0x4b: {  	_ =	shalt  }
0x4c: {  	_ =	shalt  }
0x4d: {  	_ =	shalt  }
0x4e: {  	_ =	shalt  }
0x4f: {  	_ =	shalt  }
0x50: {  	_ =	shalt  }
0x51: {  	_ =	shalt  }
0x52: {  	_ =	shalt  }
0x53: {  	_ =	shalt  }
0x54: {  	_ =	shalt  }
0x55: {  	_ =	shalt  }
0x56: {  	_ =	shalt  }
0x57: {  	_ =	shalt  }
0x58: {  	_ =	shalt  }
0x59: {  	_ =	shalt  }
0x5a: {  	_ =	shalt  }
0x5b: {  	_ =	shalt  }
0x5c: {  	_ =	shalt  }
0x5d: {  	_ =	shalt  }
0x5e: {  	_ =	shalt  }
0x5f: {  	_ =	shalt  }
0x60: {  	_ =	shalt  }
0x61: {  	_ =	shalt  }
0x62: {  	_ =	shalt  }
0x63: {  	_ =	shalt  }
0x64: {  	_ =	shalt  }
0x65: {  	_ =	shalt  }
0x66: {  	_ =	shalt  }
0x67: {  	_ =	shalt  }
0x68: {  	_ =	shalt  }
0x69: {  	_ =	shalt  }
0x6a: {  	_ =	shalt  }
0x6b: {  	_ =	shalt  }
0x6c: {  	_ =	shalt  }
0x6d: {  	_ =	shalt  }
0x6e: {  	_ =	shalt  }
0x6f: {  	_ =	shalt  }
0x70: {  	_ =	shalt  }
0x71: {  	_ =	shalt  }
0x72: {  	_ =	shalt  }
0x73: {  	_ =	shalt  }
0x74: {  	_ =	shalt  }
0x75: {  	_ =	shalt  }
0x76: {  	_ =	shalt  }
0x77: {  	_ =	shalt  }
0x78: {  	_ =	shalt  }
0x79: {  	_ =	shalt  }
0x7a: {  	_ =	shalt  }
0x7b: {  	_ =	shalt  }
0x7c: {  	_ =	shalt  }
0x7d: {  	_ =	shalt  }
0x7e: {  	_ =	shalt  }
0x7f: {  	_ =	shalt  }
0x80: {  	_ =	shalt  }
0x81: {  	_ =	shalt  }
0x82: {  	_ =	shalt  }
0x83: {  	_ =	shalt  }
0x84: {  	_ =	shalt  }
0x85: {  	_ =	shalt  }
0x86: {  	_ =	shalt  }
0x87: {  	_ =	shalt  }
.Lfunc_end0:
.L_simem_size_0:
called_computation_lowered:
.L_overlay_start_0:
0x88: {  	s2 =	sld [smem:$0x3FD9]  }
0x89: {  	s3 =	sld [smem:$0x3FFE];
	_ =	sdelay $0x1  }
0x8a: {  	s1 =	srdreg.scid  }
0x8b: {  	s0 =	sand.u32 $0x1, s1  }
0x8c: {  	s17 =	sshll.u32 s0, $0xA;
	s2 =	sadd.s32 s3, s2  }
0x8d: {  	s2 =	sadd.s32 s2, s17  }
0x8e: {  	[smem:$0x3FC0] =	sst s2  }
0x8f: {  	_ = 	snop  }
0x90: {  	s2 =	sld [smem:$0x3FC9];
	(tm) =	ssettm $0x1  }
0x91: {  	s18 =	sld [smem:$0x3FFB];
	_ =	sdelay $0x3  }
0x92: {  	_ =	strace s18  }
0x93: {  	s3 =	sld [smem:$0x3FFC];
	_ =	sdelay $0x3  }
0x94: {  	_ =	strace s3  }
0x95: {  	s3 =	sld [smem:$0x3FFD];
	_ =	sdelay $0x3  }
0x96: {  	_ =	strace s3  }
0x97: {  	_ =	strace $0x8FFFFFFF  }
0x98: {  	s19 =	sld [smem:$0x3FDB];
	_ =	sdelay $0x1  }
0x99: {  	s4 =	simm.s32 $_scs_section_size  }
0x9a: {  	s5 =	simm.s32 $_size__tile_overlayer_lowered;
	s6 =	simm.s32 $_tile_overlayer_lowered  }
0x9b: {  	s22 =	simm.s32 $0x1BFF;
	s21 =	sshll.u32 s6, $0x1;
	s3 =	sadd.s32 s4, s19  }
0x9c: {  	s7 =	simm.s32 $0x0;
	s20 =	sshll.u32 s5, $0x1;
	s5 =	sadd.s32 s21, s3  }
0x9d: {  	[timem:s7], [sflag:s22] =	dma.local [hbm:s5], s20  }
0x9e: {  	_ =	swait.ge [sflag:s22], s20  }
0x9f: {  	s4 =	ssub.s32 $0x0, s20;
	[sflag:s22] =	ssyncset.done $0x0  }
0xa0: {  	[sflag:s22] =	ssyncadd.s32 s4;
	_ =	sdelay $0x1  }
0xa1: {  	s23 =	simm.s32 $0x1B8B  }
0xa2: {  	_ =	swait.ge [sflag:s23], $0x1  }
0xa3: {  	[sflag:s23] =	ssyncset.done $0x0  }
0xa4: {  	s25 =	simm.s32 $0x1B8E;
	s24 =	sld [smem:$0x3FFE];
	[sflag:s23] =	ssyncadd.s32 $0xFFFFFFFF  }
0xa5: {  	s26 =	simm.s32 $execute0_lowered;
	[smem:$0x3FD2] =	sst s25  }
0xa6: {  	s5 =	sshll.u32 s26, $0x1;
	_ =	strace $0x80000046;
	[dreg:$0x1] =	wrdreg $0xFFFFFFFF  }
0xa7: {  	s28 =	simm.s32 $_size_execute0_lowered;
	s3 =	sadd.s32 s3, s5;
	[dreg:$0x0] =	wrdreg $0x0  }
0xa8: {  	s5 =	sshll.u32 s28, $0x1;
	[dreg:$0x2] =	wrdreg s3  }
0xa9: {  	[dreg:$0x3] =	wrdreg s5  }
0xaa: {  	[dreg:$0x4] =	wrdreg $0xC0  }
0xab: {  	_ =	task [dreg:s7], $0x5FFFF  }
0xac: {  	[dreg:$0x1] =	wrdreg $0xFFFFFFFF  }
0xad: {  	[dreg:$0x0] =	wrdreg $0x60  }
0xae: {  	[dreg:$0x2] =	wrdreg s2  }
0xaf: {  	[dreg:$0x3] =	wrdreg s24  }
0xb0: {  	[dreg:$0x4] =	wrdreg $0x0  }
0xb1: {  	[dreg:$0x5] =	wrdreg $0x9  }
0xb2: {  	_ =	task.clear_ibuf [dreg:s7], $0x6FFFF;
	_ =	strace $0x90000046  }
0xb3: {  	s29 =	simm.s32 $0x9;
	_ =	strace $0x80000048  }
0xb4: {  	_ =	swait.ge [sflag:s29], $0x1  }
0xb5: {  	[sflag:s29] =	ssyncadd.s32 $0xFFFFFFFF  }
0xb6: {  	_ =	strace $0x90000048  }
0xb7: {  	_ =	sfence  }
0xb8: {  	s30 =	sld [smem:$0x0];
	_ =	sdelay $0x2  }
0xb9: {  	s31 =	sshll.u32 s1, $0xD;
	s1 =	sshrl.u32 s1, $0x2  }
0xba: {  	s3 =	sand.u32 $0x4000, s31;
	s1 =	sadd.s32 s1, s30  }
0xbb: {  	s0 =	sor.u32 s3, s0;
	s1 =	sshll.u32 s1, $0x11  }
0xbc: {  	s0 =	sor.u32 s1, s0  }
0xbd: {  	s0 =	sadd.s32 $0x8F2B, s0  }
0xbe: {  	[sflag:s0] =	ssyncadd.remote.s32 $0x1  }
0xbf: {  	_ =	sfence.sel $0xFFFF  }
0xc0: {  	[dreg:$0x0] =	wrdreg $0xFFFFFFFF;
	(pc) =	sbr.abs _section_cstart, $3  }
0xc1: {  	[dreg:$0x1] =	wrdreg $0xFFFFFFFF  }
0xc2: {  	_ =	task.clear_ibuf [dreg:s7], $0x2FFFF;
	_ =	strace $0x9FFFFFFF  }
0xc3: {  	(tm) =	ssettm $0x7FFFFFFF  }
tec
execute0_lowered:
.L_overlay_start_1:
0x0: {  	(tag) =	ssettag $0x1  }
0x1: {  	s1 =	rddreg [dreg:$0x0]  }
0x2: {  	s0 =	srdreg.scid;
	s2 =	rddreg [dreg:$0x1]  }
0x3: {  	s12 =	stileid.u32;
	s3 =	rddreg [dreg:$0x2];
	s4 =	simm.s32 $0x0  }
0x4: {  	s29 =	simm.s32 $0x13940;
	s28 =	simm.s32 $0x3;
	s5 =	smul.u32 $0x12, s12  }
0x5: {  	s30 =	simm.s32 $0x2;
	s0 =	sand.u32 $0x1, s0;
	s15 =	smul.u32 $0x4E000, s12  }
0x6: {  	s6 =	sshll.u32 s12, $0x1;
	s8 =	sshrl.u32 s12, $0x2;
	s17 =	smul.u32 $0x13800, s12  }
0x7: {  	[smem:$0x7FF] =	sst s4;
	s22 =	sadd.s32 $0x138000, s3;
	s7 =	smul.u32 $0x9, s0  }
0x8: {  	s6 =	sor.u32 s0, s6;
	s10 =	smul.u32 $0x14000, s8;
	_ =	strace $0x80000047  }
0x9: {  	s14 =	ssub.s32 $0x2, s0;
	s0 =	smul.u32 $0x138800, s0;
	[dreg:$0x9] =	wrdreg s22  }
0xa: {  	s22 =	simm.s32 $0x80;
	s9 =	smin.u32 s6, $0x19;
	s11 =	sshll.u32 s6, $0x7  }
0xb: {  	p0 =	slt.u32 s6, $0x19;
	s16 =	sshrl.u32 s15, $0x2;
	s15 =	simm.s32 $0x13C40  }
0xc: {  	s5 =	sadd.s32 s7, s5;
	s8 =	sand.u32 $0x380, s11;
	s11 =	sshrl.u32 s14, $0x1  }
0xd: {  	s23 =	sadd.s32 s16, s3;
	s6 =	sadd.s32 s17, s0;
	s0 =	sshrl.u32 s0, $0x3  }
0xe: {  	s16 =	simm.s32 $0x13FC0;
	s17 =	simm.s32 $0x14040;
	s5 =	sadd.s32 s9, s5  }
0xf: {  	s13 =	sor.u32 s10, s8;
	s10 =	sadd.s32 $0x16200, s2;
	s7 =	ssub.s32 s14, s11  }
0x10: {  	s18 =	sadd.s32 $0x4000, s23;
	s19 =	sadd.s32 $0x8000, s23;
	[dreg:$0x4] =	wrdreg s23  }
0x11: {  	s20 =	sadd.s32 $0xC000, s23;
	s21 =	sadd.s32 $0x10000, s23;
	[dreg:$0x5] =	wrdreg s18  }
0x12: {  	s6 =	sshrl.u32 s6, $0x3;
	s8 =	simm.s32 $0x13AC0;
	[dreg:$0x6] =	wrdreg s19  }
0x13: {  	s14 =	simm.s32 $0x13F40;
	s11 =	simm.s32 $0x0;
	[dreg:$0x7] =	wrdreg s20  }
0x14: {  	s5 =	sshll.u32 s5, $0x7;
	[dreg:$0x8] =	wrdreg s21;
	s6 =	sadd.s32 s10, s6  }
0x15: {  	s0 =	sadd.s32 s10, s0;
	s25 =	smax.u32 s7, $0x1;
	s18 =	simm.s32 $0x140C0  }
0x16: {  	s19 =	simm.s32 $0x5;
	s20 =	simm.s32 $0x138C0;
	s21 =	simm.s32 $0x13CC0  }
0x17: {  	s7 =	simm.s32 $0x13DC0;
	s10 =	simm.s32 $0x13B40;
	s9 =	sadd.s32 s5, s2  }
0x18: {  	s5 =	sshrl.u32 s13, $0x3;
	[dreg:$0xa] =	wrdreg s6;
	s0 =	sadd.s32 $0x27000, s0  }
0x19: {  	[dreg:$0xd] =	wrdreg s25;
	s25 =	simm.s32 $0x1;
	s13 =	simm.s32 $0x13BC0  }
0x1a: {  	s2 =	sadd.s32 s5, s2;
	s5 =	simm.s32 $0xA;
	[dreg:$0xb] =	wrdreg s0  }
.Ltmp0:
0x1b: {  	s26 =	sadd.s32 $0xC400, s9;
	s31 =	sadd.s32 $0x2600, s9;
	(pc) =	sbr.rel .LBB2_1-.Ltmp0, $4  }
0x1c: {  	s0 =	simm.s32 $0x13A40;
	s9 =	simm.s32 $0x13E40;
	[dreg:$0xe] =	wrdreg s26  }
0x1d: {  	s5 =	simm.s32 @!p0 $0x9;
	s24 =	sadd.s32 $0x64400, s2;
	[dreg:$0xf] =	wrdreg s31  }
0x1e: {  	p0 =	sne.s32 s12, $0xF;
	s26 =	simm.s32 $0x1C0C0;
	s2 =	simm.s32 $0x4  }
0x1f: {  	v0 =	vimm.f32 $0.0e+00;
	v1 =	vimm.f32 $1.000000000e+00;
	s12 =	simm.s32 $0x13EC0;
	[dreg:$0xc] =	wrdreg s24;
	s24 =	simm.s32 $0x180C0  }
.LBB2_9:
0x20: {  	s6 =	stileid.u32;
	[bflag:$0x0] =	sbarrier.arrive $0xFFFF  }
0x21: {  	s6 =	sshll.u32 s6, $0x6;
	s23 =	rddreg [dreg:$0x4]  }
0x22: {  	s29 =	rddreg [dreg:$0xa];
	s6 =	sor.u32 $0x1C05, s6;
	s11 =	sshrl.u32 s23, $0x3  }
0x23: {  	[hbm:s29], [sflag:s6] =	dma.local [spmem:s11], $0x2700  }
0x24: {  	_ =	swait.ge [sflag:s19], $0x2700  }
0x25: {  	[sflag:s19] =	ssyncset.done $0x0;
	s11 =	rddreg [dreg:$0x9]  }
0x26: {  	s29 =	rddreg [dreg:$0xb];
	[sflag:s19] =	ssyncadd.s32 $0xFFFFD900;
	s11 =	sshrl.u32 @!p0 s11, $0x3  }
0x27: {  	[hbm:s29], [sflag:s6] =	dma.local @!p0 [spmem:s11], $0x100  }
0x28: {  	s6 =	simm.s32 @!p0 $0x5  }
0x29: {  	_ =	swait.ge @!p0 [sflag:s6], $0x100  }
0x2a: {  	[sflag:s6] =	ssyncset.done @!p0 $0x0  }
0x2b: {  	s31 =	simm.s32 $0x400;
	s11 =	rddreg [dreg:$0xc];
	[sflag:s6] =	ssyncadd.s32 @!p0 $0xFFFFFF00  }
0x2c: {  	[hbm4b:s11+s22] =	stream.strided.scatter [tilespmem:s26], [sflag:$0x5], $0x2800, s31, s22, $0x38;
	[tilespmem:$0x1E8C0] =	vst v63  }
0x2d: {  	_ =	swait.ge [sflag:s19], $0x2800  }
0x2e: {  	s6 =	rddreg [dreg:$0x10]  }
0x2f: {  	s31 =	rddreg [dreg:$0xd];
	s11 =	sadd.s32 $0x1, s6  }
0x30: {  	p1 =	sne.s32 s11, s31  }
.Ltmp1:
0x31: {  	_ = 	snop;
	(pc) =	sbr.rel @!p1 .LBB2_10-.Ltmp1, $3  }
0x32: {  	_ =	sdelay $0x1  }
0x33: {  	[sflag:s19] =	ssyncset.done $0x0  }
0x34: {  	s29 =	simm.s32 $0x13940;
	[sflag:s19] =	ssyncadd.s32 $0xFFFFD800  }
.LBB2_1:
0x35: {  	[dreg:$0x10] =	wrdreg s11;
	s6 =	simm.s32 $0x0;
	s11 =	simm.s32 $0x200  }
.LBB2_2:
0x36: {  	p1 =	sne.s32 s11, $0xFE00;
	[tilespmem:s6+$0x14130] =	vst v0  }
0x37: {  	[tilespmem:s6+$0x140C0] =	vst v0  }
0x38: {  	[tilespmem:s6+$0x140D0] =	vst v0  }
.Ltmp2:
0x39: {  	[tilespmem:s6+$0x140E0] =	vst v0;
	(pc) =	sbr.rel @p1 .LBB2_2-.Ltmp2, $4  }
0x3a: {  	[tilespmem:s6+$0x140F0] =	vst v0  }
0x3b: {  	[tilespmem:s6+$0x14100] =	vst v0  }
0x3c: {  	[tilespmem:s6+$0x14110] =	vst v0  }
0x3d: {  	[tilespmem:s6+$0x14120] =	vst v0;
	s6 =	sshra.s32 s11, $0x2;
	s11 =	sadd.s32 $0x200, s11  }
0x3e: {  	[tilespmem:s6+$0x14130] =	vst v0  }
0x3f: {  	[tilespmem:s6+$0x140C0] =	vst v0  }
0x40: {  	[tilespmem:s6+$0x140D0] =	vst v0  }
0x41: {  	[tilespmem:s6+$0x140E0] =	vst v0  }
0x42: {  	[tilespmem:s6+$0x140F0] =	vst v0  }
0x43: {  	[tilespmem:s6+$0x14100] =	vst v0  }
0x44: {  	[tilespmem:s6+$0x14110] =	vst v0  }
0x45: {  	[tilespmem:s6+$0x14120] =	vst v0  }
0x46: {  	[spmem:s23] =	stream.linear.scatter [tilespmem:s18], [sflag:$0x5], $0x4000, $0x38;
	[tilespmem:$0x1E8C0] =	vst v63  }
0x47: {  	_ =	swait.ge [sflag:s19], $0x4000  }
0x48: {  	[sflag:s19] =	ssyncset.done $0x0  }
0x49: {  	s31 =	rddreg [dreg:$0x5];
	[sflag:s19] =	ssyncadd.s32 $0xFFFFC000  }
0x4a: {  	[spmem:s31] =	stream.linear.scatter [tilespmem:s18], [sflag:$0x5], $0x4000, $0x38;
	[tilespmem:$0x1E8C0] =	vst v63  }
0x4b: {  	_ =	swait.ge [sflag:s19], $0x4000  }
0x4c: {  	[sflag:s19] =	ssyncset.done $0x0  }
0x4d: {  	s11 =	rddreg [dreg:$0x6];
	[sflag:s19] =	ssyncadd.s32 $0xFFFFC000  }
0x4e: {  	[spmem:s11] =	stream.linear.scatter [tilespmem:s18], [sflag:$0x5], $0x4000, $0x38;
	[tilespmem:$0x1E8C0] =	vst v63  }
0x4f: {  	_ =	swait.ge [sflag:s19], $0x4000  }
0x50: {  	[sflag:s19] =	ssyncset.done $0x0  }
0x51: {  	s23 =	rddreg [dreg:$0x7];
	[sflag:s19] =	ssyncadd.s32 $0xFFFFC000  }
0x52: {  	[spmem:s23] =	stream.linear.scatter [tilespmem:s18], [sflag:$0x5], $0x4000, $0x38;
	[tilespmem:$0x1E8C0] =	vst v63  }
0x53: {  	_ =	swait.ge [sflag:s19], $0x4000  }
0x54: {  	[sflag:s19] =	ssyncset.done $0x0  }
0x55: {  	s31 =	rddreg [dreg:$0x8];
	[sflag:s19] =	ssyncadd.s32 $0xFFFFC000  }
0x56: {  	[spmem:s31] =	stream.linear.scatter [tilespmem:s18], [sflag:$0x5], $0x3800, $0x38;
	[tilespmem:$0x1E8C0] =	vst v63  }
0x57: {  	_ =	swait.ge [sflag:s19], $0x3800  }
0x58: {  	[sflag:s19] =	ssyncset.done $0x0  }
0x59: {  	s6 =	simm.s32 @!p0 $0x140C0;
	s11 =	rddreg [dreg:$0x9];
	[sflag:s19] =	ssyncadd.s32 $0xFFFFC800  }
0x5a: {  	[spmem:s11] =	stream.linear.scatter @!p0 [tilespmem:s6], [sflag:$0x5], $0x800, $0x38;
	[tilespmem:$0x1E8C0] =	vst v63  }
0x5b: {  	s6 =	simm.s32 @!p0 $0x5  }
0x5c: {  	_ =	swait.ge @!p0 [sflag:s6], $0x800  }
0x5d: {  	[sflag:s6] =	ssyncset.done @!p0 $0x0  }
0x5e: {  	s11 =	simm.s32 $0x0;
	[sflag:s6] =	ssyncadd.s32 @!p0 $0xFFFFF800;
	s6 =	simm.s32 $0x40  }
.LBB2_4:
0x5f: {  	p1 =	sne.s32 s6, $0x9FC0;
	[tilespmem:s11+$0x1C0C0] =	vst v0;
	s11 =	smov.u32 s6;
	s6 =	sadd.s32 $0x40, s6  }
.Ltmp3:
0x60: {  	(pc) =	sbr.rel @p1 .LBB2_4-.Ltmp3, $2  }
0x61: {  	_ =	sdelay $0x2  }
0x62: {  	s11 =	sshra.s32 s11, $0x2  }
.Ltmp4:
0x63: {  	(pc) =	sbr.rel .LBB2_6-.Ltmp4, $4  }
0x64: {  	[tilespmem:s11+$0x1C0C0] =	vst v0  }
0x65: {  	[bflag:$0x0] =	sbarrier.arrive $0xFFFF  }
0x66: {  	s11 =	rddreg [dreg:$0xf]  }
0x67: {  	s6 =	simm.s32 $0x0;
	s23 =	rddreg [dreg:$0xe]  }
.LBB2_8:
0x68: {  	s6 =	sadd.s32 $0x1, s6  }
0x69: {  	p1 =	sne.s32 s6, $0xA  }
.Ltmp5:
0x6a: {  	_ = 	snop;
	(pc) =	sbr.rel @!p1 .LBB2_9-.Ltmp5, $2  }
0x6b: {  	_ =	sdelay $0x2  }
0x6c: {  	s23 =	sadd.s32 $0x80, s23;
	s11 =	sadd.s32 $0x80, s11  }
.LBB2_6:
0x6d: {  	p1 =	sge.u32 s6, s5  }
.Ltmp6:
0x6e: {  	_ = 	snop;
	(pc) =	sbr.rel @p1 .LBB2_8-.Ltmp6, $1  }
0x6f: {  	_ =	sdelay $0x3  }
0x70: {  	[tilespmem:s20], [sflag:$0x5] =	stream.linear.gather [hbm4b:s23+s4], $0x400, $0x38;
	[tilespmem:$0x1E8C0] =	vst v63  }
0x71: {  	_ =	swait.ge [sflag:s19], $0x400  }
0x72: {  	[sflag:s19] =	ssyncset.done $0x0  }
0x73: {  	[sflag:s19] =	ssyncadd.s32 $0xFFFFFC00  }
0x74: {  	[tilespmem:s21], [sflag:$0x5] =	stream.linear.gather [hbm4b:s11+s4], $0x400, $0x38;
	[tilespmem:$0x1E8C0] =	vst v63  }
0x75: {  	_ =	swait.ge [sflag:s19], $0x400  }
0x76: {  	[sflag:s19] =	ssyncset.done $0x0  }
0x77: {  	[sflag:s19] =	ssyncadd.s32 $0xFFFFFC00  }
0x78: {  	[tilespmem:s18], [sflag:$0x1] =	stream.indirect.gather [hbm4b:s1+s22], $0x80, s20, s22, $0xb8;
	[tilespmem:$0x1E8C0] =	vst v63  }
0x79: {  	_ = 	snop  }
0x7a: {  	[tilespmem:s24], [sflag:$0x2] =	stream.indirect.gather [hbm4b:s1+s22], $0x80, s29, s22, $0xb8;
	[tilespmem:$0x1E8C0] =	vst v63  }
0x7b: {  	_ =	swait.ge [sflag:s25], $0x4000  }
0x7c: {  	[sflag:s25] =	ssyncset.done $0x0  }
0x7d: {  	[sflag:s25] =	ssyncadd.s32 $0xFFFFC000  }
0x7e: {  	[spmem:s3] =	stream.indirect.scatter.add.f32 [tilespmem:s18], [sflag:$0x3], $0x80, s21, s22, $0xb8;
	[tilespmem:$0x1E8C0] =	vst v63  }
0x7f: {  	v2 =	vld [tilespmem:$0x13CC0];
	_ =	sdelay $0x7  }
0x80: {  	[tilespmem:v2+s26+$0x0] =	vst.idx.add.f32.msk $0xffff, v1  }
0x81: {  	v2 =	vld [tilespmem:$0x13CD0];
	_ =	sdelay $0x7  }
0x82: {  	[tilespmem:v2+s26+$0x0] =	vst.idx.add.f32.msk $0xffff, v1  }
0x83: {  	v2 =	vld [tilespmem:$0x13CE0];
	_ =	sdelay $0x7  }
0x84: {  	[tilespmem:v2+s26+$0x0] =	vst.idx.add.f32.msk $0xffff, v1  }
0x85: {  	v2 =	vld [tilespmem:$0x13CF0];
	_ =	sdelay $0x7  }
0x86: {  	[tilespmem:v2+s26+$0x0] =	vst.idx.add.f32.msk $0xffff, v1  }
0x87: {  	v2 =	vld [tilespmem:$0x13D00];
	_ =	sdelay $0x7  }
0x88: {  	[tilespmem:v2+s26+$0x0] =	vst.idx.add.f32.msk $0xffff, v1  }
0x89: {  	v2 =	vld [tilespmem:$0x13D10];
	_ =	sdelay $0x7  }
0x8a: {  	[tilespmem:v2+s26+$0x0] =	vst.idx.add.f32.msk $0xffff, v1  }
0x8b: {  	v2 =	vld [tilespmem:$0x13D20];
	_ =	sdelay $0x7  }
0x8c: {  	[tilespmem:v2+s26+$0x0] =	vst.idx.add.f32.msk $0xffff, v1  }
0x8d: {  	v2 =	vld [tilespmem:$0x13D30];
	_ =	sdelay $0x7  }
0x8e: {  	[tilespmem:v2+s26+$0x0] =	vst.idx.add.f32.msk $0xffff, v1  }
0x8f: {  	_ =	swait.ge [sflag:s28], $0x4000  }
0x90: {  	[sflag:s28] =	ssyncset.done $0x0  }
0x91: {  	s31 =	simm.s32 $0x139C0;
	[sflag:s28] =	ssyncadd.s32 $0xFFFFC000  }
0x92: {  	[tilespmem:s18], [sflag:$0x1] =	stream.indirect.gather [hbm4b:s1+s22], $0x80, s31, s22, $0xb8;
	[tilespmem:$0x1E8C0] =	vst v63  }
0x93: {  	_ =	swait.ge [sflag:s30], $0x4000  }
0x94: {  	[sflag:s30] =	ssyncset.done $0x0  }
0x95: {  	s31 =	simm.s32 $0x13D40;
	[sflag:s30] =	ssyncadd.s32 $0xFFFFC000  }
0x96: {  	[spmem:s3] =	stream.indirect.scatter.add.f32 [tilespmem:s24], [sflag:$0x4], $0x80, s31, s22, $0xb8;
	[tilespmem:$0x1E8C0] =	vst v63  }
0x97: {  	v2 =	vld [tilespmem:$0x13D40];
	_ =	sdelay $0x7  }
0x98: {  	[tilespmem:v2+s26+$0x0] =	vst.idx.add.f32.msk $0xffff, v1  }
0x99: {  	v2 =	vld [tilespmem:$0x13D50];
	_ =	sdelay $0x7  }
0x9a: {  	[tilespmem:v2+s26+$0x0] =	vst.idx.add.f32.msk $0xffff, v1  }
0x9b: {  	v2 =	vld [tilespmem:$0x13D60];
	_ =	sdelay $0x7  }
0x9c: {  	[tilespmem:v2+s26+$0x0] =	vst.idx.add.f32.msk $0xffff, v1  }
0x9d: {  	v2 =	vld [tilespmem:$0x13D70];
	_ =	sdelay $0x7  }
0x9e: {  	[tilespmem:v2+s26+$0x0] =	vst.idx.add.f32.msk $0xffff, v1  }
0x9f: {  	v2 =	vld [tilespmem:$0x13D80];
	_ =	sdelay $0x7  }
0xa0: {  	[tilespmem:v2+s26+$0x0] =	vst.idx.add.f32.msk $0xffff, v1  }
0xa1: {  	v2 =	vld [tilespmem:$0x13D90];
	_ =	sdelay $0x7  }
0xa2: {  	[tilespmem:v2+s26+$0x0] =	vst.idx.add.f32.msk $0xffff, v1  }
0xa3: {  	v2 =	vld [tilespmem:$0x13DA0];
	_ =	sdelay $0x7  }
0xa4: {  	[tilespmem:v2+s26+$0x0] =	vst.idx.add.f32.msk $0xffff, v1  }
0xa5: {  	v2 =	vld [tilespmem:$0x13DB0];
	_ =	sdelay $0x7  }
0xa6: {  	[tilespmem:v2+s26+$0x0] =	vst.idx.add.f32.msk $0xffff, v1  }
0xa7: {  	_ =	swait.ge [sflag:s2], $0x4000  }
0xa8: {  	[sflag:s2] =	ssyncset.done $0x0  }
0xa9: {  	[sflag:s2] =	ssyncadd.s32 $0xFFFFC000  }
0xaa: {  	[tilespmem:s24], [sflag:$0x2] =	stream.indirect.gather [hbm4b:s1+s22], $0x80, s0, s22, $0xb8;
	[tilespmem:$0x1E8C0] =	vst v63  }
0xab: {  	_ =	swait.ge [sflag:s25], $0x4000  }
0xac: {  	[sflag:s25] =	ssyncset.done $0x0  }
0xad: {  	[sflag:s25] =	ssyncadd.s32 $0xFFFFC000  }
0xae: {  	[spmem:s3] =	stream.indirect.scatter.add.f32 [tilespmem:s18], [sflag:$0x3], $0x80, s7, s22, $0xb8;
	[tilespmem:$0x1E8C0] =	vst v63  }
0xaf: {  	v2 =	vld [tilespmem:$0x13DC0];
	_ =	sdelay $0x7  }
0xb0: {  	[tilespmem:v2+s26+$0x0] =	vst.idx.add.f32.msk $0xffff, v1  }
0xb1: {  	v2 =	vld [tilespmem:$0x13DD0];
	_ =	sdelay $0x7  }
0xb2: {  	[tilespmem:v2+s26+$0x0] =	vst.idx.add.f32.msk $0xffff, v1  }
0xb3: {  	v2 =	vld [tilespmem:$0x13DE0];
	_ =	sdelay $0x7  }
0xb4: {  	[tilespmem:v2+s26+$0x0] =	vst.idx.add.f32.msk $0xffff, v1  }
0xb5: {  	v2 =	vld [tilespmem:$0x13DF0];
	_ =	sdelay $0x7  }
0xb6: {  	[tilespmem:v2+s26+$0x0] =	vst.idx.add.f32.msk $0xffff, v1  }
0xb7: {  	v2 =	vld [tilespmem:$0x13E00];
	_ =	sdelay $0x7  }
0xb8: {  	[tilespmem:v2+s26+$0x0] =	vst.idx.add.f32.msk $0xffff, v1  }
0xb9: {  	v2 =	vld [tilespmem:$0x13E10];
	_ =	sdelay $0x7  }
0xba: {  	[tilespmem:v2+s26+$0x0] =	vst.idx.add.f32.msk $0xffff, v1  }
0xbb: {  	v2 =	vld [tilespmem:$0x13E20];
	_ =	sdelay $0x7  }
0xbc: {  	[tilespmem:v2+s26+$0x0] =	vst.idx.add.f32.msk $0xffff, v1  }
0xbd: {  	v2 =	vld [tilespmem:$0x13E30];
	_ =	sdelay $0x7  }
0xbe: {  	[tilespmem:v2+s26+$0x0] =	vst.idx.add.f32.msk $0xffff, v1  }
0xbf: {  	_ =	swait.ge [sflag:s28], $0x4000  }
0xc0: {  	[sflag:s28] =	ssyncset.done $0x0  }
0xc1: {  	[sflag:s28] =	ssyncadd.s32 $0xFFFFC000  }
0xc2: {  	[tilespmem:s18], [sflag:$0x1] =	stream.indirect.gather [hbm4b:s1+s22], $0x80, s8, s22, $0xb8;
	[tilespmem:$0x1E8C0] =	vst v63  }
0xc3: {  	_ =	swait.ge [sflag:s30], $0x4000  }
0xc4: {  	[sflag:s30] =	ssyncset.done $0x0  }
0xc5: {  	[sflag:s30] =	ssyncadd.s32 $0xFFFFC000  }
0xc6: {  	[spmem:s3] =	stream.indirect.scatter.add.f32 [tilespmem:s24], [sflag:$0x4], $0x80, s9, s22, $0xb8;
	[tilespmem:$0x1E8C0] =	vst v63  }
0xc7: {  	v2 =	vld [tilespmem:$0x13E40];
	_ =	sdelay $0x7  }
0xc8: {  	[tilespmem:v2+s26+$0x0] =	vst.idx.add.f32.msk $0xffff, v1  }
0xc9: {  	v2 =	vld [tilespmem:$0x13E50];
	_ =	sdelay $0x7  }
0xca: {  	[tilespmem:v2+s26+$0x0] =	vst.idx.add.f32.msk $0xffff, v1  }
0xcb: {  	v2 =	vld [tilespmem:$0x13E60];
	_ =	sdelay $0x7  }
0xcc: {  	[tilespmem:v2+s26+$0x0] =	vst.idx.add.f32.msk $0xffff, v1  }
0xcd: {  	v2 =	vld [tilespmem:$0x13E70];
	_ =	sdelay $0x7  }
0xce: {  	[tilespmem:v2+s26+$0x0] =	vst.idx.add.f32.msk $0xffff, v1  }
0xcf: {  	v2 =	vld [tilespmem:$0x13E80];
	_ =	sdelay $0x7  }
0xd0: {  	[tilespmem:v2+s26+$0x0] =	vst.idx.add.f32.msk $0xffff, v1  }
0xd1: {  	v2 =	vld [tilespmem:$0x13E90];
	_ =	sdelay $0x7  }
0xd2: {  	[tilespmem:v2+s26+$0x0] =	vst.idx.add.f32.msk $0xffff, v1  }
0xd3: {  	v2 =	vld [tilespmem:$0x13EA0];
	_ =	sdelay $0x7  }
0xd4: {  	[tilespmem:v2+s26+$0x0] =	vst.idx.add.f32.msk $0xffff, v1  }
0xd5: {  	v2 =	vld [tilespmem:$0x13EB0];
	_ =	sdelay $0x7  }
0xd6: {  	[tilespmem:v2+s26+$0x0] =	vst.idx.add.f32.msk $0xffff, v1  }
0xd7: {  	_ =	swait.ge [sflag:s2], $0x4000  }
0xd8: {  	[sflag:s2] =	ssyncset.done $0x0  }
0xd9: {  	[sflag:s2] =	ssyncadd.s32 $0xFFFFC000  }
0xda: {  	[tilespmem:s24], [sflag:$0x2] =	stream.indirect.gather [hbm4b:s1+s22], $0x80, s10, s22, $0xb8;
	[tilespmem:$0x1E8C0] =	vst v63  }
0xdb: {  	_ =	swait.ge [sflag:s25], $0x4000  }
0xdc: {  	[sflag:s25] =	ssyncset.done $0x0  }
0xdd: {  	[sflag:s25] =	ssyncadd.s32 $0xFFFFC000  }
0xde: {  	[spmem:s3] =	stream.indirect.scatter.add.f32 [tilespmem:s18], [sflag:$0x3], $0x80, s12, s22, $0xb8;
	[tilespmem:$0x1E8C0] =	vst v63  }
0xdf: {  	v2 =	vld [tilespmem:$0x13EC0];
	_ =	sdelay $0x7  }
0xe0: {  	[tilespmem:v2+s26+$0x0] =	vst.idx.add.f32.msk $0xffff, v1  }
0xe1: {  	v2 =	vld [tilespmem:$0x13ED0];
	_ =	sdelay $0x7  }
0xe2: {  	[tilespmem:v2+s26+$0x0] =	vst.idx.add.f32.msk $0xffff, v1  }
0xe3: {  	v2 =	vld [tilespmem:$0x13EE0];
	_ =	sdelay $0x7  }
0xe4: {  	[tilespmem:v2+s26+$0x0] =	vst.idx.add.f32.msk $0xffff, v1  }
0xe5: {  	v2 =	vld [tilespmem:$0x13EF0];
	_ =	sdelay $0x7  }
0xe6: {  	[tilespmem:v2+s26+$0x0] =	vst.idx.add.f32.msk $0xffff, v1  }
0xe7: {  	v2 =	vld [tilespmem:$0x13F00];
	_ =	sdelay $0x7  }
0xe8: {  	[tilespmem:v2+s26+$0x0] =	vst.idx.add.f32.msk $0xffff, v1  }
0xe9: {  	v2 =	vld [tilespmem:$0x13F10];
	_ =	sdelay $0x7  }
0xea: {  	[tilespmem:v2+s26+$0x0] =	vst.idx.add.f32.msk $0xffff, v1  }
0xeb: {  	v2 =	vld [tilespmem:$0x13F20];
	_ =	sdelay $0x7  }
0xec: {  	[tilespmem:v2+s26+$0x0] =	vst.idx.add.f32.msk $0xffff, v1  }
0xed: {  	v2 =	vld [tilespmem:$0x13F30];
	_ =	sdelay $0x7  }
0xee: {  	[tilespmem:v2+s26+$0x0] =	vst.idx.add.f32.msk $0xffff, v1  }
0xef: {  	_ =	swait.ge [sflag:s28], $0x4000  }
0xf0: {  	[sflag:s28] =	ssyncset.done $0x0  }
0xf1: {  	[sflag:s28] =	ssyncadd.s32 $0xFFFFC000  }
0xf2: {  	[tilespmem:s18], [sflag:$0x1] =	stream.indirect.gather [hbm4b:s1+s22], $0x80, s13, s22, $0xb8;
	[tilespmem:$0x1E8C0] =	vst v63  }
0xf3: {  	_ =	swait.ge [sflag:s30], $0x4000  }
0xf4: {  	[sflag:s30] =	ssyncset.done $0x0  }
0xf5: {  	[sflag:s30] =	ssyncadd.s32 $0xFFFFC000  }
0xf6: {  	[spmem:s3] =	stream.indirect.scatter.add.f32 [tilespmem:s24], [sflag:$0x4], $0x80, s14, s22, $0xb8;
	[tilespmem:$0x1E8C0] =	vst v63  }
0xf7: {  	v2 =	vld [tilespmem:$0x13F40];
	_ =	sdelay $0x7  }
0xf8: {  	[tilespmem:v2+s26+$0x0] =	vst.idx.add.f32.msk $0xffff, v1  }
0xf9: {  	v2 =	vld [tilespmem:$0x13F50];
	_ =	sdelay $0x7  }
0xfa: {  	[tilespmem:v2+s26+$0x0] =	vst.idx.add.f32.msk $0xffff, v1  }
0xfb: {  	v2 =	vld [tilespmem:$0x13F60];
	_ =	sdelay $0x7  }
0xfc: {  	[tilespmem:v2+s26+$0x0] =	vst.idx.add.f32.msk $0xffff, v1  }
0xfd: {  	v2 =	vld [tilespmem:$0x13F70];
	_ =	sdelay $0x7  }
0xfe: {  	[tilespmem:v2+s26+$0x0] =	vst.idx.add.f32.msk $0xffff, v1  }
0xff: {  	v2 =	vld [tilespmem:$0x13F80];
	_ =	sdelay $0x7  }
0x100: {  	[tilespmem:v2+s26+$0x0] =	vst.idx.add.f32.msk $0xffff, v1  }
0x101: {  	v2 =	vld [tilespmem:$0x13F90];
	_ =	sdelay $0x7  }
0x102: {  	[tilespmem:v2+s26+$0x0] =	vst.idx.add.f32.msk $0xffff, v1  }
0x103: {  	v2 =	vld [tilespmem:$0x13FA0];
	_ =	sdelay $0x7  }
0x104: {  	[tilespmem:v2+s26+$0x0] =	vst.idx.add.f32.msk $0xffff, v1  }
0x105: {  	v2 =	vld [tilespmem:$0x13FB0];
	_ =	sdelay $0x7  }
0x106: {  	[tilespmem:v2+s26+$0x0] =	vst.idx.add.f32.msk $0xffff, v1  }
0x107: {  	_ =	swait.ge [sflag:s2], $0x4000  }
0x108: {  	[sflag:s2] =	ssyncset.done $0x0  }
0x109: {  	[sflag:s2] =	ssyncadd.s32 $0xFFFFC000  }
0x10a: {  	[tilespmem:s24], [sflag:$0x2] =	stream.indirect.gather [hbm4b:s1+s22], $0x80, s15, s22, $0xb8;
	[tilespmem:$0x1E8C0] =	vst v63  }
0x10b: {  	_ =	swait.ge [sflag:s25], $0x4000  }
0x10c: {  	[sflag:s25] =	ssyncset.done $0x0  }
0x10d: {  	[sflag:s25] =	ssyncadd.s32 $0xFFFFC000  }
0x10e: {  	[spmem:s3] =	stream.indirect.scatter.add.f32 [tilespmem:s18], [sflag:$0x3], $0x80, s16, s22, $0xb8;
	[tilespmem:$0x1E8C0] =	vst v63  }
0x10f: {  	v2 =	vld [tilespmem:$0x13FC0];
	_ =	sdelay $0x7  }
0x110: {  	[tilespmem:v2+s26+$0x0] =	vst.idx.add.f32.msk $0xffff, v1  }
0x111: {  	v2 =	vld [tilespmem:$0x13FD0];
	_ =	sdelay $0x7  }
0x112: {  	[tilespmem:v2+s26+$0x0] =	vst.idx.add.f32.msk $0xffff, v1  }
0x113: {  	v2 =	vld [tilespmem:$0x13FE0];
	_ =	sdelay $0x7  }
0x114: {  	[tilespmem:v2+s26+$0x0] =	vst.idx.add.f32.msk $0xffff, v1  }
0x115: {  	v2 =	vld [tilespmem:$0x13FF0];
	_ =	sdelay $0x7  }
0x116: {  	[tilespmem:v2+s26+$0x0] =	vst.idx.add.f32.msk $0xffff, v1  }
0x117: {  	v2 =	vld [tilespmem:$0x14000];
	_ =	sdelay $0x7  }
0x118: {  	[tilespmem:v2+s26+$0x0] =	vst.idx.add.f32.msk $0xffff, v1  }
0x119: {  	v2 =	vld [tilespmem:$0x14010];
	_ =	sdelay $0x7  }
0x11a: {  	[tilespmem:v2+s26+$0x0] =	vst.idx.add.f32.msk $0xffff, v1  }
0x11b: {  	v2 =	vld [tilespmem:$0x14020];
	_ =	sdelay $0x7  }
0x11c: {  	[tilespmem:v2+s26+$0x0] =	vst.idx.add.f32.msk $0xffff, v1  }
0x11d: {  	v2 =	vld [tilespmem:$0x14030];
	_ =	sdelay $0x7  }
0x11e: {  	[tilespmem:v2+s26+$0x0] =	vst.idx.add.f32.msk $0xffff, v1  }
0x11f: {  	_ =	swait.ge [sflag:s30], $0x4000  }
0x120: {  	[sflag:s30] =	ssyncset.done $0x0  }
0x121: {  	[sflag:s30] =	ssyncadd.s32 $0xFFFFC000  }
0x122: {  	[spmem:s3] =	stream.indirect.scatter.add.f32 [tilespmem:s24], [sflag:$0x4], $0x80, s17, s22, $0xb8;
	[tilespmem:$0x1E8C0] =	vst v63  }
0x123: {  	v2 =	vld [tilespmem:$0x14040];
	_ =	sdelay $0x7  }
0x124: {  	[tilespmem:v2+s26+$0x0] =	vst.idx.add.f32.msk $0xffff, v1  }
0x125: {  	v2 =	vld [tilespmem:$0x14050];
	_ =	sdelay $0x7  }
0x126: {  	[tilespmem:v2+s26+$0x0] =	vst.idx.add.f32.msk $0xffff, v1  }
0x127: {  	v2 =	vld [tilespmem:$0x14060];
	_ =	sdelay $0x7  }
0x128: {  	[tilespmem:v2+s26+$0x0] =	vst.idx.add.f32.msk $0xffff, v1  }
0x129: {  	v2 =	vld [tilespmem:$0x14070];
	_ =	sdelay $0x7  }
0x12a: {  	[tilespmem:v2+s26+$0x0] =	vst.idx.add.f32.msk $0xffff, v1  }
0x12b: {  	v2 =	vld [tilespmem:$0x14080];
	_ =	sdelay $0x7  }
0x12c: {  	[tilespmem:v2+s26+$0x0] =	vst.idx.add.f32.msk $0xffff, v1  }
0x12d: {  	v2 =	vld [tilespmem:$0x14090];
	_ =	sdelay $0x7  }
0x12e: {  	[tilespmem:v2+s26+$0x0] =	vst.idx.add.f32.msk $0xffff, v1  }
0x12f: {  	v2 =	vld [tilespmem:$0x140A0];
	_ =	sdelay $0x7  }
0x130: {  	[tilespmem:v2+s26+$0x0] =	vst.idx.add.f32.msk $0xffff, v1  }
0x131: {  	v2 =	vld [tilespmem:$0x140B0];
	_ =	sdelay $0x7  }
0x132: {  	[tilespmem:v2+s26+$0x0] =	vst.idx.add.f32.msk $0xffff, v1  }
0x133: {  	_ =	swait.ge [sflag:s28], $0x4000  }
.Ltmp7:
0x134: {  	[sflag:s28] =	ssyncset.done $0x0;
	(pc) =	sbr.rel .LBB2_8-.Ltmp7, $4  }
0x135: {  	[sflag:s28] =	ssyncadd.s32 $0xFFFFC000  }
0x136: {  	_ =	swait.ge [sflag:s2], $0x4000  }
0x137: {  	[sflag:s2] =	ssyncset.done $0x0  }
0x138: {  	[sflag:s2] =	ssyncadd.s32 $0xFFFFC000  }
.LBB2_10:
0x139: {  	_ =	sfence.sel $0x180000  }
0x13a: {  	[bflag:$0x0] =	sbarrier.arrive $0xFFFF  }
0x13b: {  	_ =	strace $0x90000047  }
0x13c: {  	s0 =	stileid.u32;
	[bflag:$0x2] =	sbarrier.arrive $0xFFFF  }
0x13d: {  	p0 =	sne.s32 s0, $0x0;
	s0 =	rddreg [dreg:$0x3]  }
0x13e: {  	s0 =	sadd.s32 @!p0 $0x100000, s0  }
0x13f: {  	[sflag:s0] =	ssyncadd.tile.s32 @!p0 $0x1;
	_ =	shalt  }
.Lfunc_end2:
_tile_overlayer_lowered:
.L_overlay_start_2:
0x140: {  	(tag) =	ssettag $0x2  }
0x141: {  	s0 =	rddreg [dreg:$0x0];
	s2 =	stileid.u32  }
0x142: {  	s1 =	rddreg [dreg:$0x1];
	p0 =	sne.s32 s2, $0x0  }
0x143: {  	s3 =	rddreg [dreg:$0x2];
	[bflag:$0x3] =	sbarrier.arrive $0xFFFF;
	s2 =	simm.s32 @!p0 $0x1C05  }
0x144: {  	[timem:s3], [sflag:s2] =	dma.local @!p0 [hbm:s0], s1  }
0x145: {  	s0 =	simm.s32 @!p0 $0x5  }
0x146: {  	_ =	swait.ge @!p0 [sflag:s0], s1  }
0x147: {  	s1 =	ssub.s32 @!p0 $0x0, s1;
	[sflag:s0] =	ssyncset.done @!p0 $0x0  }
0x148: {  	[sflag:s0] =	ssyncadd.s32 @!p0 s1  }
0x149: {  	[bflag:$0x3] =	sbarrier.arrive $0xFFFF  }
0x14a: {  	_ =	shalt  }

// kernel: kernel.9.cloned.1.call-start
scs
__scs_entry_jumppad:
0x0: {  	(pc) =	sbr.rel $0x88, $3  }
0x1: {  	(tag) =	ssettag $0x0;
	lr =	simm.s32 $0x1  }
0x2: {  	[smem:$0x3F99] =	sst lr;
	_ =	strace $0xD0000000  }
0x3: {  	_ = 	snop  }
0x4: {  	_ = 	snop  }
0x5: {  	_ = 	snop  }
0x6: {  	_ = 	snop  }
0x7: {  	_ = 	snop  }
__scs_overlays_trampoline_lowered:
0x8: {  	[smem:$0x3FA8] =	sst s0  }
0x9: {  	[smem:$0x3FA9] =	sst s1  }
0xa: {  	[smem:$0x3FAA] =	sst s2  }
0xb: {  	[smem:$0x3FAB] =	sst s3  }
0xc: {  	[smem:$0x3FAC] =	sst s4  }
0xd: {  	[smem:$0x3FAD] =	sst s5  }
0xe: {  	[smem:$0x3FAE] =	sst s6  }
0xf: {  	[smem:$0x3FAF] =	sst s7  }
0x10: {  	[smem:$0x3FB0] =	sst s8  }
0x11: {  	[smem:$0x3FB1] =	sst s9;
	s0 =	simm.s32 @!p0 $0x0  }
0x12: {  	s1 =	sld [smem:$0x3F97];
	s0 =	simm.s32 @p0 $0x1  }
0x13: {  	[smem:$0x3FB2] =	sst s0;
	s0 =	simm.s32 @!p1 $0x0  }
0x14: {  	s2 =	sld [smem:$0x3F96];
	s0 =	simm.s32 @p1 $0x1  }
0x15: {  	[smem:$0x3FB3] =	sst s0;
	s0 =	simm.s32 @!p2 $0x0  }
0x16: {  	s3 =	sld [smem:$0x3FDB];
	s0 =	simm.s32 @p2 $0x1  }
0x17: {  	s4 =	simm.s32 $0x1BF5;
	[smem:$0x3FB5] =	sst s0  }
0x18: {  	s0 =	sld [smem:$0x3F98];
	_ =	swait.ge [sflag:s4], $0x0  }
0x19: {  	s7 =	sld [smem:$0x3F99]  }
0x1a: {  	s8 =	sadd.s32 $0xFFFFE003, lr  }
0x1b: {  	s9 =	sadd.s32 $0xFFFFFEF7, lr;
	s5 =	simm.s32 $0xFFFFFFFF;
	p2 =	slt.u32 s8, $0xFFFFF086  }
0x1c: {  	p1 =	slt.u32 s9, $0xF7A;
	s5 =	simm.s32 @!p2 $0x0  }
0x1d: {  	s5 =	simm.s32 @p1 $0x1;
	p0 =	seq.s32 s7, s2  }
0x1e: {  	s7 =	smul.u32 @!p0 $0xF7A, s2;
	p2 =	seq.s32 @!p0 s5, $0x0  }
0x1f: {  	s9 =	smul.u32 $0xF7A, s1;
	s8 =	simm.s32 @!p0 $0x1BF5;
	p2 =	por !p2, p0  }
0x20: {  	[sflag:s8] =	ssyncset.s32 @!p0 $0xFFFFF086;
	s6 =	sadd.s32 @!p0 s3, s7;
	s7 =	simm.s32 @!p0 $0x108  }
0x21: {  	s3 =	sadd.s32 s3, s9;
	s6 =	sadd.s32 @!p0 $0x88, s6;
	s7 =	simm.s32 @p2 $0x1082  }
0x22: {  	[simem:s7], [sflag:s8] =	dma.local @!p0 [hbm:s6], $0xF7A  }
0x23: {  	s9 =	sor.u32 $0xD0000000, s2;
	s6 =	simm.s32 $0x108;
	_ =	swait.ge @!p0 [sflag:s8], $0x0  }
0x24: {  	s3 =	sadd.s32 $0x88, s3;
	s6 =	simm.s32 @!p1 $0x1082;
	[sflag:s4] =	ssyncset.s32 $0xFFFFF086  }
0x25: {  	[simem:s6], [sflag:s4] =	dma.local [hbm:s3], $0xF7A  }
0x26: {  	[smem:$0x3F99] =	sst s1;
	(tag) =	ssettag s2;
	_ =	strace s9  }
0x27: {  	s1 =	sld [smem:$0x3FA9]  }
0x28: {  	s2 =	sld [smem:$0x3FAA]  }
0x29: {  	s4 =	sld [smem:$0x3FAC]  }
0x2a: {  	p0 =	seq.s32 s5, $0x0;
	s5 =	sld [smem:$0x3FAD]  }
0x2b: {  	s6 =	sld [smem:$0x3FAE]  }
0x2c: {  	s7 =	sld [smem:$0x3FAF]  }
0x2d: {  	s3 =	simm.s32 $0x108;
	s8 =	sld [smem:$0x3FB0]  }
0x2e: {  	s3 =	simm.s32 @!p0 $0x1082;
	s9 =	sld [smem:$0x3FB1]  }
0x2f: {  	lr =	sadd.s32 s0, s3;
	s0 =	sld [smem:$0x3FA8]  }
0x30: {  	s3 =	sld [smem:$0x3FAB]  }
0x31: {  	[smem:$0x3FB4] =	sst s10  }
0x32: {  	s10 =	sld [smem:$0x3FB2];
	_ =	sdelay $0x3  }
0x33: {  	p0 =	seq.s32 s10, $0x1;
	s10 =	sld [smem:$0x3FB4];
	_ =	sdelay $0x3  }
0x34: {  	[smem:$0x3FB4] =	sst s10  }
0x35: {  	s10 =	sld [smem:$0x3FB3];
	_ =	sdelay $0x3  }
0x36: {  	p1 =	seq.s32 s10, $0x1;
	s10 =	sld [smem:$0x3FB4];
	_ =	sdelay $0x3  }
0x37: {  	[smem:$0x3FB4] =	sst s10  }
0x38: {  	s10 =	sld [smem:$0x3FB5]  }
0x39: {  	_ = 	snop;
	(pc) =	sbr.ind lr, $3  }
0x3a: {  	_ = 	snop  }
0x3b: {  	_ = 	snop  }
0x3c: {  	p2 =	seq.s32 s10, $0x1;
	s10 =	sld [smem:$0x3FB4]  }
0x3d: {  	_ =	shalt  }
0x3e: {  	_ =	shalt  }
0x3f: {  	_ =	shalt  }
0x40: {  	_ =	shalt  }
0x41: {  	_ =	shalt  }
0x42: {  	_ =	shalt  }
0x43: {  	_ =	shalt  }
0x44: {  	_ =	shalt  }
0x45: {  	_ =	shalt  }
0x46: {  	_ =	shalt  }
0x47: {  	_ =	shalt  }
0x48: {  	_ =	shalt  }
0x49: {  	_ =	shalt  }
0x4a: {  	_ =	shalt  }
0x4b: {  	_ =	shalt  }
0x4c: {  	_ =	shalt  }
0x4d: {  	_ =	shalt  }
0x4e: {  	_ =	shalt  }
0x4f: {  	_ =	shalt  }
0x50: {  	_ =	shalt  }
0x51: {  	_ =	shalt  }
0x52: {  	_ =	shalt  }
0x53: {  	_ =	shalt  }
0x54: {  	_ =	shalt  }
0x55: {  	_ =	shalt  }
0x56: {  	_ =	shalt  }
0x57: {  	_ =	shalt  }
0x58: {  	_ =	shalt  }
0x59: {  	_ =	shalt  }
0x5a: {  	_ =	shalt  }
0x5b: {  	_ =	shalt  }
0x5c: {  	_ =	shalt  }
0x5d: {  	_ =	shalt  }
0x5e: {  	_ =	shalt  }
0x5f: {  	_ =	shalt  }
0x60: {  	_ =	shalt  }
0x61: {  	_ =	shalt  }
0x62: {  	_ =	shalt  }
0x63: {  	_ =	shalt  }
0x64: {  	_ =	shalt  }
0x65: {  	_ =	shalt  }
0x66: {  	_ =	shalt  }
0x67: {  	_ =	shalt  }
0x68: {  	_ =	shalt  }
0x69: {  	_ =	shalt  }
0x6a: {  	_ =	shalt  }
0x6b: {  	_ =	shalt  }
0x6c: {  	_ =	shalt  }
0x6d: {  	_ =	shalt  }
0x6e: {  	_ =	shalt  }
0x6f: {  	_ =	shalt  }
0x70: {  	_ =	shalt  }
0x71: {  	_ =	shalt  }
0x72: {  	_ =	shalt  }
0x73: {  	_ =	shalt  }
0x74: {  	_ =	shalt  }
0x75: {  	_ =	shalt  }
0x76: {  	_ =	shalt  }
0x77: {  	_ =	shalt  }
0x78: {  	_ =	shalt  }
0x79: {  	_ =	shalt  }
0x7a: {  	_ =	shalt  }
0x7b: {  	_ =	shalt  }
0x7c: {  	_ =	shalt  }
0x7d: {  	_ =	shalt  }
0x7e: {  	_ =	shalt  }
0x7f: {  	_ =	shalt  }
0x80: {  	_ =	shalt  }
0x81: {  	_ =	shalt  }
0x82: {  	_ =	shalt  }
0x83: {  	_ =	shalt  }
0x84: {  	_ =	shalt  }
0x85: {  	_ =	shalt  }
0x86: {  	_ =	shalt  }
0x87: {  	_ =	shalt  }
.Lfunc_end0:
.L_simem_size_0:
called_computation.1_lowered:
.L_overlay_start_0:
0x88: {  	s2 =	sld [smem:$0x3FD9]  }
0x89: {  	s3 =	sld [smem:$0x3FFE];
	_ =	sdelay $0x1  }
0x8a: {  	s1 =	srdreg.scid  }
0x8b: {  	s0 =	sand.u32 $0x1, s1  }
0x8c: {  	s17 =	sshll.u32 s0, $0xA;
	s2 =	sadd.s32 s3, s2  }
0x8d: {  	s2 =	sadd.s32 s2, s17  }
0x8e: {  	[smem:$0x3FC0] =	sst s2  }
0x8f: {  	_ = 	snop  }
0x90: {  	s2 =	sld [smem:$0x3FD0];
	(tm) =	ssettm $0x1  }
0x91: {  	s18 =	sld [smem:$0x3FFB];
	_ =	sdelay $0x3  }
0x92: {  	_ =	strace s18  }
0x93: {  	s3 =	sld [smem:$0x3FFC];
	_ =	sdelay $0x3  }
0x94: {  	_ =	strace s3  }
0x95: {  	s3 =	sld [smem:$0x3FFD];
	_ =	sdelay $0x3  }
0x96: {  	_ =	strace s3  }
0x97: {  	_ =	strace $0x8FFFFFFF  }
0x98: {  	s19 =	sld [smem:$0x3FDB];
	_ =	sdelay $0x1  }
0x99: {  	s4 =	simm.s32 $_scs_section_size  }
0x9a: {  	s5 =	simm.s32 $_size__tile_overlayer_lowered;
	s6 =	simm.s32 $_tile_overlayer_lowered  }
0x9b: {  	s22 =	simm.s32 $0x1BFF;
	s21 =	sshll.u32 s6, $0x1;
	s3 =	sadd.s32 s4, s19  }
0x9c: {  	s7 =	simm.s32 $0x0;
	s20 =	sshll.u32 s5, $0x1;
	s5 =	sadd.s32 s21, s3  }
0x9d: {  	[timem:s7], [sflag:s22] =	dma.local [hbm:s5], s20  }
0x9e: {  	_ =	swait.ge [sflag:s22], s20  }
0x9f: {  	s4 =	ssub.s32 $0x0, s20;
	[sflag:s22] =	ssyncset.done $0x0  }
0xa0: {  	[sflag:s22] =	ssyncadd.s32 s4;
	_ =	sdelay $0x1  }
0xa1: {  	s23 =	simm.s32 $0x1B8B  }
0xa2: {  	_ =	swait.ge [sflag:s23], $0x1  }
0xa3: {  	[sflag:s23] =	ssyncset.done $0x0  }
0xa4: {  	s25 =	simm.s32 $0x1B8E;
	s24 =	sld [smem:$0x3FFE];
	[sflag:s23] =	ssyncadd.s32 $0xFFFFFFFF  }
0xa5: {  	s26 =	simm.s32 $execute0_lowered;
	[smem:$0x3FD2] =	sst s25  }
0xa6: {  	s5 =	sshll.u32 s26, $0x1;
	_ =	strace $0x80000049;
	[dreg:$0x1] =	wrdreg $0xFFFFFFFF  }
0xa7: {  	s28 =	simm.s32 $_size_execute0_lowered;
	s3 =	sadd.s32 s3, s5;
	[dreg:$0x0] =	wrdreg $0x0  }
0xa8: {  	s5 =	sshll.u32 s28, $0x1;
	[dreg:$0x2] =	wrdreg s3  }
0xa9: {  	[dreg:$0x3] =	wrdreg s5  }
0xaa: {  	[dreg:$0x4] =	wrdreg $0xC0  }
0xab: {  	_ =	task [dreg:s7], $0x5FFFF  }
0xac: {  	[dreg:$0x1] =	wrdreg $0xFFFFFFFF  }
0xad: {  	[dreg:$0x0] =	wrdreg $0x60  }
0xae: {  	[dreg:$0x2] =	wrdreg s2  }
0xaf: {  	[dreg:$0x3] =	wrdreg s24  }
0xb0: {  	[dreg:$0x4] =	wrdreg $0x0  }
0xb1: {  	[dreg:$0x5] =	wrdreg $0x9  }
0xb2: {  	_ =	task.clear_ibuf [dreg:s7], $0x6FFFF;
	_ =	strace $0x90000049  }
0xb3: {  	s29 =	simm.s32 $0x9;
	_ =	strace $0x8000004B  }
0xb4: {  	_ =	swait.ge [sflag:s29], $0x1  }
0xb5: {  	[sflag:s29] =	ssyncadd.s32 $0xFFFFFFFF  }
0xb6: {  	_ =	strace $0x9000004B  }
0xb7: {  	_ =	sfence  }
0xb8: {  	s30 =	sld [smem:$0x0];
	_ =	sdelay $0x2  }
0xb9: {  	s31 =	sshll.u32 s1, $0xD;
	s1 =	sshrl.u32 s1, $0x2  }
0xba: {  	s3 =	sand.u32 $0x4000, s31;
	s1 =	sadd.s32 s1, s30  }
0xbb: {  	s0 =	sor.u32 s3, s0;
	s1 =	sshll.u32 s1, $0x11  }
0xbc: {  	s0 =	sor.u32 s1, s0  }
0xbd: {  	s0 =	sadd.s32 $0x8F2B, s0  }
0xbe: {  	[sflag:s0] =	ssyncadd.remote.s32 $0x1  }
0xbf: {  	_ =	sfence.sel $0xFFFF  }
0xc0: {  	[dreg:$0x0] =	wrdreg $0xFFFFFFFF;
	(pc) =	sbr.abs _section_cstart, $3  }
0xc1: {  	[dreg:$0x1] =	wrdreg $0xFFFFFFFF  }
0xc2: {  	_ =	task.clear_ibuf [dreg:s7], $0x2FFFF;
	_ =	strace $0x9FFFFFFF  }
0xc3: {  	(tm) =	ssettm $0x7FFFFFFF  }
tec
execute0_lowered:
.L_overlay_start_1:
0x0: {  	(tag) =	ssettag $0x1  }
0x1: {  	s1 =	rddreg [dreg:$0x0]  }
0x2: {  	s0 =	srdreg.scid;
	s2 =	rddreg [dreg:$0x1]  }
0x3: {  	s11 =	stileid.u32;
	s3 =	rddreg [dreg:$0x2]  }
0x4: {  	s4 =	simm.s32 $0x0;
	s17 =	simm.s32 $0x140C0;
	s28 =	simm.s32 $0x2  }
0x5: {  	s29 =	simm.s32 $0x13D40;
	s30 =	simm.s32 $0x4;
	s31 =	simm.s32 $0x13A40  }
0x6: {  	s12 =	simm.s32 $0x13F40;
	s13 =	simm.s32 $0x13C40;
	s5 =	smul.u32 $0x12, s11  }
0x7: {  	s14 =	simm.s32 $0x13FC0;
	s15 =	simm.s32 $0x14040;
	s8 =	smul.u32 $0x4E000, s11  }
0x8: {  	s0 =	sand.u32 $0x1, s0;
	s6 =	sshll.u32 s11, $0x1;
	s21 =	smul.u32 $0x13800, s11  }
0x9: {  	[smem:$0x7FF] =	sst s4;
	s26 =	sadd.s32 $0x138000, s3;
	s7 =	smul.u32 $0x9, s0  }
0xa: {  	s6 =	sor.u32 s0, s6;
	_ =	strace $0x8000004A;
	s19 =	ssub.s32 $0x2, s0  }
0xb: {  	s0 =	smul.u32 $0x138800, s0;
	[dreg:$0x9] =	wrdreg s26;
	s26 =	simm.s32 $0x139C0  }
0xc: {  	s18 =	smin.u32 s6, $0x19;
	s10 =	sshrl.u32 s19, $0x1;
	s20 =	sshrl.u32 s8, $0x2  }
0xd: {  	p0 =	slt.u32 s6, $0x19;
	s5 =	sadd.s32 s7, s5;
	s16 =	sadd.s32 s20, s3  }
0xe: {  	s7 =	ssub.s32 s19, s10;
	s6 =	sadd.s32 s21, s0;
	s0 =	sshrl.u32 s0, $0x3  }
0xf: {  	s19 =	simm.s32 $0x138C0;
	s22 =	sadd.s32 $0x4000, s16;
	[dreg:$0x4] =	wrdreg s16  }
0x10: {  	s20 =	simm.s32 $0x13CC0;
	s23 =	sadd.s32 $0x8000, s16;
	[dreg:$0x5] =	wrdreg s22  }
0x11: {  	s21 =	simm.s32 $0x80;
	s24 =	sadd.s32 $0xC000, s16;
	[dreg:$0x6] =	wrdreg s23  }
0x12: {  	s5 =	sadd.s32 s18, s5;
	s25 =	sadd.s32 $0x10000, s16;
	[dreg:$0x7] =	wrdreg s24  }
0x13: {  	s6 =	sshrl.u32 s6, $0x3;
	s7 =	smax.u32 s7, $0x1;
	[dreg:$0x8] =	wrdreg s25  }
0x14: {  	s18 =	simm.s32 $0x5;
	s5 =	sshll.u32 s5, $0x7;
	[dreg:$0xc] =	wrdreg s7  }
0x15: {  	s22 =	simm.s32 $0x13940;
	s23 =	simm.s32 $0x180C0;
	s24 =	simm.s32 $0x1  }
0x16: {  	s25 =	simm.s32 $0x3;
	s9 =	sadd.s32 s5, s2;
	s5 =	simm.s32 $0xA  }
0x17: {  	s7 =	simm.s32 $0x13E40;
	s2 =	sadd.s32 $0x16200, s2;
	s5 =	simm.s32 @!p0 $0x9  }
0x18: {  	s6 =	sadd.s32 s2, s6;
	s0 =	sadd.s32 s2, s0;
	s8 =	sadd.s32 $0xC400, s9  }
.Ltmp0:
0x19: {  	s10 =	sadd.s32 $0x2600, s9;
	[dreg:$0xa] =	wrdreg s6;
	(pc) =	sbr.rel .LBB2_1-.Ltmp0, $4  }
0x1a: {  	p0 =	sne.s32 s11, $0xF;
	s2 =	simm.s32 $0x13DC0;
	[dreg:$0xd] =	wrdreg s8  }
0x1b: {  	s9 =	simm.s32 $0x13EC0;
	s11 =	simm.s32 $0x0;
	[dreg:$0xe] =	wrdreg s10  }
0x1c: {  	s0 =	sadd.s32 $0x27000, s0;
	s8 =	simm.s32 $0x13B40;
	[dreg:$0xf] =	wrdreg s11  }
0x1d: {  	v0 =	vimm.f32 $0.0e+00;
	s10 =	simm.s32 $0x13BC0;
	[dreg:$0xb] =	wrdreg s0;
	s0 =	simm.s32 $0x13AC0  }
.LBB2_7:
0x1e: {  	s6 =	stileid.u32;
	[bflag:$0x0] =	sbarrier.arrive $0xFFFF  }
0x1f: {  	s6 =	sshll.u32 s6, $0x6;
	s16 =	rddreg [dreg:$0x4]  }
0x20: {  	s22 =	rddreg [dreg:$0xa];
	s6 =	sor.u32 $0x1C05, s6;
	s11 =	sshrl.u32 s16, $0x3  }
0x21: {  	[hbm:s22], [sflag:s6] =	dma.local [spmem:s11], $0x2700  }
0x22: {  	_ =	swait.ge [sflag:s18], $0x2700  }
0x23: {  	[sflag:s18] =	ssyncset.done $0x0;
	s11 =	rddreg [dreg:$0x9]  }
0x24: {  	s22 =	rddreg [dreg:$0xb];
	[sflag:s18] =	ssyncadd.s32 $0xFFFFD900;
	s11 =	sshrl.u32 @!p0 s11, $0x3  }
0x25: {  	[hbm:s22], [sflag:s6] =	dma.local @!p0 [spmem:s11], $0x100  }
0x26: {  	s6 =	simm.s32 @!p0 $0x5  }
0x27: {  	_ =	swait.ge @!p0 [sflag:s6], $0x100  }
0x28: {  	s26 =	rddreg [dreg:$0xf]  }
0x29: {  	s11 =	rddreg [dreg:$0xc];
	s26 =	sadd.s32 $0x1, s26  }
0x2a: {  	p1 =	sne.s32 s26, s11  }
.Ltmp1:
0x2b: {  	_ = 	snop;
	(pc) =	sbr.rel @!p1 .LBB2_8-.Ltmp1, $3  }
0x2c: {  	_ =	sdelay $0x1  }
0x2d: {  	s22 =	simm.s32 $0x13940;
	[sflag:s6] =	ssyncset.done @!p0 $0x0  }
0x2e: {  	[sflag:s6] =	ssyncadd.s32 @!p0 $0xFFFFFF00;
	[dreg:$0xf] =	wrdreg s26;
	s26 =	simm.s32 $0x139C0  }
.LBB2_1:
0x2f: {  	s6 =	simm.s32 $0x0;
	s11 =	simm.s32 $0x200  }
.LBB2_2:
0x30: {  	p1 =	sne.s32 s11, $0xFE00;
	[tilespmem:s6+$0x14130] =	vst v0  }
0x31: {  	[tilespmem:s6+$0x140C0] =	vst v0  }
0x32: {  	[tilespmem:s6+$0x140D0] =	vst v0  }
.Ltmp2:
0x33: {  	[tilespmem:s6+$0x140E0] =	vst v0;
	(pc) =	sbr.rel @p1 .LBB2_2-.Ltmp2, $4  }
0x34: {  	[tilespmem:s6+$0x140F0] =	vst v0  }
0x35: {  	[tilespmem:s6+$0x14100] =	vst v0  }
0x36: {  	[tilespmem:s6+$0x14110] =	vst v0  }
0x37: {  	[tilespmem:s6+$0x14120] =	vst v0;
	s6 =	sshra.s32 s11, $0x2;
	s11 =	sadd.s32 $0x200, s11  }
0x38: {  	[tilespmem:s6+$0x14130] =	vst v0  }
0x39: {  	[tilespmem:s6+$0x140C0] =	vst v0  }
0x3a: {  	[tilespmem:s6+$0x140D0] =	vst v0  }
0x3b: {  	[tilespmem:s6+$0x140E0] =	vst v0  }
0x3c: {  	[tilespmem:s6+$0x140F0] =	vst v0  }
0x3d: {  	[tilespmem:s6+$0x14100] =	vst v0  }
0x3e: {  	[tilespmem:s6+$0x14110] =	vst v0  }
0x3f: {  	[tilespmem:s6+$0x14120] =	vst v0  }
0x40: {  	[spmem:s16] =	stream.linear.scatter [tilespmem:s17], [sflag:$0x5], $0x4000, $0x38;
	[tilespmem:$0x1C0C0] =	vst v63  }
0x41: {  	_ =	swait.ge [sflag:s18], $0x4000  }
0x42: {  	[sflag:s18] =	ssyncset.done $0x0  }
0x43: {  	s11 =	rddreg [dreg:$0x5];
	[sflag:s18] =	ssyncadd.s32 $0xFFFFC000  }
0x44: {  	[spmem:s11] =	stream.linear.scatter [tilespmem:s17], [sflag:$0x5], $0x4000, $0x38;
	[tilespmem:$0x1C0C0] =	vst v63  }
0x45: {  	_ =	swait.ge [sflag:s18], $0x4000  }
0x46: {  	[sflag:s18] =	ssyncset.done $0x0  }
0x47: {  	s16 =	rddreg [dreg:$0x6];
	[sflag:s18] =	ssyncadd.s32 $0xFFFFC000  }
0x48: {  	[spmem:s16] =	stream.linear.scatter [tilespmem:s17], [sflag:$0x5], $0x4000, $0x38;
	[tilespmem:$0x1C0C0] =	vst v63  }
0x49: {  	_ =	swait.ge [sflag:s18], $0x4000  }
0x4a: {  	[sflag:s18] =	ssyncset.done $0x0  }
0x4b: {  	s11 =	rddreg [dreg:$0x7];
	[sflag:s18] =	ssyncadd.s32 $0xFFFFC000  }
0x4c: {  	[spmem:s11] =	stream.linear.scatter [tilespmem:s17], [sflag:$0x5], $0x4000, $0x38;
	[tilespmem:$0x1C0C0] =	vst v63  }
0x4d: {  	_ =	swait.ge [sflag:s18], $0x4000  }
0x4e: {  	[sflag:s18] =	ssyncset.done $0x0  }
0x4f: {  	s16 =	rddreg [dreg:$0x8];
	[sflag:s18] =	ssyncadd.s32 $0xFFFFC000  }
0x50: {  	[spmem:s16] =	stream.linear.scatter [tilespmem:s17], [sflag:$0x5], $0x3800, $0x38;
	[tilespmem:$0x1C0C0] =	vst v63  }
0x51: {  	_ =	swait.ge [sflag:s18], $0x3800  }
0x52: {  	[sflag:s18] =	ssyncset.done $0x0  }
0x53: {  	s6 =	simm.s32 @!p0 $0x140C0;
	s11 =	rddreg [dreg:$0x9];
	[sflag:s18] =	ssyncadd.s32 $0xFFFFC800  }
0x54: {  	[spmem:s11] =	stream.linear.scatter @!p0 [tilespmem:s6], [sflag:$0x5], $0x800, $0x38;
	[tilespmem:$0x1C0C0] =	vst v63  }
0x55: {  	s6 =	simm.s32 @!p0 $0x5  }
0x56: {  	_ =	swait.ge @!p0 [sflag:s6], $0x800  }
.Ltmp3:
0x57: {  	[sflag:s6] =	ssyncset.done @!p0 $0x0;
	(pc) =	sbr.rel .LBB2_4-.Ltmp3, $4  }
0x58: {  	[sflag:s6] =	ssyncadd.s32 @!p0 $0xFFFFF800  }
0x59: {  	[bflag:$0x0] =	sbarrier.arrive $0xFFFF  }
0x5a: {  	s6 =	rddreg [dreg:$0xe]  }
0x5b: {  	s11 =	simm.s32 $0x0;
	s16 =	rddreg [dreg:$0xd]  }
.LBB2_6:
0x5c: {  	s11 =	sadd.s32 $0x1, s11  }
0x5d: {  	p1 =	sne.s32 s11, $0xA  }
.Ltmp4:
0x5e: {  	_ = 	snop;
	(pc) =	sbr.rel @!p1 .LBB2_7-.Ltmp4, $2  }
0x5f: {  	_ =	sdelay $0x2  }
0x60: {  	s16 =	sadd.s32 $0x80, s16;
	s6 =	sadd.s32 $0x80, s6  }
.LBB2_4:
0x61: {  	p1 =	sge.u32 s11, s5  }
.Ltmp5:
0x62: {  	_ = 	snop;
	(pc) =	sbr.rel @p1 .LBB2_6-.Ltmp5, $1  }
0x63: {  	_ =	sdelay $0x3  }
0x64: {  	[tilespmem:s19], [sflag:$0x5] =	stream.linear.gather [hbm4b:s16+s4], $0x400, $0x38;
	[tilespmem:$0x1C0C0] =	vst v63  }
0x65: {  	_ =	swait.ge [sflag:s18], $0x400  }
0x66: {  	[sflag:s18] =	ssyncset.done $0x0  }
0x67: {  	[sflag:s18] =	ssyncadd.s32 $0xFFFFFC00  }
0x68: {  	[tilespmem:s20], [sflag:$0x5] =	stream.linear.gather [hbm4b:s6+s4], $0x400, $0x38;
	[tilespmem:$0x1C0C0] =	vst v63  }
0x69: {  	_ =	swait.ge [sflag:s18], $0x400  }
0x6a: {  	[sflag:s18] =	ssyncset.done $0x0  }
0x6b: {  	[sflag:s18] =	ssyncadd.s32 $0xFFFFFC00  }
0x6c: {  	[tilespmem:s17], [sflag:$0x1] =	stream.indirect.gather [hbm4b:s1+s21], $0x80, s19, s21, $0xb8;
	[tilespmem:$0x1C0C0] =	vst v63  }
0x6d: {  	_ = 	snop  }
0x6e: {  	[tilespmem:s23], [sflag:$0x2] =	stream.indirect.gather [hbm4b:s1+s21], $0x80, s22, s21, $0xb8;
	[tilespmem:$0x1C0C0] =	vst v63  }
0x6f: {  	_ =	swait.ge [sflag:s24], $0x4000  }
0x70: {  	[sflag:s24] =	ssyncset.done $0x0  }
0x71: {  	[sflag:s24] =	ssyncadd.s32 $0xFFFFC000  }
0x72: {  	[spmem:s3] =	stream.indirect.scatter.add.f32 [tilespmem:s17], [sflag:$0x3], $0x80, s20, s21, $0xb8;
	[tilespmem:$0x1C0C0] =	vst v63  }
0x73: {  	_ =	swait.ge [sflag:s25], $0x4000  }
0x74: {  	[sflag:s25] =	ssyncset.done $0x0  }
0x75: {  	[sflag:s25] =	ssyncadd.s32 $0xFFFFC000  }
0x76: {  	[tilespmem:s17], [sflag:$0x1] =	stream.indirect.gather [hbm4b:s1+s21], $0x80, s26, s21, $0xb8;
	[tilespmem:$0x1C0C0] =	vst v63  }
0x77: {  	_ =	swait.ge [sflag:s28], $0x4000  }
0x78: {  	[sflag:s28] =	ssyncset.done $0x0  }
0x79: {  	[sflag:s28] =	ssyncadd.s32 $0xFFFFC000  }
0x7a: {  	[spmem:s3] =	stream.indirect.scatter.add.f32 [tilespmem:s23], [sflag:$0x4], $0x80, s29, s21, $0xb8;
	[tilespmem:$0x1C0C0] =	vst v63  }
0x7b: {  	_ =	swait.ge [sflag:s30], $0x4000  }
0x7c: {  	[sflag:s30] =	ssyncset.done $0x0  }
0x7d: {  	[sflag:s30] =	ssyncadd.s32 $0xFFFFC000  }
0x7e: {  	[tilespmem:s23], [sflag:$0x2] =	stream.indirect.gather [hbm4b:s1+s21], $0x80, s31, s21, $0xb8;
	[tilespmem:$0x1C0C0] =	vst v63  }
0x7f: {  	_ =	swait.ge [sflag:s24], $0x4000  }
0x80: {  	[sflag:s24] =	ssyncset.done $0x0  }
0x81: {  	[sflag:s24] =	ssyncadd.s32 $0xFFFFC000  }
0x82: {  	[spmem:s3] =	stream.indirect.scatter.add.f32 [tilespmem:s17], [sflag:$0x3], $0x80, s2, s21, $0xb8;
	[tilespmem:$0x1C0C0] =	vst v63  }
0x83: {  	_ =	swait.ge [sflag:s25], $0x4000  }
0x84: {  	[sflag:s25] =	ssyncset.done $0x0  }
0x85: {  	[sflag:s25] =	ssyncadd.s32 $0xFFFFC000  }
0x86: {  	[tilespmem:s17], [sflag:$0x1] =	stream.indirect.gather [hbm4b:s1+s21], $0x80, s0, s21, $0xb8;
	[tilespmem:$0x1C0C0] =	vst v63  }
0x87: {  	_ =	swait.ge [sflag:s28], $0x4000  }
0x88: {  	[sflag:s28] =	ssyncset.done $0x0  }
0x89: {  	[sflag:s28] =	ssyncadd.s32 $0xFFFFC000  }
0x8a: {  	[spmem:s3] =	stream.indirect.scatter.add.f32 [tilespmem:s23], [sflag:$0x4], $0x80, s7, s21, $0xb8;
	[tilespmem:$0x1C0C0] =	vst v63  }
0x8b: {  	_ =	swait.ge [sflag:s30], $0x4000  }
0x8c: {  	[sflag:s30] =	ssyncset.done $0x0  }
0x8d: {  	[sflag:s30] =	ssyncadd.s32 $0xFFFFC000  }
0x8e: {  	[tilespmem:s23], [sflag:$0x2] =	stream.indirect.gather [hbm4b:s1+s21], $0x80, s8, s21, $0xb8;
	[tilespmem:$0x1C0C0] =	vst v63  }
0x8f: {  	_ =	swait.ge [sflag:s24], $0x4000  }
0x90: {  	[sflag:s24] =	ssyncset.done $0x0  }
0x91: {  	[sflag:s24] =	ssyncadd.s32 $0xFFFFC000  }
0x92: {  	[spmem:s3] =	stream.indirect.scatter.add.f32 [tilespmem:s17], [sflag:$0x3], $0x80, s9, s21, $0xb8;
	[tilespmem:$0x1C0C0] =	vst v63  }
0x93: {  	_ =	swait.ge [sflag:s25], $0x4000  }
0x94: {  	[sflag:s25] =	ssyncset.done $0x0  }
0x95: {  	[sflag:s25] =	ssyncadd.s32 $0xFFFFC000  }
0x96: {  	[tilespmem:s17], [sflag:$0x1] =	stream.indirect.gather [hbm4b:s1+s21], $0x80, s10, s21, $0xb8;
	[tilespmem:$0x1C0C0] =	vst v63  }
0x97: {  	_ =	swait.ge [sflag:s28], $0x4000  }
0x98: {  	[sflag:s28] =	ssyncset.done $0x0  }
0x99: {  	[sflag:s28] =	ssyncadd.s32 $0xFFFFC000  }
0x9a: {  	[spmem:s3] =	stream.indirect.scatter.add.f32 [tilespmem:s23], [sflag:$0x4], $0x80, s12, s21, $0xb8;
	[tilespmem:$0x1C0C0] =	vst v63  }
0x9b: {  	_ =	swait.ge [sflag:s30], $0x4000  }
0x9c: {  	[sflag:s30] =	ssyncset.done $0x0  }
0x9d: {  	[sflag:s30] =	ssyncadd.s32 $0xFFFFC000  }
0x9e: {  	[tilespmem:s23], [sflag:$0x2] =	stream.indirect.gather [hbm4b:s1+s21], $0x80, s13, s21, $0xb8;
	[tilespmem:$0x1C0C0] =	vst v63  }
0x9f: {  	_ =	swait.ge [sflag:s24], $0x4000  }
0xa0: {  	[sflag:s24] =	ssyncset.done $0x0  }
0xa1: {  	[sflag:s24] =	ssyncadd.s32 $0xFFFFC000  }
0xa2: {  	[spmem:s3] =	stream.indirect.scatter.add.f32 [tilespmem:s17], [sflag:$0x3], $0x80, s14, s21, $0xb8;
	[tilespmem:$0x1C0C0] =	vst v63  }
0xa3: {  	_ =	swait.ge [sflag:s28], $0x4000  }
0xa4: {  	[sflag:s28] =	ssyncset.done $0x0  }
0xa5: {  	[sflag:s28] =	ssyncadd.s32 $0xFFFFC000  }
0xa6: {  	[spmem:s3] =	stream.indirect.scatter.add.f32 [tilespmem:s23], [sflag:$0x4], $0x80, s15, s21, $0xb8;
	[tilespmem:$0x1C0C0] =	vst v63  }
0xa7: {  	_ =	swait.ge [sflag:s25], $0x4000  }
.Ltmp6:
0xa8: {  	[sflag:s25] =	ssyncset.done $0x0;
	(pc) =	sbr.rel .LBB2_6-.Ltmp6, $4  }
0xa9: {  	[sflag:s25] =	ssyncadd.s32 $0xFFFFC000  }
0xaa: {  	_ =	swait.ge [sflag:s30], $0x4000  }
0xab: {  	[sflag:s30] =	ssyncset.done $0x0  }
0xac: {  	[sflag:s30] =	ssyncadd.s32 $0xFFFFC000  }
.LBB2_8:
0xad: {  	_ =	sfence.sel $0x180000  }
0xae: {  	[bflag:$0x0] =	sbarrier.arrive $0xFFFF  }
0xaf: {  	_ =	strace $0x9000004A  }
0xb0: {  	s0 =	stileid.u32;
	[bflag:$0x2] =	sbarrier.arrive $0xFFFF  }
0xb1: {  	p0 =	sne.s32 s0, $0x0;
	s0 =	rddreg [dreg:$0x3]  }
0xb2: {  	s0 =	sadd.s32 @!p0 $0x100000, s0  }
0xb3: {  	[sflag:s0] =	ssyncadd.tile.s32 @!p0 $0x1;
	_ =	shalt  }
.Lfunc_end2:
_tile_overlayer_lowered:
.L_overlay_start_2:
0xb4: {  	(tag) =	ssettag $0x2  }
0xb5: {  	s0 =	rddreg [dreg:$0x0];
	s2 =	stileid.u32  }
0xb6: {  	s1 =	rddreg [dreg:$0x1];
	p0 =	sne.s32 s2, $0x0  }
0xb7: {  	s3 =	rddreg [dreg:$0x2];
	[bflag:$0x3] =	sbarrier.arrive $0xFFFF;
	s2 =	simm.s32 @!p0 $0x1C05  }
0xb8: {  	[timem:s3], [sflag:s2] =	dma.local @!p0 [hbm:s0], s1  }
0xb9: {  	s0 =	simm.s32 @!p0 $0x5  }
0xba: {  	_ =	swait.ge @!p0 [sflag:s0], s1  }
0xbb: {  	s1 =	ssub.s32 @!p0 $0x0, s1;
	[sflag:s0] =	ssyncset.done @!p0 $0x0  }
0xbc: {  	[sflag:s0] =	ssyncadd.s32 @!p0 s1  }
0xbd: {  	[bflag:$0x3] =	sbarrier.arrive $0xFFFF  }
0xbe: {  	_ =	shalt  }

</sc_bundles>
